<compile_context>
chip_gen: v7x
topology: tpu7x:2x2x1
jax: 0.10.2.dev20260603
libtpu: 0.0.44.dev20260713+nightly
codegen_flags: <defaults>
</compile_context>

<pallas_src>
import functools

import jax
import jax.numpy as jnp
from jax import lax
from jax.experimental import pallas as pl
from jax.experimental.pallas import tpu as pltpu
from jax.experimental.pallas import tpu_sc as plsc

VOCAB = 1000000
EMBED = 16
NUM_CLASSES = 2
BATCH = 16384
TOTAL_IDX = BATCH * 2
SR = VOCAB // 8

_info = plsc.get_sparse_core_info()
_NC, _NS = _info.num_cores, _info.num_subcores
_NW = _NC * _NS
_PER_W = TOTAL_IDX // _NW
_NCHUNK = 4
_CH = _PER_W // _NCHUNK
_NG = _CH // 16

_mesh = plsc.VectorSubcoreMesh(core_axis_name="c", subcore_axis_name="s")


@functools.partial(
    pl.kernel,
    mesh=_mesh,
    out_type=jax.ShapeDtypeStruct((TOTAL_IDX,), jnp.float32),
    scratch_types=[
        pltpu.VMEM((_PER_W,), jnp.int32),
        pltpu.VMEM((_CH,), jnp.int32),
        pltpu.VMEM((_CH,), jnp.int32),
        pltpu.VMEM((_CH,), jnp.int32),
        pltpu.VMEM((_CH,), jnp.int32),
        pltpu.VMEM((_CH, 128), jnp.float32),
        pltpu.VMEM((_CH, 128), jnp.float32),
        pltpu.VMEM((_PER_W,), jnp.float32),
        pltpu.VMEM((2 * 16 * 16,), jnp.float32),
        pltpu.VMEM((16,), jnp.float32),
        pltpu.VMEM((32,), jnp.float32),
        pltpu.SemaphoreType.DMA,
        pltpu.SemaphoreType.DMA,
    ],
    compiler_params=pltpu.CompilerParams(needs_layout_passes=False),
)
def _sc_fused(table2_hbm, idx_hbm, w_hbm, bias_hbm, out_hbm,
              idx_v, big0, big1, big2, big3, rows_a, rows_b,
              out_v, w_v, bias_v, tmp_v, sem_a, sem_b):
    wid = lax.axis_index("s") * _NC + lax.axis_index("c")
    base = wid * _PER_W

    pltpu.sync_copy(idx_hbm.at[pl.ds(base, _PER_W)], idx_v)
    pltpu.sync_copy(w_hbm, w_v)
    pltpu.sync_copy(bias_hbm, bias_v)

    bigs = (big0, big1, big2, big3)
    for c in range(_NCHUNK):
        def _big_body(i, _, c=c):
            v = idx_v[pl.ds(c * _CH + i * 16, 16)]
            bigs[c][pl.ds(i * 16, 16)] = lax.shift_right_logical(v, 3)
            return 0
        lax.fori_loop(0, _CH // 16, _big_body, 0)

    bufs = (rows_a, rows_b)
    sems = (sem_a, sem_b)
    copies = [None] * _NCHUNK

    def _issue(c):
        copies[c] = pltpu.async_copy(
            table2_hbm.at[bigs[c]], bufs[c % 2], sems[c % 2])

    _issue(0)
    _issue(1)

    lane = lax.iota(jnp.int32, 16)
    even = (lane & 1) == 0
    perm_a = lane ^ 1
    perm_b = perm_a + 16
    bias = bias_v[pl.ds(0, 16)]

    for c in range(_NCHUNK):
        copies[c].wait()
        if c + 2 < _NCHUNK:
            _issue(c + 2)
        rows = bufs[c % 2]

        def _group_body(g, _, c=c, rows=rows):
            j0 = c * _CH + g * 16
            iv = idx_v[pl.ds(j0, 16)]
            off = (iv & 7) * 16
            rowid = g * 16 + lane
            acc0 = jnp.zeros((16,), jnp.float32)
            acc1 = jnp.zeros((16,), jnp.float32)
            for k in range(EMBED):
                col = off + ((lane + k) & 15)
                val = plsc.load_gather(rows, [rowid, col])
                acc0 = acc0 + val * w_v[pl.ds(k * 16, 16)]
                acc1 = acc1 + val * w_v[pl.ds(256 + k * 16, 16)]
            tmp_v[pl.ds(0, 16)] = acc0
            tmp_v[pl.ds(16, 16)] = acc1
            q0 = plsc.load_gather(tmp_v, [perm_a])
            q1 = plsc.load_gather(tmp_v, [perm_b])
            out_v[pl.ds(j0, 16)] = (
                jnp.where(even, acc0 + q0, acc1 + q1) + bias)
            return 0

        lax.fori_loop(0, _NG, _group_body, 0)

    pltpu.sync_copy(out_v, out_hbm.at[pl.ds(base, _PER_W)])


@jax.jit
def kernel(x, embedding, fc_w, fc_b):
    xf = x.reshape(-1).astype(jnp.int32)
    table2 = jnp.transpose(
        embedding.T.reshape(EMBED, SR, 8), (1, 2, 0)).reshape(SR, 128)
    w = fc_w.astype(jnp.float32)
    lane = jnp.arange(16)
    k = jnp.arange(16)[:, None]
    col = (lane & 1) * 16 + ((k + lane) & 15)
    w_rot = jnp.concatenate(
        [w[0][col].reshape(-1), w[1][col].reshape(-1)])
    bias_v = jnp.tile(fc_b.astype(jnp.float32), 8)
    out = _sc_fused(table2, xf, w_rot, bias_v)
    return out.reshape(BATCH, NUM_CLASSES)

# --- scband reference (transcript-rebuilt; emitter-appended) ---
"""Pipeline reference for scband-simple-nlpmodel-44667659878603 (READ-ONLY COPY).

The authoritative reference and input builder live on the scoring server;
editing this copy changes nothing except your own understanding.
"""

import jax, jax.numpy as jnp
import numpy as np

VOCAB = 1000000
EMBED = 16
NUM_CLASSES = 2
BATCH = 16384

def setup_inputs(seed: int = 0) -> dict:
    key = jax.random.key(seed)
    k1, k2, k3, k4 = jax.random.split(key, 4)
    x = jax.random.randint(k1, (BATCH, 2), 0, VOCAB, dtype=jnp.int64) if jax.config.jax_enable_x64 else jax.random.randint(k1, (BATCH, 2), 0, VOCAB, dtype=jnp.int32)
    embedding = jax.random.normal(k2, (VOCAB, EMBED), dtype=jnp.float32)
    fc_w = jax.random.normal(k3, (NUM_CLASSES, EMBED * 2), dtype=jnp.float32) * (1.0 / np.sqrt(EMBED * 2))
    fc_b = jax.random.normal(k4, (NUM_CLASSES,), dtype=jnp.float32) * 0.01
    return {"x": x, "embedding": embedding, "fc_w": fc_w, "fc_b": fc_b}

def reference(x, embedding, fc_w, fc_b):
    # embeds = self.embedding(x)  -> gather rows
    embeds = jnp.take(embedding, x, axis=0)          # [B, 2, EMBED]
    embeds = embeds.reshape(embeds.shape[0], -1)     # [B, 2*EMBED]
    out = embeds @ fc_w.T + fc_b                     # [B, NUM_CLASSES]
    return out

if __name__ == "__main__":
    import jax
    _d = setup_inputs()
    print(jax.jit(kernel)(*tuple(_d.values())))

</pallas_src>

<mosaic_0001>
#map = affine_map<(d0, d1) -> (0, 0)>
#map1 = affine_map<(d0, d1) -> (0)>
module attributes {stable_mosaic.version = 14 : i64} {
  func.func @_sc_fused(%arg0: i32, %arg1: i32, %arg2: memref<125000x128xf32, #tpu.memory_space<hbm>>, %arg3: memref<32768xi32, #tpu.memory_space<hbm>>, %arg4: memref<512xf32, #tpu.memory_space<hbm>>, %arg5: memref<16xf32, #tpu.memory_space<hbm>>, %arg6: memref<32768xf32, #tpu.memory_space<hbm>>, %arg7: memref<1024xi32, #tpu.memory_space<vmem>>, %arg8: memref<256xi32, #tpu.memory_space<vmem>>, %arg9: memref<256xi32, #tpu.memory_space<vmem>>, %arg10: memref<256xi32, #tpu.memory_space<vmem>>, %arg11: memref<256xi32, #tpu.memory_space<vmem>>, %arg12: memref<256x128xf32, #tpu.memory_space<vmem>>, %arg13: memref<256x128xf32, #tpu.memory_space<vmem>>, %arg14: memref<1024xf32, #tpu.memory_space<vmem>>, %arg15: memref<512xf32, #tpu.memory_space<vmem>>, %arg16: memref<16xf32, #tpu.memory_space<vmem>>, %arg17: memref<32xf32, #tpu.memory_space<vmem>>, %arg18: memref<!tpu.dma_semaphore, #tpu.memory_space<semaphore_mem>>, %arg19: memref<!tpu.dma_semaphore, #tpu.memory_space<semaphore_mem>>) attributes {dimension_semantics = [#tpu.dimension_semantics<core_parallel>, #tpu.dimension_semantics<subcore_parallel>], iteration_bounds = array<i64: 2, 16>, scalar_prefetch = 0 : i64, scratch_operands = 13 : i64, tpu.core_type = #tpu.core_type<sc_vector_subcore>, window_params = [{transform_indices = #map}, {transform_indices = #map1}, {transform_indices = #map1}, {transform_indices = #map1}, {transform_indices = #map1}]} {
    %mul3A = arith.constant 2 : i32
    %mul3A_0 = arith.muli %arg1, %mul3A : i32
    %add3A = arith.addi %mul3A_0, %arg0 : i32
    %mul3A_1 = arith.constant 1024 : i32
    %mul3A_2 = arith.muli %add3A, %mul3A_1 : i32
    "tpu.region"() ({
      %run_scoped3A = tpu.sem_alloc : memref<!tpu.dma_semaphore, #tpu.memory_space<semaphore_mem>>
      %dma_start3A_90 = tpu.memref_slice %arg3[%mul3A_2] : memref<32768xi32, #tpu.memory_space<hbm>> -> memref<1024xi32, #tpu.memory_space<hbm>>
      %dma_start3A_91 = tpu.memref_slice %arg3[%mul3A_2] : memref<32768xi32, #tpu.memory_space<hbm>> -> memref<1024xi32, #tpu.memory_space<hbm>>
      tpu.enqueue_dma source(%dma_start3A_91 : memref<1024xi32, #tpu.memory_space<hbm>>) target(%arg7 : memref<1024xi32, #tpu.memory_space<vmem>>) target_semaphore(%run_scoped3A : memref<!tpu.dma_semaphore, #tpu.memory_space<semaphore_mem>>)
      %dma_wait3A_92 = tpu.memref_slice %arg3[%mul3A_2] : memref<32768xi32, #tpu.memory_space<hbm>> -> memref<1024xi32, #tpu.memory_space<hbm>>
      %dma_wait3A_93 = tpu.memref_slice %arg3[%mul3A_2] : memref<32768xi32, #tpu.memory_space<hbm>> -> memref<1024xi32, #tpu.memory_space<hbm>>
      tpu.wait_dma2 semaphore(%run_scoped3A : memref<!tpu.dma_semaphore, #tpu.memory_space<semaphore_mem>>) src(%dma_wait3A_93 : memref<1024xi32, #tpu.memory_space<hbm>>) dst(%arg7 : memref<1024xi32, #tpu.memory_space<vmem>>)
      tpu.yield
    }) : () -> ()
    "tpu.region"() ({
      %run_scoped3A = tpu.sem_alloc : memref<!tpu.dma_semaphore, #tpu.memory_space<semaphore_mem>>
      tpu.enqueue_dma source(%arg4 : memref<512xf32, #tpu.memory_space<hbm>>) target(%arg15 : memref<512xf32, #tpu.memory_space<vmem>>) target_semaphore(%run_scoped3A : memref<!tpu.dma_semaphore, #tpu.memory_space<semaphore_mem>>)
      tpu.wait_dma2 semaphore(%run_scoped3A : memref<!tpu.dma_semaphore, #tpu.memory_space<semaphore_mem>>) src(%arg4 : memref<512xf32, #tpu.memory_space<hbm>>) dst(%arg15 : memref<512xf32, #tpu.memory_space<vmem>>)
      tpu.yield
    }) : () -> ()
    "tpu.region"() ({
      %run_scoped3A = tpu.sem_alloc : memref<!tpu.dma_semaphore, #tpu.memory_space<semaphore_mem>>
      tpu.enqueue_dma source(%arg5 : memref<16xf32, #tpu.memory_space<hbm>>) target(%arg16 : memref<16xf32, #tpu.memory_space<vmem>>) target_semaphore(%run_scoped3A : memref<!tpu.dma_semaphore, #tpu.memory_space<semaphore_mem>>)
      tpu.wait_dma2 semaphore(%run_scoped3A : memref<!tpu.dma_semaphore, #tpu.memory_space<semaphore_mem>>) src(%arg5 : memref<16xf32, #tpu.memory_space<hbm>>) dst(%arg16 : memref<16xf32, #tpu.memory_space<vmem>>)
      tpu.yield
    }) : () -> ()
    %scan3A = arith.constant 0 : i32
    %scan3A_3 = arith.constant 0 : i32
    %scan3A_4 = arith.constant 16 : i32
    %scan3A_5 = arith.addi %scan3A_3, %scan3A_4 : i32
    %scan3A_6 = arith.constant 1 : i32
    %scan3A_7 = scf.for %scan3A_90 = %scan3A_3 to %scan3A_5 step %scan3A_6 iter_args(%scan3A_91 = %scan3A) -> (i32)  : i32 {
      %mul3A_92 = arith.constant 16 : i32
      %mul3A_93 = arith.muli %scan3A_90, %mul3A_92 : i32
      %add3A_94 = arith.constant 0 : i32
      %add3A_95 = arith.addi %add3A_94, %mul3A_93 : i32
      %get3A_96 = arith.index_cast %add3A_95 : i32 to index
      %get3A_97 = tpu.vector_load %arg7[%get3A_96] {strides = array<i32>} : memref<1024xi32, #tpu.memory_space<vmem>>, vector<16xi32>,
      %shift_right_logical3A = arith.constant 3 : i32
      %shift_right_logical3A_98 = vector.broadcast %shift_right_logical3A : i32 to vector<16xi32>
      %shift_right_logical3A_99 = arith.shrui %get3A_97, %shift_right_logical3A_98 : vector<16xi32>
      %mul3A_100 = arith.constant 16 : i32
      %mul3A_101 = arith.muli %scan3A_90, %mul3A_100 : i32
      %swap3A = arith.index_cast %mul3A_101 : i32 to index
      %swap3A_102 = tpu.vector_load %arg8[%swap3A] {strides = array<i32>} : memref<256xi32, #tpu.memory_space<vmem>>, vector<16xi32>,
      tpu.vector_store %arg8[%swap3A], %shift_right_logical3A_99 {strides = array<i32>} : memref<256xi32, #tpu.memory_space<vmem>>, vector<16xi32>,
      %scan3A_103 = arith.constant 0 : i32
      scf.yield %scan3A_103 : i32
    }
    %scan3A_8 = arith.constant 16 : i32
    %scan3A_9 = arith.constant 0 : i32
    %scan3A_10 = arith.constant 0 : i32
    %scan3A_11 = arith.constant 16 : i32
    %scan3A_12 = arith.addi %scan3A_10, %scan3A_11 : i32
    %scan3A_13 = arith.constant 1 : i32
    %scan3A_14 = scf.for %scan3A_90 = %scan3A_10 to %scan3A_12 step %scan3A_13 iter_args(%scan3A_91 = %scan3A_9) -> (i32)  : i32 {
      %mul3A_92 = arith.constant 16 : i32
      %mul3A_93 = arith.muli %scan3A_90, %mul3A_92 : i32
      %add3A_94 = arith.constant 256 : i32
      %add3A_95 = arith.addi %add3A_94, %mul3A_93 : i32
      %get3A_96 = arith.index_cast %add3A_95 : i32 to index
      %get3A_97 = tpu.vector_load %arg7[%get3A_96] {strides = array<i32>} : memref<1024xi32, #tpu.memory_space<vmem>>, vector<16xi32>,
      %shift_right_logical3A = arith.constant 3 : i32
      %shift_right_logical3A_98 = vector.broadcast %shift_right_logical3A : i32 to vector<16xi32>
      %shift_right_logical3A_99 = arith.shrui %get3A_97, %shift_right_logical3A_98 : vector<16xi32>
      %mul3A_100 = arith.constant 16 : i32
      %mul3A_101 = arith.muli %scan3A_90, %mul3A_100 : i32
      %swap3A = arith.index_cast %mul3A_101 : i32 to index
      %swap3A_102 = tpu.vector_load %arg9[%swap3A] {strides = array<i32>} : memref<256xi32, #tpu.memory_space<vmem>>, vector<16xi32>,
      tpu.vector_store %arg9[%swap3A], %shift_right_logical3A_99 {strides = array<i32>} : memref<256xi32, #tpu.memory_space<vmem>>, vector<16xi32>,
      %scan3A_103 = arith.constant 0 : i32
      scf.yield %scan3A_103 : i32
    }
    %scan3A_15 = arith.constant 16 : i32
    %scan3A_16 = arith.constant 0 : i32
    %scan3A_17 = arith.constant 0 : i32
    %scan3A_18 = arith.constant 16 : i32
    %scan3A_19 = arith.addi %scan3A_17, %scan3A_18 : i32
    %scan3A_20 = arith.constant 1 : i32
    %scan3A_21 = scf.for %scan3A_90 = %scan3A_17 to %scan3A_19 step %scan3A_20 iter_args(%scan3A_91 = %scan3A_16) -> (i32)  : i32 {
      %mul3A_92 = arith.constant 16 : i32
      %mul3A_93 = arith.muli %scan3A_90, %mul3A_92 : i32
      %add3A_94 = arith.constant 512 : i32
      %add3A_95 = arith.addi %add3A_94, %mul3A_93 : i32
      %get3A_96 = arith.index_cast %add3A_95 : i32 to index
      %get3A_97 = tpu.vector_load %arg7[%get3A_96] {strides = array<i32>} : memref<1024xi32, #tpu.memory_space<vmem>>, vector<16xi32>,
      %shift_right_logical3A = arith.constant 3 : i32
      %shift_right_logical3A_98 = vector.broadcast %shift_right_logical3A : i32 to vector<16xi32>
      %shift_right_logical3A_99 = arith.shrui %get3A_97, %shift_right_logical3A_98 : vector<16xi32>
      %mul3A_100 = arith.constant 16 : i32
      %mul3A_101 = arith.muli %scan3A_90, %mul3A_100 : i32
      %swap3A = arith.index_cast %mul3A_101 : i32 to index
      %swap3A_102 = tpu.vector_load %arg10[%swap3A] {strides = array<i32>} : memref<256xi32, #tpu.memory_space<vmem>>, vector<16xi32>,
      tpu.vector_store %arg10[%swap3A], %shift_right_logical3A_99 {strides = array<i32>} : memref<256xi32, #tpu.memory_space<vmem>>, vector<16xi32>,
      %scan3A_103 = arith.constant 0 : i32
      scf.yield %scan3A_103 : i32
    }
    %scan3A_22 = arith.constant 16 : i32
    %scan3A_23 = arith.constant 0 : i32
    %scan3A_24 = arith.constant 0 : i32
    %scan3A_25 = arith.constant 16 : i32
    %scan3A_26 = arith.addi %scan3A_24, %scan3A_25 : i32
    %scan3A_27 = arith.constant 1 : i32
    %scan3A_28 = scf.for %scan3A_90 = %scan3A_24 to %scan3A_26 step %scan3A_27 iter_args(%scan3A_91 = %scan3A_23) -> (i32)  : i32 {
      %mul3A_92 = arith.constant 16 : i32
      %mul3A_93 = arith.muli %scan3A_90, %mul3A_92 : i32
      %add3A_94 = arith.constant 768 : i32
      %add3A_95 = arith.addi %add3A_94, %mul3A_93 : i32
      %get3A_96 = arith.index_cast %add3A_95 : i32 to index
      %get3A_97 = tpu.vector_load %arg7[%get3A_96] {strides = array<i32>} : memref<1024xi32, #tpu.memory_space<vmem>>, vector<16xi32>,
      %shift_right_logical3A = arith.constant 3 : i32
      %shift_right_logical3A_98 = vector.broadcast %shift_right_logical3A : i32 to vector<16xi32>
      %shift_right_logical3A_99 = arith.shrui %get3A_97, %shift_right_logical3A_98 : vector<16xi32>
      %mul3A_100 = arith.constant 16 : i32
      %mul3A_101 = arith.muli %scan3A_90, %mul3A_100 : i32
      %swap3A = arith.index_cast %mul3A_101 : i32 to index
      %swap3A_102 = tpu.vector_load %arg11[%swap3A] {strides = array<i32>} : memref<256xi32, #tpu.memory_space<vmem>>, vector<16xi32>,
      tpu.vector_store %arg11[%swap3A], %shift_right_logical3A_99 {strides = array<i32>} : memref<256xi32, #tpu.memory_space<vmem>>, vector<16xi32>,
      %scan3A_103 = arith.constant 0 : i32
      scf.yield %scan3A_103 : i32
    }
    %scan3A_29 = arith.constant 16 : i32
    %dma_start3A = arith.constant 0 : i32
    %dma_start3A_30 = arith.constant 0 : i32
    %dma_start3A_31 = tpu.memref_slice %arg2[%dma_start3A, %dma_start3A_30] : memref<125000x128xf32, #tpu.memory_space<hbm>> -> memref<125000x128xf32, #tpu.memory_space<hbm>>
    tpu.enqueue_indirect_dma source(%dma_start3A_31 : memref<125000x128xf32, #tpu.memory_space<hbm>>) target(%arg12 : memref<256x128xf32, #tpu.memory_space<vmem>>) offsets(%arg8 : memref<256xi32, #tpu.memory_space<vmem>>) semaphore(%arg18 : memref<!tpu.dma_semaphore, #tpu.memory_space<semaphore_mem>>)
    %dma_start3A_32 = arith.constant 0 : i32
    %dma_start3A_33 = arith.constant 0 : i32
    %dma_start3A_34 = tpu.memref_slice %arg2[%dma_start3A_32, %dma_start3A_33] : memref<125000x128xf32, #tpu.memory_space<hbm>> -> memref<125000x128xf32, #tpu.memory_space<hbm>>
    tpu.enqueue_indirect_dma source(%dma_start3A_34 : memref<125000x128xf32, #tpu.memory_space<hbm>>) target(%arg13 : memref<256x128xf32, #tpu.memory_space<vmem>>) offsets(%arg9 : memref<256xi32, #tpu.memory_space<vmem>>) semaphore(%arg19 : memref<!tpu.dma_semaphore, #tpu.memory_space<semaphore_mem>>)
    %iota3A = tpu.iota {dimensions = array<i32: 0>} : vector<16xi32>
    %and3A = arith.constant 1 : i32
    %and3A_35 = vector.broadcast %and3A : i32 to vector<16xi32>
    %and3A_36 = arith.andi %iota3A, %and3A_35 : vector<16xi32>
    %eq3A = arith.constant 0 : i32
    %eq3A_37 = vector.broadcast %eq3A : i32 to vector<16xi32>
    %eq3A_38 = arith.cmpi eq, %and3A_36, %eq3A_37 : vector<16xi32>
    %xor3A = arith.constant 1 : i32
    %xor3A_39 = vector.broadcast %xor3A : i32 to vector<16xi32>
    %xor3A_40 = arith.xori %iota3A, %xor3A_39 : vector<16xi32>
    %add3A_41 = arith.constant 16 : i32
    %add3A_42 = vector.broadcast %add3A_41 : i32 to vector<16xi32>
    %add3A_43 = arith.addi %xor3A_40, %add3A_42 : vector<16xi32>
    %get3A = arith.constant 0 : index
    %get3A_44 = tpu.vector_load %arg16[%get3A] {strides = array<i32>} : memref<16xf32, #tpu.memory_space<vmem>>, vector<16xf32>,
    %dma_wait3A = arith.constant 0 : i32
    %dma_wait3A_45 = arith.constant 0 : i32
    %dma_wait3A_46 = tpu.memref_slice %arg2[%dma_wait3A, %dma_wait3A_45] : memref<125000x128xf32, #tpu.memory_space<hbm>> -> memref<125000x128xf32, #tpu.memory_space<hbm>>
    tpu.wait_indirect_dma semaphore(%arg18 : memref<!tpu.dma_semaphore, #tpu.memory_space<semaphore_mem>>) src(%dma_wait3A_46 : memref<125000x128xf32, #tpu.memory_space<hbm>>) dst(%arg12 : memref<256x128xf32, #tpu.memory_space<vmem>>)
    %dma_start3A_47 = arith.constant 0 : i32
    %dma_start3A_48 = arith.constant 0 : i32
    %dma_start3A_49 = tpu.memref_slice %arg2[%dma_start3A_47, %dma_start3A_48] : memref<125000x128xf32, #tpu.memory_space<hbm>> -> memref<125000x128xf32, #tpu.memory_space<hbm>>
    tpu.enqueue_indirect_dma source(%dma_start3A_49 : memref<125000x128xf32, #tpu.memory_space<hbm>>) target(%arg12 : memref<256x128xf32, #tpu.memory_space<vmem>>) offsets(%arg10 : memref<256xi32, #tpu.memory_space<vmem>>) semaphore(%arg18 : memref<!tpu.dma_semaphore, #tpu.memory_space<semaphore_mem>>)
    %scan3A_50 = arith.constant 0 : i32
    %scan3A_51 = arith.constant 0 : i32
    %scan3A_52 = arith.constant 16 : i32
    %scan3A_53 = arith.addi %scan3A_51, %scan3A_52 : i32
    %scan3A_54 = arith.constant 1 : i32
    %scan3A_55 = scf.for %scan3A_90 = %scan3A_51 to %scan3A_53 step %scan3A_54 iter_args(%scan3A_91 = %scan3A_50) -> (i32)  : i32 {
      %mul3A_92 = arith.constant 16 : i32
      %mul3A_93 = arith.muli %scan3A_90, %mul3A_92 : i32
      %add3A_94 = arith.constant 0 : i32
      %add3A_95 = arith.addi %add3A_94, %mul3A_93 : i32
      %get3A_96 = arith.index_cast %add3A_95 : i32 to index
      %get3A_97 = tpu.vector_load %arg7[%get3A_96] {strides = array<i32>} : memref<1024xi32, #tpu.memory_space<vmem>>, vector<16xi32>,
      %and3A_98 = arith.constant 7 : i32
      %and3A_99 = vector.broadcast %and3A_98 : i32 to vector<16xi32>
      %and3A_100 = arith.andi %get3A_97, %and3A_99 : vector<16xi32>
      %mul3A_101 = arith.constant 16 : i32
      %mul3A_102 = vector.broadcast %mul3A_101 : i32 to vector<16xi32>
      %mul3A_103 = arith.muli %and3A_100, %mul3A_102 : vector<16xi32>
      %mul3A_104 = arith.constant 16 : i32
      %mul3A_105 = arith.muli %scan3A_90, %mul3A_104 : i32
      %add3A_106 = vector.broadcast %mul3A_105 : i32 to vector<16xi32>
      %add3A_107 = arith.addi %add3A_106, %iota3A : vector<16xi32>
      %broadcast_in_dim3A = arith.constant 0.000000e+00 : f32
      %broadcast_in_dim3A_108 = vector.broadcast %broadcast_in_dim3A : f32 to vector<16xf32>
      %broadcast_in_dim3A_109 = arith.constant 0.000000e+00 : f32
      %broadcast_in_dim3A_110 = vector.broadcast %broadcast_in_dim3A_109 : f32 to vector<16xf32>
      %add3A_111 = arith.constant 0 : i32
      %add3A_112 = vector.broadcast %add3A_111 : i32 to vector<16xi32>
      %add3A_113 = arith.addi %iota3A, %add3A_112 : vector<16xi32>
      %and3A_114 = arith.constant 15 : i32
      %and3A_115 = vector.broadcast %and3A_114 : i32 to vector<16xi32>
      %and3A_116 = arith.andi %add3A_113, %and3A_115 : vector<16xi32>
      %add3A_117 = arith.addi %mul3A_103, %and3A_116 : vector<16xi32>
      %gather3A = tpu.vector_load_idx %arg12[%add3A_107, %add3A_117] : memref<256x128xf32, #tpu.memory_space<vmem>>[vector<16xi32>, vector<16xi32>], vector<16xf32>,
      %get3A_118 = arith.constant 0 : index
      %get3A_119 = tpu.vector_load %arg15[%get3A_118] {strides = array<i32>} : memref<512xf32, #tpu.memory_space<vmem>>, vector<16xf32>,
      %mul3A_120 = arith.mulf %gather3A, %get3A_119 : vector<16xf32>
      %add3A_121 = arith.addf %broadcast_in_dim3A_108, %mul3A_120 : vector<16xf32>
      %get3A_122 = arith.constant 256 : index
      %get3A_123 = tpu.vector_load %arg15[%get3A_122] {strides = array<i32>} : memref<512xf32, #tpu.memory_space<vmem>>, vector<16xf32>,
      %mul3A_124 = arith.mulf %gather3A, %get3A_123 : vector<16xf32>
      %add3A_125 = arith.addf %broadcast_in_dim3A_110, %mul3A_124 : vector<16xf32>
      %add3A_126 = arith.constant 1 : i32
      %add3A_127 = vector.broadcast %add3A_126 : i32 to vector<16xi32>
      %add3A_128 = arith.addi %iota3A, %add3A_127 : vector<16xi32>
      %and3A_129 = arith.constant 15 : i32
      %and3A_130 = vector.broadcast %and3A_129 : i32 to vector<16xi32>
      %and3A_131 = arith.andi %add3A_128, %and3A_130 : vector<16xi32>
      %add3A_132 = arith.addi %mul3A_103, %and3A_131 : vector<16xi32>
      %gather3A_133 = tpu.vector_load_idx %arg12[%add3A_107, %add3A_132] : memref<256x128xf32, #tpu.memory_space<vmem>>[vector<16xi32>, vector<16xi32>], vector<16xf32>,
      %get3A_134 = arith.constant 16 : index
      %get3A_135 = tpu.vector_load %arg15[%get3A_134] {strides = array<i32>} : memref<512xf32, #tpu.memory_space<vmem>>, vector<16xf32>,
      %mul3A_136 = arith.mulf %gather3A_133, %get3A_135 : vector<16xf32>
      %add3A_137 = arith.addf %add3A_121, %mul3A_136 : vector<16xf32>
      %get3A_138 = arith.constant 272 : index
      %get3A_139 = tpu.vector_load %arg15[%get3A_138] {strides = array<i32>} : memref<512xf32, #tpu.memory_space<vmem>>, vector<16xf32>,
      %mul3A_140 = arith.mulf %gather3A_133, %get3A_139 : vector<16xf32>
      %add3A_141 = arith.addf %add3A_125, %mul3A_140 : vector<16xf32>
      %add3A_142 = arith.constant 2 : i32
      %add3A_143 = vector.broadcast %add3A_142 : i32 to vector<16xi32>
      %add3A_144 = arith.addi %iota3A, %add3A_143 : vector<16xi32>
      %and3A_145 = arith.constant 15 : i32
      %and3A_146 = vector.broadcast %and3A_145 : i32 to vector<16xi32>
      %and3A_147 = arith.andi %add3A_144, %and3A_146 : vector<16xi32>
      %add3A_148 = arith.addi %mul3A_103, %and3A_147 : vector<16xi32>
      %gather3A_149 = tpu.vector_load_idx %arg12[%add3A_107, %add3A_148] : memref<256x128xf32, #tpu.memory_space<vmem>>[vector<16xi32>, vector<16xi32>], vector<16xf32>,
      %get3A_150 = arith.constant 32 : index
      %get3A_151 = tpu.vector_load %arg15[%get3A_150] {strides = array<i32>} : memref<512xf32, #tpu.memory_space<vmem>>, vector<16xf32>,
      %mul3A_152 = arith.mulf %gather3A_149, %get3A_151 : vector<16xf32>
      %add3A_153 = arith.addf %add3A_137, %mul3A_152 : vector<16xf32>
      %get3A_154 = arith.constant 288 : index
      %get3A_155 = tpu.vector_load %arg15[%get3A_154] {strides = array<i32>} : memref<512xf32, #tpu.memory_space<vmem>>, vector<16xf32>,
      %mul3A_156 = arith.mulf %gather3A_149, %get3A_155 : vector<16xf32>
      %add3A_157 = arith.addf %add3A_141, %mul3A_156 : vector<16xf32>
      %add3A_158 = arith.constant 3 : i32
      %add3A_159 = vector.broadcast %add3A_158 : i32 to vector<16xi32>
      %add3A_160 = arith.addi %iota3A, %add3A_159 : vector<16xi32>
      %and3A_161 = arith.constant 15 : i32
      %and3A_162 = vector.broadcast %and3A_161 : i32 to vector<16xi32>
      %and3A_163 = arith.andi %add3A_160, %and3A_162 : vector<16xi32>
      %add3A_164 = arith.addi %mul3A_103, %and3A_163 : vector<16xi32>
      %gather3A_165 = tpu.vector_load_idx %arg12[%add3A_107, %add3A_164] : memref<256x128xf32, #tpu.memory_space<vmem>>[vector<16xi32>, vector<16xi32>], vector<16xf32>,
      %get3A_166 = arith.constant 48 : index
      %get3A_167 = tpu.vector_load %arg15[%get3A_166] {strides = array<i32>} : memref<512xf32, #tpu.memory_space<vmem>>, vector<16xf32>,
      %mul3A_168 = arith.mulf %gather3A_165, %get3A_167 : vector<16xf32>
      %add3A_169 = arith.addf %add3A_153, %mul3A_168 : vector<16xf32>
      %get3A_170 = arith.constant 304 : index
      %get3A_171 = tpu.vector_load %arg15[%get3A_170] {strides = array<i32>} : memref<512xf32, #tpu.memory_space<vmem>>, vector<16xf32>,
      %mul3A_172 = arith.mulf %gather3A_165, %get3A_171 : vector<16xf32>
      %add3A_173 = arith.addf %add3A_157, %mul3A_172 : vector<16xf32>
      %add3A_174 = arith.constant 4 : i32
      %add3A_175 = vector.broadcast %add3A_174 : i32 to vector<16xi32>
      %add3A_176 = arith.addi %iota3A, %add3A_175 : vector<16xi32>
      %and3A_177 = arith.constant 15 : i32
      %and3A_178 = vector.broadcast %and3A_177 : i32 to vector<16xi32>
      %and3A_179 = arith.andi %add3A_176, %and3A_178 : vector<16xi32>
      %add3A_180 = arith.addi %mul3A_103, %and3A_179 : vector<16xi32>
      %gather3A_181 = tpu.vector_load_idx %arg12[%add3A_107, %add3A_180] : memref<256x128xf32, #tpu.memory_space<vmem>>[vector<16xi32>, vector<16xi32>], vector<16xf32>,
      %get3A_182 = arith.constant 64 : index
      %get3A_183 = tpu.vector_load %arg15[%get3A_182] {strides = array<i32>} : memref<512xf32, #tpu.memory_space<vmem>>, vector<16xf32>,
      %mul3A_184 = arith.mulf %gather3A_181, %get3A_183 : vector<16xf32>
      %add3A_185 = arith.addf %add3A_169, %mul3A_184 : vector<16xf32>
      %get3A_186 = arith.constant 320 : index
      %get3A_187 = tpu.vector_load %arg15[%get3A_186] {strides = array<i32>} : memref<512xf32, #tpu.memory_space<vmem>>, vector<16xf32>,
      %mul3A_188 = arith.mulf %gather3A_181, %get3A_187 : vector<16xf32>
      %add3A_189 = arith.addf %add3A_173, %mul3A_188 : vector<16xf32>
      %add3A_190 = arith.constant 5 : i32
      %add3A_191 = vector.broadcast %add3A_190 : i32 to vector<16xi32>
      %add3A_192 = arith.addi %iota3A, %add3A_191 : vector<16xi32>
      %and3A_193 = arith.constant 15 : i32
      %and3A_194 = vector.broadcast %and3A_193 : i32 to vector<16xi32>
      %and3A_195 = arith.andi %add3A_192, %and3A_194 : vector<16xi32>
      %add3A_196 = arith.addi %mul3A_103, %and3A_195 : vector<16xi32>
      %gather3A_197 = tpu.vector_load_idx %arg12[%add3A_107, %add3A_196] : memref<256x128xf32, #tpu.memory_space<vmem>>[vector<16xi32>, vector<16xi32>], vector<16xf32>,
      %get3A_198 = arith.constant 80 : index
      %get3A_199 = tpu.vector_load %arg15[%get3A_198] {strides = array<i32>} : memref<512xf32, #tpu.memory_space<vmem>>, vector<16xf32>,
      %mul3A_200 = arith.mulf %gather3A_197, %get3A_199 : vector<16xf32>
      %add3A_201 = arith.addf %add3A_185, %mul3A_200 : vector<16xf32>
      %get3A_202 = arith.constant 336 : index
      %get3A_203 = tpu.vector_load %arg15[%get3A_202] {strides = array<i32>} : memref<512xf32, #tpu.memory_space<vmem>>, vector<16xf32>,
      %mul3A_204 = arith.mulf %gather3A_197, %get3A_203 : vector<16xf32>
      %add3A_205 = arith.addf %add3A_189, %mul3A_204 : vector<16xf32>
      %add3A_206 = arith.constant 6 : i32
      %add3A_207 = vector.broadcast %add3A_206 : i32 to vector<16xi32>
      %add3A_208 = arith.addi %iota3A, %add3A_207 : vector<16xi32>
      %and3A_209 = arith.constant 15 : i32
      %and3A_210 = vector.broadcast %and3A_209 : i32 to vector<16xi32>
      %and3A_211 = arith.andi %add3A_208, %and3A_210 : vector<16xi32>
      %add3A_212 = arith.addi %mul3A_103, %and3A_211 : vector<16xi32>
      %gather3A_213 = tpu.vector_load_idx %arg12[%add3A_107, %add3A_212] : memref<256x128xf32, #tpu.memory_space<vmem>>[vector<16xi32>, vector<16xi32>], vector<16xf32>,
      %get3A_214 = arith.constant 96 : index
      %get3A_215 = tpu.vector_load %arg15[%get3A_214] {strides = array<i32>} : memref<512xf32, #tpu.memory_space<vmem>>, vector<16xf32>,
      %mul3A_216 = arith.mulf %gather3A_213, %get3A_215 : vector<16xf32>
      %add3A_217 = arith.addf %add3A_201, %mul3A_216 : vector<16xf32>
      %get3A_218 = arith.constant 352 : index
      %get3A_219 = tpu.vector_load %arg15[%get3A_218] {strides = array<i32>} : memref<512xf32, #tpu.memory_space<vmem>>, vector<16xf32>,
      %mul3A_220 = arith.mulf %gather3A_213, %get3A_219 : vector<16xf32>
      %add3A_221 = arith.addf %add3A_205, %mul3A_220 : vector<16xf32>
      %add3A_222 = arith.constant 7 : i32
      %add3A_223 = vector.broadcast %add3A_222 : i32 to vector<16xi32>
      %add3A_224 = arith.addi %iota3A, %add3A_223 : vector<16xi32>
      %and3A_225 = arith.constant 15 : i32
      %and3A_226 = vector.broadcast %and3A_225 : i32 to vector<16xi32>
      %and3A_227 = arith.andi %add3A_224, %and3A_226 : vector<16xi32>
      %add3A_228 = arith.addi %mul3A_103, %and3A_227 : vector<16xi32>
      %gather3A_229 = tpu.vector_load_idx %arg12[%add3A_107, %add3A_228] : memref<256x128xf32, #tpu.memory_space<vmem>>[vector<16xi32>, vector<16xi32>], vector<16xf32>,
      %get3A_230 = arith.constant 112 : index
      %get3A_231 = tpu.vector_load %arg15[%get3A_230] {strides = array<i32>} : memref<512xf32, #tpu.memory_space<vmem>>, vector<16xf32>,
      %mul3A_232 = arith.mulf %gather3A_229, %get3A_231 : vector<16xf32>
      %add3A_233 = arith.addf %add3A_217, %mul3A_232 : vector<16xf32>
      %get3A_234 = arith.constant 368 : index
      %get3A_235 = tpu.vector_load %arg15[%get3A_234] {strides = array<i32>} : memref<512xf32, #tpu.memory_space<vmem>>, vector<16xf32>,
      %mul3A_236 = arith.mulf %gather3A_229, %get3A_235 : vector<16xf32>
      %add3A_237 = arith.addf %add3A_221, %mul3A_236 : vector<16xf32>
      %add3A_238 = arith.constant 8 : i32
      %add3A_239 = vector.broadcast %add3A_238 : i32 to vector<16xi32>
      %add3A_240 = arith.addi %iota3A, %add3A_239 : vector<16xi32>
      %and3A_241 = arith.constant 15 : i32
      %and3A_242 = vector.broadcast %and3A_241 : i32 to vector<16xi32>
      %and3A_243 = arith.andi %add3A_240, %and3A_242 : vector<16xi32>
      %add3A_244 = arith.addi %mul3A_103, %and3A_243 : vector<16xi32>
      %gather3A_245 = tpu.vector_load_idx %arg12[%add3A_107, %add3A_244] : memref<256x128xf32, #tpu.memory_space<vmem>>[vector<16xi32>, vector<16xi32>], vector<16xf32>,
      %get3A_246 = arith.constant 128 : index
      %get3A_247 = tpu.vector_load %arg15[%get3A_246] {strides = array<i32>} : memref<512xf32, #tpu.memory_space<vmem>>, vector<16xf32>,
      %mul3A_248 = arith.mulf %gather3A_245, %get3A_247 : vector<16xf32>
      %add3A_249 = arith.addf %add3A_233, %mul3A_248 : vector<16xf32>
      %get3A_250 = arith.constant 384 : index
      %get3A_251 = tpu.vector_load %arg15[%get3A_250] {strides = array<i32>} : memref<512xf32, #tpu.memory_space<vmem>>, vector<16xf32>,
      %mul3A_252 = arith.mulf %gather3A_245, %get3A_251 : vector<16xf32>
      %add3A_253 = arith.addf %add3A_237, %mul3A_252 : vector<16xf32>
      %add3A_254 = arith.constant 9 : i32
      %add3A_255 = vector.broadcast %add3A_254 : i32 to vector<16xi32>
      %add3A_256 = arith.addi %iota3A, %add3A_255 : vector<16xi32>
      %and3A_257 = arith.constant 15 : i32
      %and3A_258 = vector.broadcast %and3A_257 : i32 to vector<16xi32>
      %and3A_259 = arith.andi %add3A_256, %and3A_258 : vector<16xi32>
      %add3A_260 = arith.addi %mul3A_103, %and3A_259 : vector<16xi32>
      %gather3A_261 = tpu.vector_load_idx %arg12[%add3A_107, %add3A_260] : memref<256x128xf32, #tpu.memory_space<vmem>>[vector<16xi32>, vector<16xi32>], vector<16xf32>,
      %get3A_262 = arith.constant 144 : index
      %get3A_263 = tpu.vector_load %arg15[%get3A_262] {strides = array<i32>} : memref<512xf32, #tpu.memory_space<vmem>>, vector<16xf32>,
      %mul3A_264 = arith.mulf %gather3A_261, %get3A_263 : vector<16xf32>
      %add3A_265 = arith.addf %add3A_249, %mul3A_264 : vector<16xf32>
      %get3A_266 = arith.constant 400 : index
      %get3A_267 = tpu.vector_load %arg15[%get3A_266] {strides = array<i32>} : memref<512xf32, #tpu.memory_space<vmem>>, vector<16xf32>,
      %mul3A_268 = arith.mulf %gather3A_261, %get3A_267 : vector<16xf32>
      %add3A_269 = arith.addf %add3A_253, %mul3A_268 : vector<16xf32>
      %add3A_270 = arith.constant 10 : i32
      %add3A_271 = vector.broadcast %add3A_270 : i32 to vector<16xi32>
      %add3A_272 = arith.addi %iota3A, %add3A_271 : vector<16xi32>
      %and3A_273 = arith.constant 15 : i32
      %and3A_274 = vector.broadcast %and3A_273 : i32 to vector<16xi32>
      %and3A_275 = arith.andi %add3A_272, %and3A_274 : vector<16xi32>
      %add3A_276 = arith.addi %mul3A_103, %and3A_275 : vector<16xi32>
      %gather3A_277 = tpu.vector_load_idx %arg12[%add3A_107, %add3A_276] : memref<256x128xf32, #tpu.memory_space<vmem>>[vector<16xi32>, vector<16xi32>], vector<16xf32>,
      %get3A_278 = arith.constant 160 : index
      %get3A_279 = tpu.vector_load %arg15[%get3A_278] {strides = array<i32>} : memref<512xf32, #tpu.memory_space<vmem>>, vector<16xf32>,
      %mul3A_280 = arith.mulf %gather3A_277, %get3A_279 : vector<16xf32>
      %add3A_281 = arith.addf %add3A_265, %mul3A_280 : vector<16xf32>
      %get3A_282 = arith.constant 416 : index
      %get3A_283 = tpu.vector_load %arg15[%get3A_282] {strides = array<i32>} : memref<512xf32, #tpu.memory_space<vmem>>, vector<16xf32>,
      %mul3A_284 = arith.mulf %gather3A_277, %get3A_283 : vector<16xf32>
      %add3A_285 = arith.addf %add3A_269, %mul3A_284 : vector<16xf32>
      %add3A_286 = arith.constant 11 : i32
      %add3A_287 = vector.broadcast %add3A_286 : i32 to vector<16xi32>
      %add3A_288 = arith.addi %iota3A, %add3A_287 : vector<16xi32>
      %and3A_289 = arith.constant 15 : i32
      %and3A_290 = vector.broadcast %and3A_289 : i32 to vector<16xi32>
      %and3A_291 = arith.andi %add3A_288, %and3A_290 : vector<16xi32>
      %add3A_292 = arith.addi %mul3A_103, %and3A_291 : vector<16xi32>
      %gather3A_293 = tpu.vector_load_idx %arg12[%add3A_107, %add3A_292] : memref<256x128xf32, #tpu.memory_space<vmem>>[vector<16xi32>, vector<16xi32>], vector<16xf32>,
      %get3A_294 = arith.constant 176 : index
      %get3A_295 = tpu.vector_load %arg15[%get3A_294] {strides = array<i32>} : memref<512xf32, #tpu.memory_space<vmem>>, vector<16xf32>,
      %mul3A_296 = arith.mulf %gather3A_293, %get3A_295 : vector<16xf32>
      %add3A_297 = arith.addf %add3A_281, %mul3A_296 : vector<16xf32>
      %get3A_298 = arith.constant 432 : index
      %get3A_299 = tpu.vector_load %arg15[%get3A_298] {strides = array<i32>} : memref<512xf32, #tpu.memory_space<vmem>>, vector<16xf32>,
      %mul3A_300 = arith.mulf %gather3A_293, %get3A_299 : vector<16xf32>
      %add3A_301 = arith.addf %add3A_285, %mul3A_300 : vector<16xf32>
      %add3A_302 = arith.constant 12 : i32
      %add3A_303 = vector.broadcast %add3A_302 : i32 to vector<16xi32>
      %add3A_304 = arith.addi %iota3A, %add3A_303 : vector<16xi32>
      %and3A_305 = arith.constant 15 : i32
      %and3A_306 = vector.broadcast %and3A_305 : i32 to vector<16xi32>
      %and3A_307 = arith.andi %add3A_304, %and3A_306 : vector<16xi32>
      %add3A_308 = arith.addi %mul3A_103, %and3A_307 : vector<16xi32>
      %gather3A_309 = tpu.vector_load_idx %arg12[%add3A_107, %add3A_308] : memref<256x128xf32, #tpu.memory_space<vmem>>[vector<16xi32>, vector<16xi32>], vector<16xf32>,
      %get3A_310 = arith.constant 192 : index
      %get3A_311 = tpu.vector_load %arg15[%get3A_310] {strides = array<i32>} : memref<512xf32, #tpu.memory_space<vmem>>, vector<16xf32>,
      %mul3A_312 = arith.mulf %gather3A_309, %get3A_311 : vector<16xf32>
      %add3A_313 = arith.addf %add3A_297, %mul3A_312 : vector<16xf32>
      %get3A_314 = arith.constant 448 : index
      %get3A_315 = tpu.vector_load %arg15[%get3A_314] {strides = array<i32>} : memref<512xf32, #tpu.memory_space<vmem>>, vector<16xf32>,
      %mul3A_316 = arith.mulf %gather3A_309, %get3A_315 : vector<16xf32>
      %add3A_317 = arith.addf %add3A_301, %mul3A_316 : vector<16xf32>
      %add3A_318 = arith.constant 13 : i32
      %add3A_319 = vector.broadcast %add3A_318 : i32 to vector<16xi32>
      %add3A_320 = arith.addi %iota3A, %add3A_319 : vector<16xi32>
      %and3A_321 = arith.constant 15 : i32
      %and3A_322 = vector.broadcast %and3A_321 : i32 to vector<16xi32>
      %and3A_323 = arith.andi %add3A_320, %and3A_322 : vector<16xi32>
      %add3A_324 = arith.addi %mul3A_103, %and3A_323 : vector<16xi32>
      %gather3A_325 = tpu.vector_load_idx %arg12[%add3A_107, %add3A_324] : memref<256x128xf32, #tpu.memory_space<vmem>>[vector<16xi32>, vector<16xi32>], vector<16xf32>,
      %get3A_326 = arith.constant 208 : index
      %get3A_327 = tpu.vector_load %arg15[%get3A_326] {strides = array<i32>} : memref<512xf32, #tpu.memory_space<vmem>>, vector<16xf32>,
      %mul3A_328 = arith.mulf %gather3A_325, %get3A_327 : vector<16xf32>
      %add3A_329 = arith.addf %add3A_313, %mul3A_328 : vector<16xf32>
      %get3A_330 = arith.constant 464 : index
      %get3A_331 = tpu.vector_load %arg15[%get3A_330] {strides = array<i32>} : memref<512xf32, #tpu.memory_space<vmem>>, vector<16xf32>,
      %mul3A_332 = arith.mulf %gather3A_325, %get3A_331 : vector<16xf32>
      %add3A_333 = arith.addf %add3A_317, %mul3A_332 : vector<16xf32>
      %add3A_334 = arith.constant 14 : i32
      %add3A_335 = vector.broadcast %add3A_334 : i32 to vector<16xi32>
      %add3A_336 = arith.addi %iota3A, %add3A_335 : vector<16xi32>
      %and3A_337 = arith.constant 15 : i32
      %and3A_338 = vector.broadcast %and3A_337 : i32 to vector<16xi32>
      %and3A_339 = arith.andi %add3A_336, %and3A_338 : vector<16xi32>
      %add3A_340 = arith.addi %mul3A_103, %and3A_339 : vector<16xi32>
      %gather3A_341 = tpu.vector_load_idx %arg12[%add3A_107, %add3A_340] : memref<256x128xf32, #tpu.memory_space<vmem>>[vector<16xi32>, vector<16xi32>], vector<16xf32>,
      %get3A_342 = arith.constant 224 : index
      %get3A_343 = tpu.vector_load %arg15[%get3A_342] {strides = array<i32>} : memref<512xf32, #tpu.memory_space<vmem>>, vector<16xf32>,
      %mul3A_344 = arith.mulf %gather3A_341, %get3A_343 : vector<16xf32>
      %add3A_345 = arith.addf %add3A_329, %mul3A_344 : vector<16xf32>
      %get3A_346 = arith.constant 480 : index
      %get3A_347 = tpu.vector_load %arg15[%get3A_346] {strides = array<i32>} : memref<512xf32, #tpu.memory_space<vmem>>, vector<16xf32>,
      %mul3A_348 = arith.mulf %gather3A_341, %get3A_347 : vector<16xf32>
      %add3A_349 = arith.addf %add3A_333, %mul3A_348 : vector<16xf32>
      %add3A_350 = arith.constant 15 : i32
      %add3A_351 = vector.broadcast %add3A_350 : i32 to vector<16xi32>
      %add3A_352 = arith.addi %iota3A, %add3A_351 : vector<16xi32>
      %and3A_353 = arith.constant 15 : i32
      %and3A_354 = vector.broadcast %and3A_353 : i32 to vector<16xi32>
      %and3A_355 = arith.andi %add3A_352, %and3A_354 : vector<16xi32>
      %add3A_356 = arith.addi %mul3A_103, %and3A_355 : vector<16xi32>
      %gather3A_357 = tpu.vector_load_idx %arg12[%add3A_107, %add3A_356] : memref<256x128xf32, #tpu.memory_space<vmem>>[vector<16xi32>, vector<16xi32>], vector<16xf32>,
      %get3A_358 = arith.constant 240 : index
      %get3A_359 = tpu.vector_load %arg15[%get3A_358] {strides = array<i32>} : memref<512xf32, #tpu.memory_space<vmem>>, vector<16xf32>,
      %mul3A_360 = arith.mulf %gather3A_357, %get3A_359 : vector<16xf32>
      %add3A_361 = arith.addf %add3A_345, %mul3A_360 : vector<16xf32>
      %get3A_362 = arith.constant 496 : index
      %get3A_363 = tpu.vector_load %arg15[%get3A_362] {strides = array<i32>} : memref<512xf32, #tpu.memory_space<vmem>>, vector<16xf32>,
      %mul3A_364 = arith.mulf %gather3A_357, %get3A_363 : vector<16xf32>
      %add3A_365 = arith.addf %add3A_349, %mul3A_364 : vector<16xf32>
      %swap3A = arith.constant 0 : index
      %swap3A_366 = tpu.vector_load %arg17[%swap3A] {strides = array<i32>} : memref<32xf32, #tpu.memory_space<vmem>>, vector<16xf32>,
      tpu.vector_store %arg17[%swap3A], %add3A_361 {strides = array<i32>} : memref<32xf32, #tpu.memory_space<vmem>>, vector<16xf32>,
      %swap3A_367 = arith.constant 16 : index
      %swap3A_368 = tpu.vector_load %arg17[%swap3A_367] {strides = array<i32>} : memref<32xf32, #tpu.memory_space<vmem>>, vector<16xf32>,
      tpu.vector_store %arg17[%swap3A_367], %add3A_365 {strides = array<i32>} : memref<32xf32, #tpu.memory_space<vmem>>, vector<16xf32>,
      %gather3A_369 = tpu.vector_load_idx %arg17[%xor3A_40] : memref<32xf32, #tpu.memory_space<vmem>>[vector<16xi32>], vector<16xf32>,
      %gather3A_370 = tpu.vector_load_idx %arg17[%add3A_43] : memref<32xf32, #tpu.memory_space<vmem>>[vector<16xi32>], vector<16xf32>,
      %add3A_371 = arith.addf %add3A_361, %gather3A_369 : vector<16xf32>
      %add3A_372 = arith.addf %add3A_365, %gather3A_370 : vector<16xf32>
      %select_n3A = arith.select %eq3A_38, %add3A_371, %add3A_372 : vector<16xi1>, vector<16xf32>
      %add3A_373 = arith.addf %select_n3A, %get3A_44 : vector<16xf32>
      %swap3A_374 = arith.index_cast %add3A_95 : i32 to index
      %swap3A_375 = tpu.vector_load %arg14[%swap3A_374] {strides = array<i32>} : memref<1024xf32, #tpu.memory_space<vmem>>, vector<16xf32>,
      tpu.vector_store %arg14[%swap3A_374], %add3A_373 {strides = array<i32>} : memref<1024xf32, #tpu.memory_space<vmem>>, vector<16xf32>,
      %scan3A_376 = arith.constant 0 : i32
      scf.yield %scan3A_376 : i32
    }
    %scan3A_56 = arith.constant 16 : i32
    %dma_wait3A_57 = arith.constant 0 : i32
    %dma_wait3A_58 = arith.constant 0 : i32
    %dma_wait3A_59 = tpu.memref_slice %arg2[%dma_wait3A_57, %dma_wait3A_58] : memref<125000x128xf32, #tpu.memory_space<hbm>> -> memref<125000x128xf32, #tpu.memory_space<hbm>>
    tpu.wait_indirect_dma semaphore(%arg19 : memref<!tpu.dma_semaphore, #tpu.memory_space<semaphore_mem>>) src(%dma_wait3A_59 : memref<125000x128xf32, #tpu.memory_space<hbm>>) dst(%arg13 : memref<256x128xf32, #tpu.memory_space<vmem>>)
    %dma_start3A_60 = arith.constant 0 : i32
    %dma_start3A_61 = arith.constant 0 : i32
    %dma_start3A_62 = tpu.memref_slice %arg2[%dma_start3A_60, %dma_start3A_61] : memref<125000x128xf32, #tpu.memory_space<hbm>> -> memref<125000x128xf32, #tpu.memory_space<hbm>>
    tpu.enqueue_indirect_dma source(%dma_start3A_62 : memref<125000x128xf32, #tpu.memory_space<hbm>>) target(%arg13 : memref<256x128xf32, #tpu.memory_space<vmem>>) offsets(%arg11 : memref<256xi32, #tpu.memory_space<vmem>>) semaphore(%arg19 : memref<!tpu.dma_semaphore, #tpu.memory_space<semaphore_mem>>)
    %scan3A_63 = arith.constant 0 : i32
    %scan3A_64 = arith.constant 0 : i32
    %scan3A_65 = arith.constant 16 : i32
    %scan3A_66 = arith.addi %scan3A_64, %scan3A_65 : i32
    %scan3A_67 = arith.constant 1 : i32
    %scan3A_68 = scf.for %scan3A_90 = %scan3A_64 to %scan3A_66 step %scan3A_67 iter_args(%scan3A_91 = %scan3A_63) -> (i32)  : i32 {
      %mul3A_92 = arith.constant 16 : i32
      %mul3A_93 = arith.muli %scan3A_90, %mul3A_92 : i32
      %add3A_94 = arith.constant 256 : i32
      %add3A_95 = arith.addi %add3A_94, %mul3A_93 : i32
      %get3A_96 = arith.index_cast %add3A_95 : i32 to index
      %get3A_97 = tpu.vector_load %arg7[%get3A_96] {strides = array<i32>} : memref<1024xi32, #tpu.memory_space<vmem>>, vector<16xi32>,
      %and3A_98 = arith.constant 7 : i32
      %and3A_99 = vector.broadcast %and3A_98 : i32 to vector<16xi32>
      %and3A_100 = arith.andi %get3A_97, %and3A_99 : vector<16xi32>
      %mul3A_101 = arith.constant 16 : i32
      %mul3A_102 = vector.broadcast %mul3A_101 : i32 to vector<16xi32>
      %mul3A_103 = arith.muli %and3A_100, %mul3A_102 : vector<16xi32>
      %mul3A_104 = arith.constant 16 : i32
      %mul3A_105 = arith.muli %scan3A_90, %mul3A_104 : i32
      %add3A_106 = vector.broadcast %mul3A_105 : i32 to vector<16xi32>
      %add3A_107 = arith.addi %add3A_106, %iota3A : vector<16xi32>
      %broadcast_in_dim3A = arith.constant 0.000000e+00 : f32
      %broadcast_in_dim3A_108 = vector.broadcast %broadcast_in_dim3A : f32 to vector<16xf32>
      %broadcast_in_dim3A_109 = arith.constant 0.000000e+00 : f32
      %broadcast_in_dim3A_110 = vector.broadcast %broadcast_in_dim3A_109 : f32 to vector<16xf32>
      %add3A_111 = arith.constant 0 : i32
      %add3A_112 = vector.broadcast %add3A_111 : i32 to vector<16xi32>
      %add3A_113 = arith.addi %iota3A, %add3A_112 : vector<16xi32>
      %and3A_114 = arith.constant 15 : i32
      %and3A_115 = vector.broadcast %and3A_114 : i32 to vector<16xi32>
      %and3A_116 = arith.andi %add3A_113, %and3A_115 : vector<16xi32>
      %add3A_117 = arith.addi %mul3A_103, %and3A_116 : vector<16xi32>
      %gather3A = tpu.vector_load_idx %arg13[%add3A_107, %add3A_117] : memref<256x128xf32, #tpu.memory_space<vmem>>[vector<16xi32>, vector<16xi32>], vector<16xf32>,
      %get3A_118 = arith.constant 0 : index
      %get3A_119 = tpu.vector_load %arg15[%get3A_118] {strides = array<i32>} : memref<512xf32, #tpu.memory_space<vmem>>, vector<16xf32>,
      %mul3A_120 = arith.mulf %gather3A, %get3A_119 : vector<16xf32>
      %add3A_121 = arith.addf %broadcast_in_dim3A_108, %mul3A_120 : vector<16xf32>
      %get3A_122 = arith.constant 256 : index
      %get3A_123 = tpu.vector_load %arg15[%get3A_122] {strides = array<i32>} : memref<512xf32, #tpu.memory_space<vmem>>, vector<16xf32>,
      %mul3A_124 = arith.mulf %gather3A, %get3A_123 : vector<16xf32>
      %add3A_125 = arith.addf %broadcast_in_dim3A_110, %mul3A_124 : vector<16xf32>
      %add3A_126 = arith.constant 1 : i32
      %add3A_127 = vector.broadcast %add3A_126 : i32 to vector<16xi32>
      %add3A_128 = arith.addi %iota3A, %add3A_127 : vector<16xi32>
      %and3A_129 = arith.constant 15 : i32
      %and3A_130 = vector.broadcast %and3A_129 : i32 to vector<16xi32>
      %and3A_131 = arith.andi %add3A_128, %and3A_130 : vector<16xi32>
      %add3A_132 = arith.addi %mul3A_103, %and3A_131 : vector<16xi32>
      %gather3A_133 = tpu.vector_load_idx %arg13[%add3A_107, %add3A_132] : memref<256x128xf32, #tpu.memory_space<vmem>>[vector<16xi32>, vector<16xi32>], vector<16xf32>,
      %get3A_134 = arith.constant 16 : index
      %get3A_135 = tpu.vector_load %arg15[%get3A_134] {strides = array<i32>} : memref<512xf32, #tpu.memory_space<vmem>>, vector<16xf32>,
      %mul3A_136 = arith.mulf %gather3A_133, %get3A_135 : vector<16xf32>
      %add3A_137 = arith.addf %add3A_121, %mul3A_136 : vector<16xf32>
      %get3A_138 = arith.constant 272 : index
      %get3A_139 = tpu.vector_load %arg15[%get3A_138] {strides = array<i32>} : memref<512xf32, #tpu.memory_space<vmem>>, vector<16xf32>,
      %mul3A_140 = arith.mulf %gather3A_133, %get3A_139 : vector<16xf32>
      %add3A_141 = arith.addf %add3A_125, %mul3A_140 : vector<16xf32>
      %add3A_142 = arith.constant 2 : i32
      %add3A_143 = vector.broadcast %add3A_142 : i32 to vector<16xi32>
      %add3A_144 = arith.addi %iota3A, %add3A_143 : vector<16xi32>
      %and3A_145 = arith.constant 15 : i32
      %and3A_146 = vector.broadcast %and3A_145 : i32 to vector<16xi32>
      %and3A_147 = arith.andi %add3A_144, %and3A_146 : vector<16xi32>
      %add3A_148 = arith.addi %mul3A_103, %and3A_147 : vector<16xi32>
      %gather3A_149 = tpu.vector_load_idx %arg13[%add3A_107, %add3A_148] : memref<256x128xf32, #tpu.memory_space<vmem>>[vector<16xi32>, vector<16xi32>], vector<16xf32>,
      %get3A_150 = arith.constant 32 : index
      %get3A_151 = tpu.vector_load %arg15[%get3A_150] {strides = array<i32>} : memref<512xf32, #tpu.memory_space<vmem>>, vector<16xf32>,
      %mul3A_152 = arith.mulf %gather3A_149, %get3A_151 : vector<16xf32>
      %add3A_153 = arith.addf %add3A_137, %mul3A_152 : vector<16xf32>
      %get3A_154 = arith.constant 288 : index
      %get3A_155 = tpu.vector_load %arg15[%get3A_154] {strides = array<i32>} : memref<512xf32, #tpu.memory_space<vmem>>, vector<16xf32>,
      %mul3A_156 = arith.mulf %gather3A_149, %get3A_155 : vector<16xf32>
      %add3A_157 = arith.addf %add3A_141, %mul3A_156 : vector<16xf32>
      %add3A_158 = arith.constant 3 : i32
      %add3A_159 = vector.broadcast %add3A_158 : i32 to vector<16xi32>
      %add3A_160 = arith.addi %iota3A, %add3A_159 : vector<16xi32>
      %and3A_161 = arith.constant 15 : i32
      %and3A_162 = vector.broadcast %and3A_161 : i32 to vector<16xi32>
      %and3A_163 = arith.andi %add3A_160, %and3A_162 : vector<16xi32>
      %add3A_164 = arith.addi %mul3A_103, %and3A_163 : vector<16xi32>
      %gather3A_165 = tpu.vector_load_idx %arg13[%add3A_107, %add3A_164] : memref<256x128xf32, #tpu.memory_space<vmem>>[vector<16xi32>, vector<16xi32>], vector<16xf32>,
      %get3A_166 = arith.constant 48 : index
      %get3A_167 = tpu.vector_load %arg15[%get3A_166] {strides = array<i32>} : memref<512xf32, #tpu.memory_space<vmem>>, vector<16xf32>,
      %mul3A_168 = arith.mulf %gather3A_165, %get3A_167 : vector<16xf32>
      %add3A_169 = arith.addf %add3A_153, %mul3A_168 : vector<16xf32>
      %get3A_170 = arith.constant 304 : index
      %get3A_171 = tpu.vector_load %arg15[%get3A_170] {strides = array<i32>} : memref<512xf32, #tpu.memory_space<vmem>>, vector<16xf32>,
      %mul3A_172 = arith.mulf %gather3A_165, %get3A_171 : vector<16xf32>
      %add3A_173 = arith.addf %add3A_157, %mul3A_172 : vector<16xf32>
      %add3A_174 = arith.constant 4 : i32
      %add3A_175 = vector.broadcast %add3A_174 : i32 to vector<16xi32>
      %add3A_176 = arith.addi %iota3A, %add3A_175 : vector<16xi32>
      %and3A_177 = arith.constant 15 : i32
      %and3A_178 = vector.broadcast %and3A_177 : i32 to vector<16xi32>
      %and3A_179 = arith.andi %add3A_176, %and3A_178 : vector<16xi32>
      %add3A_180 = arith.addi %mul3A_103, %and3A_179 : vector<16xi32>
      %gather3A_181 = tpu.vector_load_idx %arg13[%add3A_107, %add3A_180] : memref<256x128xf32, #tpu.memory_space<vmem>>[vector<16xi32>, vector<16xi32>], vector<16xf32>,
      %get3A_182 = arith.constant 64 : index
      %get3A_183 = tpu.vector_load %arg15[%get3A_182] {strides = array<i32>} : memref<512xf32, #tpu.memory_space<vmem>>, vector<16xf32>,
      %mul3A_184 = arith.mulf %gather3A_181, %get3A_183 : vector<16xf32>
      %add3A_185 = arith.addf %add3A_169, %mul3A_184 : vector<16xf32>
      %get3A_186 = arith.constant 320 : index
      %get3A_187 = tpu.vector_load %arg15[%get3A_186] {strides = array<i32>} : memref<512xf32, #tpu.memory_space<vmem>>, vector<16xf32>,
      %mul3A_188 = arith.mulf %gather3A_181, %get3A_187 : vector<16xf32>
      %add3A_189 = arith.addf %add3A_173, %mul3A_188 : vector<16xf32>
      %add3A_190 = arith.constant 5 : i32
      %add3A_191 = vector.broadcast %add3A_190 : i32 to vector<16xi32>
      %add3A_192 = arith.addi %iota3A, %add3A_191 : vector<16xi32>
      %and3A_193 = arith.constant 15 : i32
      %and3A_194 = vector.broadcast %and3A_193 : i32 to vector<16xi32>
      %and3A_195 = arith.andi %add3A_192, %and3A_194 : vector<16xi32>
      %add3A_196 = arith.addi %mul3A_103, %and3A_195 : vector<16xi32>
      %gather3A_197 = tpu.vector_load_idx %arg13[%add3A_107, %add3A_196] : memref<256x128xf32, #tpu.memory_space<vmem>>[vector<16xi32>, vector<16xi32>], vector<16xf32>,
      %get3A_198 = arith.constant 80 : index
      %get3A_199 = tpu.vector_load %arg15[%get3A_198] {strides = array<i32>} : memref<512xf32, #tpu.memory_space<vmem>>, vector<16xf32>,
      %mul3A_200 = arith.mulf %gather3A_197, %get3A_199 : vector<16xf32>
      %add3A_201 = arith.addf %add3A_185, %mul3A_200 : vector<16xf32>
      %get3A_202 = arith.constant 336 : index
      %get3A_203 = tpu.vector_load %arg15[%get3A_202] {strides = array<i32>} : memref<512xf32, #tpu.memory_space<vmem>>, vector<16xf32>,
      %mul3A_204 = arith.mulf %gather3A_197, %get3A_203 : vector<16xf32>
      %add3A_205 = arith.addf %add3A_189, %mul3A_204 : vector<16xf32>
      %add3A_206 = arith.constant 6 : i32
      %add3A_207 = vector.broadcast %add3A_206 : i32 to vector<16xi32>
      %add3A_208 = arith.addi %iota3A, %add3A_207 : vector<16xi32>
      %and3A_209 = arith.constant 15 : i32
      %and3A_210 = vector.broadcast %and3A_209 : i32 to vector<16xi32>
      %and3A_211 = arith.andi %add3A_208, %and3A_210 : vector<16xi32>
      %add3A_212 = arith.addi %mul3A_103, %and3A_211 : vector<16xi32>
      %gather3A_213 = tpu.vector_load_idx %arg13[%add3A_107, %add3A_212] : memref<256x128xf32, #tpu.memory_space<vmem>>[vector<16xi32>, vector<16xi32>], vector<16xf32>,
      %get3A_214 = arith.constant 96 : index
      %get3A_215 = tpu.vector_load %arg15[%get3A_214] {strides = array<i32>} : memref<512xf32, #tpu.memory_space<vmem>>, vector<16xf32>,
      %mul3A_216 = arith.mulf %gather3A_213, %get3A_215 : vector<16xf32>
      %add3A_217 = arith.addf %add3A_201, %mul3A_216 : vector<16xf32>
      %get3A_218 = arith.constant 352 : index
      %get3A_219 = tpu.vector_load %arg15[%get3A_218] {strides = array<i32>} : memref<512xf32, #tpu.memory_space<vmem>>, vector<16xf32>,
      %mul3A_220 = arith.mulf %gather3A_213, %get3A_219 : vector<16xf32>
      %add3A_221 = arith.addf %add3A_205, %mul3A_220 : vector<16xf32>
      %add3A_222 = arith.constant 7 : i32
      %add3A_223 = vector.broadcast %add3A_222 : i32 to vector<16xi32>
      %add3A_224 = arith.addi %iota3A, %add3A_223 : vector<16xi32>
      %and3A_225 = arith.constant 15 : i32
      %and3A_226 = vector.broadcast %and3A_225 : i32 to vector<16xi32>
      %and3A_227 = arith.andi %add3A_224, %and3A_226 : vector<16xi32>
      %add3A_228 = arith.addi %mul3A_103, %and3A_227 : vector<16xi32>
      %gather3A_229 = tpu.vector_load_idx %arg13[%add3A_107, %add3A_228] : memref<256x128xf32, #tpu.memory_space<vmem>>[vector<16xi32>, vector<16xi32>], vector<16xf32>,
      %get3A_230 = arith.constant 112 : index
      %get3A_231 = tpu.vector_load %arg15[%get3A_230] {strides = array<i32>} : memref<512xf32, #tpu.memory_space<vmem>>, vector<16xf32>,
      %mul3A_232 = arith.mulf %gather3A_229, %get3A_231 : vector<16xf32>
      %add3A_233 = arith.addf %add3A_217, %mul3A_232 : vector<16xf32>
      %get3A_234 = arith.constant 368 : index
      %get3A_235 = tpu.vector_load %arg15[%get3A_234] {strides = array<i32>} : memref<512xf32, #tpu.memory_space<vmem>>, vector<16xf32>,
      %mul3A_236 = arith.mulf %gather3A_229, %get3A_235 : vector<16xf32>
      %add3A_237 = arith.addf %add3A_221, %mul3A_236 : vector<16xf32>
      %add3A_238 = arith.constant 8 : i32
      %add3A_239 = vector.broadcast %add3A_238 : i32 to vector<16xi32>
      %add3A_240 = arith.addi %iota3A, %add3A_239 : vector<16xi32>
      %and3A_241 = arith.constant 15 : i32
      %and3A_242 = vector.broadcast %and3A_241 : i32 to vector<16xi32>
      %and3A_243 = arith.andi %add3A_240, %and3A_242 : vector<16xi32>
      %add3A_244 = arith.addi %mul3A_103, %and3A_243 : vector<16xi32>
      %gather3A_245 = tpu.vector_load_idx %arg13[%add3A_107, %add3A_244] : memref<256x128xf32, #tpu.memory_space<vmem>>[vector<16xi32>, vector<16xi32>], vector<16xf32>,
      %get3A_246 = arith.constant 128 : index
      %get3A_247 = tpu.vector_load %arg15[%get3A_246] {strides = array<i32>} : memref<512xf32, #tpu.memory_space<vmem>>, vector<16xf32>,
      %mul3A_248 = arith.mulf %gather3A_245, %get3A_247 : vector<16xf32>
      %add3A_249 = arith.addf %add3A_233, %mul3A_248 : vector<16xf32>
      %get3A_250 = arith.constant 384 : index
      %get3A_251 = tpu.vector_load %arg15[%get3A_250] {strides = array<i32>} : memref<512xf32, #tpu.memory_space<vmem>>, vector<16xf32>,
      %mul3A_252 = arith.mulf %gather3A_245, %get3A_251 : vector<16xf32>
      %add3A_253 = arith.addf %add3A_237, %mul3A_252 : vector<16xf32>
      %add3A_254 = arith.constant 9 : i32
      %add3A_255 = vector.broadcast %add3A_254 : i32 to vector<16xi32>
      %add3A_256 = arith.addi %iota3A, %add3A_255 : vector<16xi32>
      %and3A_257 = arith.constant 15 : i32
      %and3A_258 = vector.broadcast %and3A_257 : i32 to vector<16xi32>
      %and3A_259 = arith.andi %add3A_256, %and3A_258 : vector<16xi32>
      %add3A_260 = arith.addi %mul3A_103, %and3A_259 : vector<16xi32>
      %gather3A_261 = tpu.vector_load_idx %arg13[%add3A_107, %add3A_260] : memref<256x128xf32, #tpu.memory_space<vmem>>[vector<16xi32>, vector<16xi32>], vector<16xf32>,
      %get3A_262 = arith.constant 144 : index
      %get3A_263 = tpu.vector_load %arg15[%get3A_262] {strides = array<i32>} : memref<512xf32, #tpu.memory_space<vmem>>, vector<16xf32>,
      %mul3A_264 = arith.mulf %gather3A_261, %get3A_263 : vector<16xf32>
      %add3A_265 = arith.addf %add3A_249, %mul3A_264 : vector<16xf32>
      %get3A_266 = arith.constant 400 : index
      %get3A_267 = tpu.vector_load %arg15[%get3A_266] {strides = array<i32>} : memref<512xf32, #tpu.memory_space<vmem>>, vector<16xf32>,
      %mul3A_268 = arith.mulf %gather3A_261, %get3A_267 : vector<16xf32>
      %add3A_269 = arith.addf %add3A_253, %mul3A_268 : vector<16xf32>
      %add3A_270 = arith.constant 10 : i32
      %add3A_271 = vector.broadcast %add3A_270 : i32 to vector<16xi32>
      %add3A_272 = arith.addi %iota3A, %add3A_271 : vector<16xi32>
      %and3A_273 = arith.constant 15 : i32
      %and3A_274 = vector.broadcast %and3A_273 : i32 to vector<16xi32>
      %and3A_275 = arith.andi %add3A_272, %and3A_274 : vector<16xi32>
      %add3A_276 = arith.addi %mul3A_103, %and3A_275 : vector<16xi32>
      %gather3A_277 = tpu.vector_load_idx %arg13[%add3A_107, %add3A_276] : memref<256x128xf32, #tpu.memory_space<vmem>>[vector<16xi32>, vector<16xi32>], vector<16xf32>,
      %get3A_278 = arith.constant 160 : index
      %get3A_279 = tpu.vector_load %arg15[%get3A_278] {strides = array<i32>} : memref<512xf32, #tpu.memory_space<vmem>>, vector<16xf32>,
      %mul3A_280 = arith.mulf %gather3A_277, %get3A_279 : vector<16xf32>
      %add3A_281 = arith.addf %add3A_265, %mul3A_280 : vector<16xf32>
      %get3A_282 = arith.constant 416 : index
      %get3A_283 = tpu.vector_load %arg15[%get3A_282] {strides = array<i32>} : memref<512xf32, #tpu.memory_space<vmem>>, vector<16xf32>,
      %mul3A_284 = arith.mulf %gather3A_277, %get3A_283 : vector<16xf32>
      %add3A_285 = arith.addf %add3A_269, %mul3A_284 : vector<16xf32>
      %add3A_286 = arith.constant 11 : i32
      %add3A_287 = vector.broadcast %add3A_286 : i32 to vector<16xi32>
      %add3A_288 = arith.addi %iota3A, %add3A_287 : vector<16xi32>
      %and3A_289 = arith.constant 15 : i32
      %and3A_290 = vector.broadcast %and3A_289 : i32 to vector<16xi32>
      %and3A_291 = arith.andi %add3A_288, %and3A_290 : vector<16xi32>
      %add3A_292 = arith.addi %mul3A_103, %and3A_291 : vector<16xi32>
      %gather3A_293 = tpu.vector_load_idx %arg13[%add3A_107, %add3A_292] : memref<256x128xf32, #tpu.memory_space<vmem>>[vector<16xi32>, vector<16xi32>], vector<16xf32>,
      %get3A_294 = arith.constant 176 : index
      %get3A_295 = tpu.vector_load %arg15[%get3A_294] {strides = array<i32>} : memref<512xf32, #tpu.memory_space<vmem>>, vector<16xf32>,
      %mul3A_296 = arith.mulf %gather3A_293, %get3A_295 : vector<16xf32>
      %add3A_297 = arith.addf %add3A_281, %mul3A_296 : vector<16xf32>
      %get3A_298 = arith.constant 432 : index
      %get3A_299 = tpu.vector_load %arg15[%get3A_298] {strides = array<i32>} : memref<512xf32, #tpu.memory_space<vmem>>, vector<16xf32>,
      %mul3A_300 = arith.mulf %gather3A_293, %get3A_299 : vector<16xf32>
      %add3A_301 = arith.addf %add3A_285, %mul3A_300 : vector<16xf32>
      %add3A_302 = arith.constant 12 : i32
      %add3A_303 = vector.broadcast %add3A_302 : i32 to vector<16xi32>
      %add3A_304 = arith.addi %iota3A, %add3A_303 : vector<16xi32>
      %and3A_305 = arith.constant 15 : i32
      %and3A_306 = vector.broadcast %and3A_305 : i32 to vector<16xi32>
      %and3A_307 = arith.andi %add3A_304, %and3A_306 : vector<16xi32>
      %add3A_308 = arith.addi %mul3A_103, %and3A_307 : vector<16xi32>
      %gather3A_309 = tpu.vector_load_idx %arg13[%add3A_107, %add3A_308] : memref<256x128xf32, #tpu.memory_space<vmem>>[vector<16xi32>, vector<16xi32>], vector<16xf32>,
      %get3A_310 = arith.constant 192 : index
      %get3A_311 = tpu.vector_load %arg15[%get3A_310] {strides = array<i32>} : memref<512xf32, #tpu.memory_space<vmem>>, vector<16xf32>,
      %mul3A_312 = arith.mulf %gather3A_309, %get3A_311 : vector<16xf32>
      %add3A_313 = arith.addf %add3A_297, %mul3A_312 : vector<16xf32>
      %get3A_314 = arith.constant 448 : index
      %get3A_315 = tpu.vector_load %arg15[%get3A_314] {strides = array<i32>} : memref<512xf32, #tpu.memory_space<vmem>>, vector<16xf32>,
      %mul3A_316 = arith.mulf %gather3A_309, %get3A_315 : vector<16xf32>
      %add3A_317 = arith.addf %add3A_301, %mul3A_316 : vector<16xf32>
      %add3A_318 = arith.constant 13 : i32
      %add3A_319 = vector.broadcast %add3A_318 : i32 to vector<16xi32>
      %add3A_320 = arith.addi %iota3A, %add3A_319 : vector<16xi32>
      %and3A_321 = arith.constant 15 : i32
      %and3A_322 = vector.broadcast %and3A_321 : i32 to vector<16xi32>
      %and3A_323 = arith.andi %add3A_320, %and3A_322 : vector<16xi32>
      %add3A_324 = arith.addi %mul3A_103, %and3A_323 : vector<16xi32>
      %gather3A_325 = tpu.vector_load_idx %arg13[%add3A_107, %add3A_324] : memref<256x128xf32, #tpu.memory_space<vmem>>[vector<16xi32>, vector<16xi32>], vector<16xf32>,
      %get3A_326 = arith.constant 208 : index
      %get3A_327 = tpu.vector_load %arg15[%get3A_326] {strides = array<i32>} : memref<512xf32, #tpu.memory_space<vmem>>, vector<16xf32>,
      %mul3A_328 = arith.mulf %gather3A_325, %get3A_327 : vector<16xf32>
      %add3A_329 = arith.addf %add3A_313, %mul3A_328 : vector<16xf32>
      %get3A_330 = arith.constant 464 : index
      %get3A_331 = tpu.vector_load %arg15[%get3A_330] {strides = array<i32>} : memref<512xf32, #tpu.memory_space<vmem>>, vector<16xf32>,
      %mul3A_332 = arith.mulf %gather3A_325, %get3A_331 : vector<16xf32>
      %add3A_333 = arith.addf %add3A_317, %mul3A_332 : vector<16xf32>
      %add3A_334 = arith.constant 14 : i32
      %add3A_335 = vector.broadcast %add3A_334 : i32 to vector<16xi32>
      %add3A_336 = arith.addi %iota3A, %add3A_335 : vector<16xi32>
      %and3A_337 = arith.constant 15 : i32
      %and3A_338 = vector.broadcast %and3A_337 : i32 to vector<16xi32>
      %and3A_339 = arith.andi %add3A_336, %and3A_338 : vector<16xi32>
      %add3A_340 = arith.addi %mul3A_103, %and3A_339 : vector<16xi32>
      %gather3A_341 = tpu.vector_load_idx %arg13[%add3A_107, %add3A_340] : memref<256x128xf32, #tpu.memory_space<vmem>>[vector<16xi32>, vector<16xi32>], vector<16xf32>,
      %get3A_342 = arith.constant 224 : index
      %get3A_343 = tpu.vector_load %arg15[%get3A_342] {strides = array<i32>} : memref<512xf32, #tpu.memory_space<vmem>>, vector<16xf32>,
      %mul3A_344 = arith.mulf %gather3A_341, %get3A_343 : vector<16xf32>
      %add3A_345 = arith.addf %add3A_329, %mul3A_344 : vector<16xf32>
      %get3A_346 = arith.constant 480 : index
      %get3A_347 = tpu.vector_load %arg15[%get3A_346] {strides = array<i32>} : memref<512xf32, #tpu.memory_space<vmem>>, vector<16xf32>,
      %mul3A_348 = arith.mulf %gather3A_341, %get3A_347 : vector<16xf32>
      %add3A_349 = arith.addf %add3A_333, %mul3A_348 : vector<16xf32>
      %add3A_350 = arith.constant 15 : i32
      %add3A_351 = vector.broadcast %add3A_350 : i32 to vector<16xi32>
      %add3A_352 = arith.addi %iota3A, %add3A_351 : vector<16xi32>
      %and3A_353 = arith.constant 15 : i32
      %and3A_354 = vector.broadcast %and3A_353 : i32 to vector<16xi32>
      %and3A_355 = arith.andi %add3A_352, %and3A_354 : vector<16xi32>
      %add3A_356 = arith.addi %mul3A_103, %and3A_355 : vector<16xi32>
      %gather3A_357 = tpu.vector_load_idx %arg13[%add3A_107, %add3A_356] : memref<256x128xf32, #tpu.memory_space<vmem>>[vector<16xi32>, vector<16xi32>], vector<16xf32>,
      %get3A_358 = arith.constant 240 : index
      %get3A_359 = tpu.vector_load %arg15[%get3A_358] {strides = array<i32>} : memref<512xf32, #tpu.memory_space<vmem>>, vector<16xf32>,
      %mul3A_360 = arith.mulf %gather3A_357, %get3A_359 : vector<16xf32>
      %add3A_361 = arith.addf %add3A_345, %mul3A_360 : vector<16xf32>
      %get3A_362 = arith.constant 496 : index
      %get3A_363 = tpu.vector_load %arg15[%get3A_362] {strides = array<i32>} : memref<512xf32, #tpu.memory_space<vmem>>, vector<16xf32>,
      %mul3A_364 = arith.mulf %gather3A_357, %get3A_363 : vector<16xf32>
      %add3A_365 = arith.addf %add3A_349, %mul3A_364 : vector<16xf32>
      %swap3A = arith.constant 0 : index
      %swap3A_366 = tpu.vector_load %arg17[%swap3A] {strides = array<i32>} : memref<32xf32, #tpu.memory_space<vmem>>, vector<16xf32>,
      tpu.vector_store %arg17[%swap3A], %add3A_361 {strides = array<i32>} : memref<32xf32, #tpu.memory_space<vmem>>, vector<16xf32>,
      %swap3A_367 = arith.constant 16 : index
      %swap3A_368 = tpu.vector_load %arg17[%swap3A_367] {strides = array<i32>} : memref<32xf32, #tpu.memory_space<vmem>>, vector<16xf32>,
      tpu.vector_store %arg17[%swap3A_367], %add3A_365 {strides = array<i32>} : memref<32xf32, #tpu.memory_space<vmem>>, vector<16xf32>,
      %gather3A_369 = tpu.vector_load_idx %arg17[%xor3A_40] : memref<32xf32, #tpu.memory_space<vmem>>[vector<16xi32>], vector<16xf32>,
      %gather3A_370 = tpu.vector_load_idx %arg17[%add3A_43] : memref<32xf32, #tpu.memory_space<vmem>>[vector<16xi32>], vector<16xf32>,
      %add3A_371 = arith.addf %add3A_361, %gather3A_369 : vector<16xf32>
      %add3A_372 = arith.addf %add3A_365, %gather3A_370 : vector<16xf32>
      %select_n3A = arith.select %eq3A_38, %add3A_371, %add3A_372 : vector<16xi1>, vector<16xf32>
      %add3A_373 = arith.addf %select_n3A, %get3A_44 : vector<16xf32>
      %swap3A_374 = arith.index_cast %add3A_95 : i32 to index
      %swap3A_375 = tpu.vector_load %arg14[%swap3A_374] {strides = array<i32>} : memref<1024xf32, #tpu.memory_space<vmem>>, vector<16xf32>,
      tpu.vector_store %arg14[%swap3A_374], %add3A_373 {strides = array<i32>} : memref<1024xf32, #tpu.memory_space<vmem>>, vector<16xf32>,
      %scan3A_376 = arith.constant 0 : i32
      scf.yield %scan3A_376 : i32
    }
    %scan3A_69 = arith.constant 16 : i32
    %dma_wait3A_70 = arith.constant 0 : i32
    %dma_wait3A_71 = arith.constant 0 : i32
    %dma_wait3A_72 = tpu.memref_slice %arg2[%dma_wait3A_70, %dma_wait3A_71] : memref<125000x128xf32, #tpu.memory_space<hbm>> -> memref<125000x128xf32, #tpu.memory_space<hbm>>
    tpu.wait_indirect_dma semaphore(%arg18 : memref<!tpu.dma_semaphore, #tpu.memory_space<semaphore_mem>>) src(%dma_wait3A_72 : memref<125000x128xf32, #tpu.memory_space<hbm>>) dst(%arg12 : memref<256x128xf32, #tpu.memory_space<vmem>>)
    %scan3A_73 = arith.constant 0 : i32
    %scan3A_74 = arith.constant 0 : i32
    %scan3A_75 = arith.constant 16 : i32
    %scan3A_76 = arith.addi %scan3A_74, %scan3A_75 : i32
    %scan3A_77 = arith.constant 1 : i32
    %scan3A_78 = scf.for %scan3A_90 = %scan3A_74 to %scan3A_76 step %scan3A_77 iter_args(%scan3A_91 = %scan3A_73) -> (i32)  : i32 {
      %mul3A_92 = arith.constant 16 : i32
      %mul3A_93 = arith.muli %scan3A_90, %mul3A_92 : i32
      %add3A_94 = arith.constant 512 : i32
      %add3A_95 = arith.addi %add3A_94, %mul3A_93 : i32
      %get3A_96 = arith.index_cast %add3A_95 : i32 to index
      %get3A_97 = tpu.vector_load %arg7[%get3A_96] {strides = array<i32>} : memref<1024xi32, #tpu.memory_space<vmem>>, vector<16xi32>,
      %and3A_98 = arith.constant 7 : i32
      %and3A_99 = vector.broadcast %and3A_98 : i32 to vector<16xi32>
      %and3A_100 = arith.andi %get3A_97, %and3A_99 : vector<16xi32>
      %mul3A_101 = arith.constant 16 : i32
      %mul3A_102 = vector.broadcast %mul3A_101 : i32 to vector<16xi32>
      %mul3A_103 = arith.muli %and3A_100, %mul3A_102 : vector<16xi32>
      %mul3A_104 = arith.constant 16 : i32
      %mul3A_105 = arith.muli %scan3A_90, %mul3A_104 : i32
      %add3A_106 = vector.broadcast %mul3A_105 : i32 to vector<16xi32>
      %add3A_107 = arith.addi %add3A_106, %iota3A : vector<16xi32>
      %broadcast_in_dim3A = arith.constant 0.000000e+00 : f32
      %broadcast_in_dim3A_108 = vector.broadcast %broadcast_in_dim3A : f32 to vector<16xf32>
      %broadcast_in_dim3A_109 = arith.constant 0.000000e+00 : f32
      %broadcast_in_dim3A_110 = vector.broadcast %broadcast_in_dim3A_109 : f32 to vector<16xf32>
      %add3A_111 = arith.constant 0 : i32
      %add3A_112 = vector.broadcast %add3A_111 : i32 to vector<16xi32>
      %add3A_113 = arith.addi %iota3A, %add3A_112 : vector<16xi32>
      %and3A_114 = arith.constant 15 : i32
      %and3A_115 = vector.broadcast %and3A_114 : i32 to vector<16xi32>
      %and3A_116 = arith.andi %add3A_113, %and3A_115 : vector<16xi32>
      %add3A_117 = arith.addi %mul3A_103, %and3A_116 : vector<16xi32>
      %gather3A = tpu.vector_load_idx %arg12[%add3A_107, %add3A_117] : memref<256x128xf32, #tpu.memory_space<vmem>>[vector<16xi32>, vector<16xi32>], vector<16xf32>,
      %get3A_118 = arith.constant 0 : index
      %get3A_119 = tpu.vector_load %arg15[%get3A_118] {strides = array<i32>} : memref<512xf32, #tpu.memory_space<vmem>>, vector<16xf32>,
      %mul3A_120 = arith.mulf %gather3A, %get3A_119 : vector<16xf32>
      %add3A_121 = arith.addf %broadcast_in_dim3A_108, %mul3A_120 : vector<16xf32>
      %get3A_122 = arith.constant 256 : index
      %get3A_123 = tpu.vector_load %arg15[%get3A_122] {strides = array<i32>} : memref<512xf32, #tpu.memory_space<vmem>>, vector<16xf32>,
      %mul3A_124 = arith.mulf %gather3A, %get3A_123 : vector<16xf32>
      %add3A_125 = arith.addf %broadcast_in_dim3A_110, %mul3A_124 : vector<16xf32>
      %add3A_126 = arith.constant 1 : i32
      %add3A_127 = vector.broadcast %add3A_126 : i32 to vector<16xi32>
      %add3A_128 = arith.addi %iota3A, %add3A_127 : vector<16xi32>
      %and3A_129 = arith.constant 15 : i32
      %and3A_130 = vector.broadcast %and3A_129 : i32 to vector<16xi32>
      %and3A_131 = arith.andi %add3A_128, %and3A_130 : vector<16xi32>
      %add3A_132 = arith.addi %mul3A_103, %and3A_131 : vector<16xi32>
      %gather3A_133 = tpu.vector_load_idx %arg12[%add3A_107, %add3A_132] : memref<256x128xf32, #tpu.memory_space<vmem>>[vector<16xi32>, vector<16xi32>], vector<16xf32>,
      %get3A_134 = arith.constant 16 : index
      %get3A_135 = tpu.vector_load %arg15[%get3A_134] {strides = array<i32>} : memref<512xf32, #tpu.memory_space<vmem>>, vector<16xf32>,
      %mul3A_136 = arith.mulf %gather3A_133, %get3A_135 : vector<16xf32>
      %add3A_137 = arith.addf %add3A_121, %mul3A_136 : vector<16xf32>
      %get3A_138 = arith.constant 272 : index
      %get3A_139 = tpu.vector_load %arg15[%get3A_138] {strides = array<i32>} : memref<512xf32, #tpu.memory_space<vmem>>, vector<16xf32>,
      %mul3A_140 = arith.mulf %gather3A_133, %get3A_139 : vector<16xf32>
      %add3A_141 = arith.addf %add3A_125, %mul3A_140 : vector<16xf32>
      %add3A_142 = arith.constant 2 : i32
      %add3A_143 = vector.broadcast %add3A_142 : i32 to vector<16xi32>
      %add3A_144 = arith.addi %iota3A, %add3A_143 : vector<16xi32>
      %and3A_145 = arith.constant 15 : i32
      %and3A_146 = vector.broadcast %and3A_145 : i32 to vector<16xi32>
      %and3A_147 = arith.andi %add3A_144, %and3A_146 : vector<16xi32>
      %add3A_148 = arith.addi %mul3A_103, %and3A_147 : vector<16xi32>
      %gather3A_149 = tpu.vector_load_idx %arg12[%add3A_107, %add3A_148] : memref<256x128xf32, #tpu.memory_space<vmem>>[vector<16xi32>, vector<16xi32>], vector<16xf32>,
      %get3A_150 = arith.constant 32 : index
      %get3A_151 = tpu.vector_load %arg15[%get3A_150] {strides = array<i32>} : memref<512xf32, #tpu.memory_space<vmem>>, vector<16xf32>,
      %mul3A_152 = arith.mulf %gather3A_149, %get3A_151 : vector<16xf32>
      %add3A_153 = arith.addf %add3A_137, %mul3A_152 : vector<16xf32>
      %get3A_154 = arith.constant 288 : index
      %get3A_155 = tpu.vector_load %arg15[%get3A_154] {strides = array<i32>} : memref<512xf32, #tpu.memory_space<vmem>>, vector<16xf32>,
      %mul3A_156 = arith.mulf %gather3A_149, %get3A_155 : vector<16xf32>
      %add3A_157 = arith.addf %add3A_141, %mul3A_156 : vector<16xf32>
      %add3A_158 = arith.constant 3 : i32
      %add3A_159 = vector.broadcast %add3A_158 : i32 to vector<16xi32>
      %add3A_160 = arith.addi %iota3A, %add3A_159 : vector<16xi32>
      %and3A_161 = arith.constant 15 : i32
      %and3A_162 = vector.broadcast %and3A_161 : i32 to vector<16xi32>
      %and3A_163 = arith.andi %add3A_160, %and3A_162 : vector<16xi32>
      %add3A_164 = arith.addi %mul3A_103, %and3A_163 : vector<16xi32>
      %gather3A_165 = tpu.vector_load_idx %arg12[%add3A_107, %add3A_164] : memref<256x128xf32, #tpu.memory_space<vmem>>[vector<16xi32>, vector<16xi32>], vector<16xf32>,
      %get3A_166 = arith.constant 48 : index
      %get3A_167 = tpu.vector_load %arg15[%get3A_166] {strides = array<i32>} : memref<512xf32, #tpu.memory_space<vmem>>, vector<16xf32>,
      %mul3A_168 = arith.mulf %gather3A_165, %get3A_167 : vector<16xf32>
      %add3A_169 = arith.addf %add3A_153, %mul3A_168 : vector<16xf32>
      %get3A_170 = arith.constant 304 : index
      %get3A_171 = tpu.vector_load %arg15[%get3A_170] {strides = array<i32>} : memref<512xf32, #tpu.memory_space<vmem>>, vector<16xf32>,
      %mul3A_172 = arith.mulf %gather3A_165, %get3A_171 : vector<16xf32>
      %add3A_173 = arith.addf %add3A_157, %mul3A_172 : vector<16xf32>
      %add3A_174 = arith.constant 4 : i32
      %add3A_175 = vector.broadcast %add3A_174 : i32 to vector<16xi32>
      %add3A_176 = arith.addi %iota3A, %add3A_175 : vector<16xi32>
      %and3A_177 = arith.constant 15 : i32
      %and3A_178 = vector.broadcast %and3A_177 : i32 to vector<16xi32>
      %and3A_179 = arith.andi %add3A_176, %and3A_178 : vector<16xi32>
      %add3A_180 = arith.addi %mul3A_103, %and3A_179 : vector<16xi32>
      %gather3A_181 = tpu.vector_load_idx %arg12[%add3A_107, %add3A_180] : memref<256x128xf32, #tpu.memory_space<vmem>>[vector<16xi32>, vector<16xi32>], vector<16xf32>,
      %get3A_182 = arith.constant 64 : index
      %get3A_183 = tpu.vector_load %arg15[%get3A_182] {strides = array<i32>} : memref<512xf32, #tpu.memory_space<vmem>>, vector<16xf32>,
      %mul3A_184 = arith.mulf %gather3A_181, %get3A_183 : vector<16xf32>
      %add3A_185 = arith.addf %add3A_169, %mul3A_184 : vector<16xf32>
      %get3A_186 = arith.constant 320 : index
      %get3A_187 = tpu.vector_load %arg15[%get3A_186] {strides = array<i32>} : memref<512xf32, #tpu.memory_space<vmem>>, vector<16xf32>,
      %mul3A_188 = arith.mulf %gather3A_181, %get3A_187 : vector<16xf32>
      %add3A_189 = arith.addf %add3A_173, %mul3A_188 : vector<16xf32>
      %add3A_190 = arith.constant 5 : i32
      %add3A_191 = vector.broadcast %add3A_190 : i32 to vector<16xi32>
      %add3A_192 = arith.addi %iota3A, %add3A_191 : vector<16xi32>
      %and3A_193 = arith.constant 15 : i32
      %and3A_194 = vector.broadcast %and3A_193 : i32 to vector<16xi32>
      %and3A_195 = arith.andi %add3A_192, %and3A_194 : vector<16xi32>
      %add3A_196 = arith.addi %mul3A_103, %and3A_195 : vector<16xi32>
      %gather3A_197 = tpu.vector_load_idx %arg12[%add3A_107, %add3A_196] : memref<256x128xf32, #tpu.memory_space<vmem>>[vector<16xi32>, vector<16xi32>], vector<16xf32>,
      %get3A_198 = arith.constant 80 : index
      %get3A_199 = tpu.vector_load %arg15[%get3A_198] {strides = array<i32>} : memref<512xf32, #tpu.memory_space<vmem>>, vector<16xf32>,
      %mul3A_200 = arith.mulf %gather3A_197, %get3A_199 : vector<16xf32>
      %add3A_201 = arith.addf %add3A_185, %mul3A_200 : vector<16xf32>
      %get3A_202 = arith.constant 336 : index
      %get3A_203 = tpu.vector_load %arg15[%get3A_202] {strides = array<i32>} : memref<512xf32, #tpu.memory_space<vmem>>, vector<16xf32>,
      %mul3A_204 = arith.mulf %gather3A_197, %get3A_203 : vector<16xf32>
      %add3A_205 = arith.addf %add3A_189, %mul3A_204 : vector<16xf32>
      %add3A_206 = arith.constant 6 : i32
      %add3A_207 = vector.broadcast %add3A_206 : i32 to vector<16xi32>
      %add3A_208 = arith.addi %iota3A, %add3A_207 : vector<16xi32>
      %and3A_209 = arith.constant 15 : i32
      %and3A_210 = vector.broadcast %and3A_209 : i32 to vector<16xi32>
      %and3A_211 = arith.andi %add3A_208, %and3A_210 : vector<16xi32>
      %add3A_212 = arith.addi %mul3A_103, %and3A_211 : vector<16xi32>
      %gather3A_213 = tpu.vector_load_idx %arg12[%add3A_107, %add3A_212] : memref<256x128xf32, #tpu.memory_space<vmem>>[vector<16xi32>, vector<16xi32>], vector<16xf32>,
      %get3A_214 = arith.constant 96 : index
      %get3A_215 = tpu.vector_load %arg15[%get3A_214] {strides = array<i32>} : memref<512xf32, #tpu.memory_space<vmem>>, vector<16xf32>,
      %mul3A_216 = arith.mulf %gather3A_213, %get3A_215 : vector<16xf32>
      %add3A_217 = arith.addf %add3A_201, %mul3A_216 : vector<16xf32>
      %get3A_218 = arith.constant 352 : index
      %get3A_219 = tpu.vector_load %arg15[%get3A_218] {strides = array<i32>} : memref<512xf32, #tpu.memory_space<vmem>>, vector<16xf32>,
      %mul3A_220 = arith.mulf %gather3A_213, %get3A_219 : vector<16xf32>
      %add3A_221 = arith.addf %add3A_205, %mul3A_220 : vector<16xf32>
      %add3A_222 = arith.constant 7 : i32
      %add3A_223 = vector.broadcast %add3A_222 : i32 to vector<16xi32>
      %add3A_224 = arith.addi %iota3A, %add3A_223 : vector<16xi32>
      %and3A_225 = arith.constant 15 : i32
      %and3A_226 = vector.broadcast %and3A_225 : i32 to vector<16xi32>
      %and3A_227 = arith.andi %add3A_224, %and3A_226 : vector<16xi32>
      %add3A_228 = arith.addi %mul3A_103, %and3A_227 : vector<16xi32>
      %gather3A_229 = tpu.vector_load_idx %arg12[%add3A_107, %add3A_228] : memref<256x128xf32, #tpu.memory_space<vmem>>[vector<16xi32>, vector<16xi32>], vector<16xf32>,
      %get3A_230 = arith.constant 112 : index
      %get3A_231 = tpu.vector_load %arg15[%get3A_230] {strides = array<i32>} : memref<512xf32, #tpu.memory_space<vmem>>, vector<16xf32>,
      %mul3A_232 = arith.mulf %gather3A_229, %get3A_231 : vector<16xf32>
      %add3A_233 = arith.addf %add3A_217, %mul3A_232 : vector<16xf32>
      %get3A_234 = arith.constant 368 : index
      %get3A_235 = tpu.vector_load %arg15[%get3A_234] {strides = array<i32>} : memref<512xf32, #tpu.memory_space<vmem>>, vector<16xf32>,
      %mul3A_236 = arith.mulf %gather3A_229, %get3A_235 : vector<16xf32>
      %add3A_237 = arith.addf %add3A_221, %mul3A_236 : vector<16xf32>
      %add3A_238 = arith.constant 8 : i32
      %add3A_239 = vector.broadcast %add3A_238 : i32 to vector<16xi32>
      %add3A_240 = arith.addi %iota3A, %add3A_239 : vector<16xi32>
      %and3A_241 = arith.constant 15 : i32
      %and3A_242 = vector.broadcast %and3A_241 : i32 to vector<16xi32>
      %and3A_243 = arith.andi %add3A_240, %and3A_242 : vector<16xi32>
      %add3A_244 = arith.addi %mul3A_103, %and3A_243 : vector<16xi32>
      %gather3A_245 = tpu.vector_load_idx %arg12[%add3A_107, %add3A_244] : memref<256x128xf32, #tpu.memory_space<vmem>>[vector<16xi32>, vector<16xi32>], vector<16xf32>,
      %get3A_246 = arith.constant 128 : index
      %get3A_247 = tpu.vector_load %arg15[%get3A_246] {strides = array<i32>} : memref<512xf32, #tpu.memory_space<vmem>>, vector<16xf32>,
      %mul3A_248 = arith.mulf %gather3A_245, %get3A_247 : vector<16xf32>
      %add3A_249 = arith.addf %add3A_233, %mul3A_248 : vector<16xf32>
      %get3A_250 = arith.constant 384 : index
      %get3A_251 = tpu.vector_load %arg15[%get3A_250] {strides = array<i32>} : memref<512xf32, #tpu.memory_space<vmem>>, vector<16xf32>,
      %mul3A_252 = arith.mulf %gather3A_245, %get3A_251 : vector<16xf32>
      %add3A_253 = arith.addf %add3A_237, %mul3A_252 : vector<16xf32>
      %add3A_254 = arith.constant 9 : i32
      %add3A_255 = vector.broadcast %add3A_254 : i32 to vector<16xi32>
      %add3A_256 = arith.addi %iota3A, %add3A_255 : vector<16xi32>
      %and3A_257 = arith.constant 15 : i32
      %and3A_258 = vector.broadcast %and3A_257 : i32 to vector<16xi32>
      %and3A_259 = arith.andi %add3A_256, %and3A_258 : vector<16xi32>
      %add3A_260 = arith.addi %mul3A_103, %and3A_259 : vector<16xi32>
      %gather3A_261 = tpu.vector_load_idx %arg12[%add3A_107, %add3A_260] : memref<256x128xf32, #tpu.memory_space<vmem>>[vector<16xi32>, vector<16xi32>], vector<16xf32>,
      %get3A_262 = arith.constant 144 : index
      %get3A_263 = tpu.vector_load %arg15[%get3A_262] {strides = array<i32>} : memref<512xf32, #tpu.memory_space<vmem>>, vector<16xf32>,
      %mul3A_264 = arith.mulf %gather3A_261, %get3A_263 : vector<16xf32>
      %add3A_265 = arith.addf %add3A_249, %mul3A_264 : vector<16xf32>
      %get3A_266 = arith.constant 400 : index
      %get3A_267 = tpu.vector_load %arg15[%get3A_266] {strides = array<i32>} : memref<512xf32, #tpu.memory_space<vmem>>, vector<16xf32>,
      %mul3A_268 = arith.mulf %gather3A_261, %get3A_267 : vector<16xf32>
      %add3A_269 = arith.addf %add3A_253, %mul3A_268 : vector<16xf32>
      %add3A_270 = arith.constant 10 : i32
      %add3A_271 = vector.broadcast %add3A_270 : i32 to vector<16xi32>
      %add3A_272 = arith.addi %iota3A, %add3A_271 : vector<16xi32>
      %and3A_273 = arith.constant 15 : i32
      %and3A_274 = vector.broadcast %and3A_273 : i32 to vector<16xi32>
      %and3A_275 = arith.andi %add3A_272, %and3A_274 : vector<16xi32>
      %add3A_276 = arith.addi %mul3A_103, %and3A_275 : vector<16xi32>
      %gather3A_277 = tpu.vector_load_idx %arg12[%add3A_107, %add3A_276] : memref<256x128xf32, #tpu.memory_space<vmem>>[vector<16xi32>, vector<16xi32>], vector<16xf32>,
      %get3A_278 = arith.constant 160 : index
      %get3A_279 = tpu.vector_load %arg15[%get3A_278] {strides = array<i32>} : memref<512xf32, #tpu.memory_space<vmem>>, vector<16xf32>,
      %mul3A_280 = arith.mulf %gather3A_277, %get3A_279 : vector<16xf32>
      %add3A_281 = arith.addf %add3A_265, %mul3A_280 : vector<16xf32>
      %get3A_282 = arith.constant 416 : index
      %get3A_283 = tpu.vector_load %arg15[%get3A_282] {strides = array<i32>} : memref<512xf32, #tpu.memory_space<vmem>>, vector<16xf32>,
      %mul3A_284 = arith.mulf %gather3A_277, %get3A_283 : vector<16xf32>
      %add3A_285 = arith.addf %add3A_269, %mul3A_284 : vector<16xf32>
      %add3A_286 = arith.constant 11 : i32
      %add3A_287 = vector.broadcast %add3A_286 : i32 to vector<16xi32>
      %add3A_288 = arith.addi %iota3A, %add3A_287 : vector<16xi32>
      %and3A_289 = arith.constant 15 : i32
      %and3A_290 = vector.broadcast %and3A_289 : i32 to vector<16xi32>
      %and3A_291 = arith.andi %add3A_288, %and3A_290 : vector<16xi32>
      %add3A_292 = arith.addi %mul3A_103, %and3A_291 : vector<16xi32>
      %gather3A_293 = tpu.vector_load_idx %arg12[%add3A_107, %add3A_292] : memref<256x128xf32, #tpu.memory_space<vmem>>[vector<16xi32>, vector<16xi32>], vector<16xf32>,
      %get3A_294 = arith.constant 176 : index
      %get3A_295 = tpu.vector_load %arg15[%get3A_294] {strides = array<i32>} : memref<512xf32, #tpu.memory_space<vmem>>, vector<16xf32>,
      %mul3A_296 = arith.mulf %gather3A_293, %get3A_295 : vector<16xf32>
      %add3A_297 = arith.addf %add3A_281, %mul3A_296 : vector<16xf32>
      %get3A_298 = arith.constant 432 : index
      %get3A_299 = tpu.vector_load %arg15[%get3A_298] {strides = array<i32>} : memref<512xf32, #tpu.memory_space<vmem>>, vector<16xf32>,
      %mul3A_300 = arith.mulf %gather3A_293, %get3A_299 : vector<16xf32>
      %add3A_301 = arith.addf %add3A_285, %mul3A_300 : vector<16xf32>
      %add3A_302 = arith.constant 12 : i32
      %add3A_303 = vector.broadcast %add3A_302 : i32 to vector<16xi32>
      %add3A_304 = arith.addi %iota3A, %add3A_303 : vector<16xi32>
      %and3A_305 = arith.constant 15 : i32
      %and3A_306 = vector.broadcast %and3A_305 : i32 to vector<16xi32>
      %and3A_307 = arith.andi %add3A_304, %and3A_306 : vector<16xi32>
      %add3A_308 = arith.addi %mul3A_103, %and3A_307 : vector<16xi32>
      %gather3A_309 = tpu.vector_load_idx %arg12[%add3A_107, %add3A_308] : memref<256x128xf32, #tpu.memory_space<vmem>>[vector<16xi32>, vector<16xi32>], vector<16xf32>,
      %get3A_310 = arith.constant 192 : index
      %get3A_311 = tpu.vector_load %arg15[%get3A_310] {strides = array<i32>} : memref<512xf32, #tpu.memory_space<vmem>>, vector<16xf32>,
      %mul3A_312 = arith.mulf %gather3A_309, %get3A_311 : vector<16xf32>
      %add3A_313 = arith.addf %add3A_297, %mul3A_312 : vector<16xf32>
      %get3A_314 = arith.constant 448 : index
      %get3A_315 = tpu.vector_load %arg15[%get3A_314] {strides = array<i32>} : memref<512xf32, #tpu.memory_space<vmem>>, vector<16xf32>,
      %mul3A_316 = arith.mulf %gather3A_309, %get3A_315 : vector<16xf32>
      %add3A_317 = arith.addf %add3A_301, %mul3A_316 : vector<16xf32>
      %add3A_318 = arith.constant 13 : i32
      %add3A_319 = vector.broadcast %add3A_318 : i32 to vector<16xi32>
      %add3A_320 = arith.addi %iota3A, %add3A_319 : vector<16xi32>
      %and3A_321 = arith.constant 15 : i32
      %and3A_322 = vector.broadcast %and3A_321 : i32 to vector<16xi32>
      %and3A_323 = arith.andi %add3A_320, %and3A_322 : vector<16xi32>
      %add3A_324 = arith.addi %mul3A_103, %and3A_323 : vector<16xi32>
      %gather3A_325 = tpu.vector_load_idx %arg12[%add3A_107, %add3A_324] : memref<256x128xf32, #tpu.memory_space<vmem>>[vector<16xi32>, vector<16xi32>], vector<16xf32>,
      %get3A_326 = arith.constant 208 : index
      %get3A_327 = tpu.vector_load %arg15[%get3A_326] {strides = array<i32>} : memref<512xf32, #tpu.memory_space<vmem>>, vector<16xf32>,
      %mul3A_328 = arith.mulf %gather3A_325, %get3A_327 : vector<16xf32>
      %add3A_329 = arith.addf %add3A_313, %mul3A_328 : vector<16xf32>
      %get3A_330 = arith.constant 464 : index
      %get3A_331 = tpu.vector_load %arg15[%get3A_330] {strides = array<i32>} : memref<512xf32, #tpu.memory_space<vmem>>, vector<16xf32>,
      %mul3A_332 = arith.mulf %gather3A_325, %get3A_331 : vector<16xf32>
      %add3A_333 = arith.addf %add3A_317, %mul3A_332 : vector<16xf32>
      %add3A_334 = arith.constant 14 : i32
      %add3A_335 = vector.broadcast %add3A_334 : i32 to vector<16xi32>
      %add3A_336 = arith.addi %iota3A, %add3A_335 : vector<16xi32>
      %and3A_337 = arith.constant 15 : i32
      %and3A_338 = vector.broadcast %and3A_337 : i32 to vector<16xi32>
      %and3A_339 = arith.andi %add3A_336, %and3A_338 : vector<16xi32>
      %add3A_340 = arith.addi %mul3A_103, %and3A_339 : vector<16xi32>
      %gather3A_341 = tpu.vector_load_idx %arg12[%add3A_107, %add3A_340] : memref<256x128xf32, #tpu.memory_space<vmem>>[vector<16xi32>, vector<16xi32>], vector<16xf32>,
      %get3A_342 = arith.constant 224 : index
      %get3A_343 = tpu.vector_load %arg15[%get3A_342] {strides = array<i32>} : memref<512xf32, #tpu.memory_space<vmem>>, vector<16xf32>,
      %mul3A_344 = arith.mulf %gather3A_341, %get3A_343 : vector<16xf32>
      %add3A_345 = arith.addf %add3A_329, %mul3A_344 : vector<16xf32>
      %get3A_346 = arith.constant 480 : index
      %get3A_347 = tpu.vector_load %arg15[%get3A_346] {strides = array<i32>} : memref<512xf32, #tpu.memory_space<vmem>>, vector<16xf32>,
      %mul3A_348 = arith.mulf %gather3A_341, %get3A_347 : vector<16xf32>
      %add3A_349 = arith.addf %add3A_333, %mul3A_348 : vector<16xf32>
      %add3A_350 = arith.constant 15 : i32
      %add3A_351 = vector.broadcast %add3A_350 : i32 to vector<16xi32>
      %add3A_352 = arith.addi %iota3A, %add3A_351 : vector<16xi32>
      %and3A_353 = arith.constant 15 : i32
      %and3A_354 = vector.broadcast %and3A_353 : i32 to vector<16xi32>
      %and3A_355 = arith.andi %add3A_352, %and3A_354 : vector<16xi32>
      %add3A_356 = arith.addi %mul3A_103, %and3A_355 : vector<16xi32>
      %gather3A_357 = tpu.vector_load_idx %arg12[%add3A_107, %add3A_356] : memref<256x128xf32, #tpu.memory_space<vmem>>[vector<16xi32>, vector<16xi32>], vector<16xf32>,
      %get3A_358 = arith.constant 240 : index
      %get3A_359 = tpu.vector_load %arg15[%get3A_358] {strides = array<i32>} : memref<512xf32, #tpu.memory_space<vmem>>, vector<16xf32>,
      %mul3A_360 = arith.mulf %gather3A_357, %get3A_359 : vector<16xf32>
      %add3A_361 = arith.addf %add3A_345, %mul3A_360 : vector<16xf32>
      %get3A_362 = arith.constant 496 : index
      %get3A_363 = tpu.vector_load %arg15[%get3A_362] {strides = array<i32>} : memref<512xf32, #tpu.memory_space<vmem>>, vector<16xf32>,
      %mul3A_364 = arith.mulf %gather3A_357, %get3A_363 : vector<16xf32>
      %add3A_365 = arith.addf %add3A_349, %mul3A_364 : vector<16xf32>
      %swap3A = arith.constant 0 : index
      %swap3A_366 = tpu.vector_load %arg17[%swap3A] {strides = array<i32>} : memref<32xf32, #tpu.memory_space<vmem>>, vector<16xf32>,
      tpu.vector_store %arg17[%swap3A], %add3A_361 {strides = array<i32>} : memref<32xf32, #tpu.memory_space<vmem>>, vector<16xf32>,
      %swap3A_367 = arith.constant 16 : index
      %swap3A_368 = tpu.vector_load %arg17[%swap3A_367] {strides = array<i32>} : memref<32xf32, #tpu.memory_space<vmem>>, vector<16xf32>,
      tpu.vector_store %arg17[%swap3A_367], %add3A_365 {strides = array<i32>} : memref<32xf32, #tpu.memory_space<vmem>>, vector<16xf32>,
      %gather3A_369 = tpu.vector_load_idx %arg17[%xor3A_40] : memref<32xf32, #tpu.memory_space<vmem>>[vector<16xi32>], vector<16xf32>,
      %gather3A_370 = tpu.vector_load_idx %arg17[%add3A_43] : memref<32xf32, #tpu.memory_space<vmem>>[vector<16xi32>], vector<16xf32>,
      %add3A_371 = arith.addf %add3A_361, %gather3A_369 : vector<16xf32>
      %add3A_372 = arith.addf %add3A_365, %gather3A_370 : vector<16xf32>
      %select_n3A = arith.select %eq3A_38, %add3A_371, %add3A_372 : vector<16xi1>, vector<16xf32>
      %add3A_373 = arith.addf %select_n3A, %get3A_44 : vector<16xf32>
      %swap3A_374 = arith.index_cast %add3A_95 : i32 to index
      %swap3A_375 = tpu.vector_load %arg14[%swap3A_374] {strides = array<i32>} : memref<1024xf32, #tpu.memory_space<vmem>>, vector<16xf32>,
      tpu.vector_store %arg14[%swap3A_374], %add3A_373 {strides = array<i32>} : memref<1024xf32, #tpu.memory_space<vmem>>, vector<16xf32>,
      %scan3A_376 = arith.constant 0 : i32
      scf.yield %scan3A_376 : i32
    }
    %scan3A_79 = arith.constant 16 : i32
    %dma_wait3A_80 = arith.constant 0 : i32
    %dma_wait3A_81 = arith.constant 0 : i32
    %dma_wait3A_82 = tpu.memref_slice %arg2[%dma_wait3A_80, %dma_wait3A_81] : memref<125000x128xf32, #tpu.memory_space<hbm>> -> memref<125000x128xf32, #tpu.memory_space<hbm>>
    tpu.wait_indirect_dma semaphore(%arg19 : memref<!tpu.dma_semaphore, #tpu.memory_space<semaphore_mem>>) src(%dma_wait3A_82 : memref<125000x128xf32, #tpu.memory_space<hbm>>) dst(%arg13 : memref<256x128xf32, #tpu.memory_space<vmem>>)
    %scan3A_83 = arith.constant 0 : i32
    %scan3A_84 = arith.constant 0 : i32
    %scan3A_85 = arith.constant 16 : i32
    %scan3A_86 = arith.addi %scan3A_84, %scan3A_85 : i32
    %scan3A_87 = arith.constant 1 : i32
    %scan3A_88 = scf.for %scan3A_90 = %scan3A_84 to %scan3A_86 step %scan3A_87 iter_args(%scan3A_91 = %scan3A_83) -> (i32)  : i32 {
      %mul3A_92 = arith.constant 16 : i32
      %mul3A_93 = arith.muli %scan3A_90, %mul3A_92 : i32
      %add3A_94 = arith.constant 768 : i32
      %add3A_95 = arith.addi %add3A_94, %mul3A_93 : i32
      %get3A_96 = arith.index_cast %add3A_95 : i32 to index
      %get3A_97 = tpu.vector_load %arg7[%get3A_96] {strides = array<i32>} : memref<1024xi32, #tpu.memory_space<vmem>>, vector<16xi32>,
      %and3A_98 = arith.constant 7 : i32
      %and3A_99 = vector.broadcast %and3A_98 : i32 to vector<16xi32>
      %and3A_100 = arith.andi %get3A_97, %and3A_99 : vector<16xi32>
      %mul3A_101 = arith.constant 16 : i32
      %mul3A_102 = vector.broadcast %mul3A_101 : i32 to vector<16xi32>
      %mul3A_103 = arith.muli %and3A_100, %mul3A_102 : vector<16xi32>
      %mul3A_104 = arith.constant 16 : i32
      %mul3A_105 = arith.muli %scan3A_90, %mul3A_104 : i32
      %add3A_106 = vector.broadcast %mul3A_105 : i32 to vector<16xi32>
      %add3A_107 = arith.addi %add3A_106, %iota3A : vector<16xi32>
      %broadcast_in_dim3A = arith.constant 0.000000e+00 : f32
      %broadcast_in_dim3A_108 = vector.broadcast %broadcast_in_dim3A : f32 to vector<16xf32>
      %broadcast_in_dim3A_109 = arith.constant 0.000000e+00 : f32
      %broadcast_in_dim3A_110 = vector.broadcast %broadcast_in_dim3A_109 : f32 to vector<16xf32>
      %add3A_111 = arith.constant 0 : i32
      %add3A_112 = vector.broadcast %add3A_111 : i32 to vector<16xi32>
      %add3A_113 = arith.addi %iota3A, %add3A_112 : vector<16xi32>
      %and3A_114 = arith.constant 15 : i32
      %and3A_115 = vector.broadcast %and3A_114 : i32 to vector<16xi32>
      %and3A_116 = arith.andi %add3A_113, %and3A_115 : vector<16xi32>
      %add3A_117 = arith.addi %mul3A_103, %and3A_116 : vector<16xi32>
      %gather3A = tpu.vector_load_idx %arg13[%add3A_107, %add3A_117] : memref<256x128xf32, #tpu.memory_space<vmem>>[vector<16xi32>, vector<16xi32>], vector<16xf32>,
      %get3A_118 = arith.constant 0 : index
      %get3A_119 = tpu.vector_load %arg15[%get3A_118] {strides = array<i32>} : memref<512xf32, #tpu.memory_space<vmem>>, vector<16xf32>,
      %mul3A_120 = arith.mulf %gather3A, %get3A_119 : vector<16xf32>
      %add3A_121 = arith.addf %broadcast_in_dim3A_108, %mul3A_120 : vector<16xf32>
      %get3A_122 = arith.constant 256 : index
      %get3A_123 = tpu.vector_load %arg15[%get3A_122] {strides = array<i32>} : memref<512xf32, #tpu.memory_space<vmem>>, vector<16xf32>,
      %mul3A_124 = arith.mulf %gather3A, %get3A_123 : vector<16xf32>
      %add3A_125 = arith.addf %broadcast_in_dim3A_110, %mul3A_124 : vector<16xf32>
      %add3A_126 = arith.constant 1 : i32
      %add3A_127 = vector.broadcast %add3A_126 : i32 to vector<16xi32>
      %add3A_128 = arith.addi %iota3A, %add3A_127 : vector<16xi32>
      %and3A_129 = arith.constant 15 : i32
      %and3A_130 = vector.broadcast %and3A_129 : i32 to vector<16xi32>
      %and3A_131 = arith.andi %add3A_128, %and3A_130 : vector<16xi32>
      %add3A_132 = arith.addi %mul3A_103, %and3A_131 : vector<16xi32>
      %gather3A_133 = tpu.vector_load_idx %arg13[%add3A_107, %add3A_132] : memref<256x128xf32, #tpu.memory_space<vmem>>[vector<16xi32>, vector<16xi32>], vector<16xf32>,
      %get3A_134 = arith.constant 16 : index
      %get3A_135 = tpu.vector_load %arg15[%get3A_134] {strides = array<i32>} : memref<512xf32, #tpu.memory_space<vmem>>, vector<16xf32>,
      %mul3A_136 = arith.mulf %gather3A_133, %get3A_135 : vector<16xf32>
      %add3A_137 = arith.addf %add3A_121, %mul3A_136 : vector<16xf32>
      %get3A_138 = arith.constant 272 : index
      %get3A_139 = tpu.vector_load %arg15[%get3A_138] {strides = array<i32>} : memref<512xf32, #tpu.memory_space<vmem>>, vector<16xf32>,
      %mul3A_140 = arith.mulf %gather3A_133, %get3A_139 : vector<16xf32>
      %add3A_141 = arith.addf %add3A_125, %mul3A_140 : vector<16xf32>
      %add3A_142 = arith.constant 2 : i32
      %add3A_143 = vector.broadcast %add3A_142 : i32 to vector<16xi32>
      %add3A_144 = arith.addi %iota3A, %add3A_143 : vector<16xi32>
      %and3A_145 = arith.constant 15 : i32
      %and3A_146 = vector.broadcast %and3A_145 : i32 to vector<16xi32>
      %and3A_147 = arith.andi %add3A_144, %and3A_146 : vector<16xi32>
      %add3A_148 = arith.addi %mul3A_103, %and3A_147 : vector<16xi32>
      %gather3A_149 = tpu.vector_load_idx %arg13[%add3A_107, %add3A_148] : memref<256x128xf32, #tpu.memory_space<vmem>>[vector<16xi32>, vector<16xi32>], vector<16xf32>,
      %get3A_150 = arith.constant 32 : index
      %get3A_151 = tpu.vector_load %arg15[%get3A_150] {strides = array<i32>} : memref<512xf32, #tpu.memory_space<vmem>>, vector<16xf32>,
      %mul3A_152 = arith.mulf %gather3A_149, %get3A_151 : vector<16xf32>
      %add3A_153 = arith.addf %add3A_137, %mul3A_152 : vector<16xf32>
      %get3A_154 = arith.constant 288 : index
      %get3A_155 = tpu.vector_load %arg15[%get3A_154] {strides = array<i32>} : memref<512xf32, #tpu.memory_space<vmem>>, vector<16xf32>,
      %mul3A_156 = arith.mulf %gather3A_149, %get3A_155 : vector<16xf32>
      %add3A_157 = arith.addf %add3A_141, %mul3A_156 : vector<16xf32>
      %add3A_158 = arith.constant 3 : i32
      %add3A_159 = vector.broadcast %add3A_158 : i32 to vector<16xi32>
      %add3A_160 = arith.addi %iota3A, %add3A_159 : vector<16xi32>
      %and3A_161 = arith.constant 15 : i32
      %and3A_162 = vector.broadcast %and3A_161 : i32 to vector<16xi32>
      %and3A_163 = arith.andi %add3A_160, %and3A_162 : vector<16xi32>
      %add3A_164 = arith.addi %mul3A_103, %and3A_163 : vector<16xi32>
      %gather3A_165 = tpu.vector_load_idx %arg13[%add3A_107, %add3A_164] : memref<256x128xf32, #tpu.memory_space<vmem>>[vector<16xi32>, vector<16xi32>], vector<16xf32>,
      %get3A_166 = arith.constant 48 : index
      %get3A_167 = tpu.vector_load %arg15[%get3A_166] {strides = array<i32>} : memref<512xf32, #tpu.memory_space<vmem>>, vector<16xf32>,
      %mul3A_168 = arith.mulf %gather3A_165, %get3A_167 : vector<16xf32>
      %add3A_169 = arith.addf %add3A_153, %mul3A_168 : vector<16xf32>
      %get3A_170 = arith.constant 304 : index
      %get3A_171 = tpu.vector_load %arg15[%get3A_170] {strides = array<i32>} : memref<512xf32, #tpu.memory_space<vmem>>, vector<16xf32>,
      %mul3A_172 = arith.mulf %gather3A_165, %get3A_171 : vector<16xf32>
      %add3A_173 = arith.addf %add3A_157, %mul3A_172 : vector<16xf32>
      %add3A_174 = arith.constant 4 : i32
      %add3A_175 = vector.broadcast %add3A_174 : i32 to vector<16xi32>
      %add3A_176 = arith.addi %iota3A, %add3A_175 : vector<16xi32>
      %and3A_177 = arith.constant 15 : i32
      %and3A_178 = vector.broadcast %and3A_177 : i32 to vector<16xi32>
      %and3A_179 = arith.andi %add3A_176, %and3A_178 : vector<16xi32>
      %add3A_180 = arith.addi %mul3A_103, %and3A_179 : vector<16xi32>
      %gather3A_181 = tpu.vector_load_idx %arg13[%add3A_107, %add3A_180] : memref<256x128xf32, #tpu.memory_space<vmem>>[vector<16xi32>, vector<16xi32>], vector<16xf32>,
      %get3A_182 = arith.constant 64 : index
      %get3A_183 = tpu.vector_load %arg15[%get3A_182] {strides = array<i32>} : memref<512xf32, #tpu.memory_space<vmem>>, vector<16xf32>,
      %mul3A_184 = arith.mulf %gather3A_181, %get3A_183 : vector<16xf32>
      %add3A_185 = arith.addf %add3A_169, %mul3A_184 : vector<16xf32>
      %get3A_186 = arith.constant 320 : index
      %get3A_187 = tpu.vector_load %arg15[%get3A_186] {strides = array<i32>} : memref<512xf32, #tpu.memory_space<vmem>>, vector<16xf32>,
      %mul3A_188 = arith.mulf %gather3A_181, %get3A_187 : vector<16xf32>
      %add3A_189 = arith.addf %add3A_173, %mul3A_188 : vector<16xf32>
      %add3A_190 = arith.constant 5 : i32
      %add3A_191 = vector.broadcast %add3A_190 : i32 to vector<16xi32>
      %add3A_192 = arith.addi %iota3A, %add3A_191 : vector<16xi32>
      %and3A_193 = arith.constant 15 : i32
      %and3A_194 = vector.broadcast %and3A_193 : i32 to vector<16xi32>
      %and3A_195 = arith.andi %add3A_192, %and3A_194 : vector<16xi32>
      %add3A_196 = arith.addi %mul3A_103, %and3A_195 : vector<16xi32>
      %gather3A_197 = tpu.vector_load_idx %arg13[%add3A_107, %add3A_196] : memref<256x128xf32, #tpu.memory_space<vmem>>[vector<16xi32>, vector<16xi32>], vector<16xf32>,
      %get3A_198 = arith.constant 80 : index
      %get3A_199 = tpu.vector_load %arg15[%get3A_198] {strides = array<i32>} : memref<512xf32, #tpu.memory_space<vmem>>, vector<16xf32>,
      %mul3A_200 = arith.mulf %gather3A_197, %get3A_199 : vector<16xf32>
      %add3A_201 = arith.addf %add3A_185, %mul3A_200 : vector<16xf32>
      %get3A_202 = arith.constant 336 : index
      %get3A_203 = tpu.vector_load %arg15[%get3A_202] {strides = array<i32>} : memref<512xf32, #tpu.memory_space<vmem>>, vector<16xf32>,
      %mul3A_204 = arith.mulf %gather3A_197, %get3A_203 : vector<16xf32>
      %add3A_205 = arith.addf %add3A_189, %mul3A_204 : vector<16xf32>
      %add3A_206 = arith.constant 6 : i32
      %add3A_207 = vector.broadcast %add3A_206 : i32 to vector<16xi32>
      %add3A_208 = arith.addi %iota3A, %add3A_207 : vector<16xi32>
      %and3A_209 = arith.constant 15 : i32
      %and3A_210 = vector.broadcast %and3A_209 : i32 to vector<16xi32>
      %and3A_211 = arith.andi %add3A_208, %and3A_210 : vector<16xi32>
      %add3A_212 = arith.addi %mul3A_103, %and3A_211 : vector<16xi32>
      %gather3A_213 = tpu.vector_load_idx %arg13[%add3A_107, %add3A_212] : memref<256x128xf32, #tpu.memory_space<vmem>>[vector<16xi32>, vector<16xi32>], vector<16xf32>,
      %get3A_214 = arith.constant 96 : index
      %get3A_215 = tpu.vector_load %arg15[%get3A_214] {strides = array<i32>} : memref<512xf32, #tpu.memory_space<vmem>>, vector<16xf32>,
      %mul3A_216 = arith.mulf %gather3A_213, %get3A_215 : vector<16xf32>
      %add3A_217 = arith.addf %add3A_201, %mul3A_216 : vector<16xf32>
      %get3A_218 = arith.constant 352 : index
      %get3A_219 = tpu.vector_load %arg15[%get3A_218] {strides = array<i32>} : memref<512xf32, #tpu.memory_space<vmem>>, vector<16xf32>,
      %mul3A_220 = arith.mulf %gather3A_213, %get3A_219 : vector<16xf32>
      %add3A_221 = arith.addf %add3A_205, %mul3A_220 : vector<16xf32>
      %add3A_222 = arith.constant 7 : i32
      %add3A_223 = vector.broadcast %add3A_222 : i32 to vector<16xi32>
      %add3A_224 = arith.addi %iota3A, %add3A_223 : vector<16xi32>
      %and3A_225 = arith.constant 15 : i32
      %and3A_226 = vector.broadcast %and3A_225 : i32 to vector<16xi32>
      %and3A_227 = arith.andi %add3A_224, %and3A_226 : vector<16xi32>
      %add3A_228 = arith.addi %mul3A_103, %and3A_227 : vector<16xi32>
      %gather3A_229 = tpu.vector_load_idx %arg13[%add3A_107, %add3A_228] : memref<256x128xf32, #tpu.memory_space<vmem>>[vector<16xi32>, vector<16xi32>], vector<16xf32>,
      %get3A_230 = arith.constant 112 : index
      %get3A_231 = tpu.vector_load %arg15[%get3A_230] {strides = array<i32>} : memref<512xf32, #tpu.memory_space<vmem>>, vector<16xf32>,
      %mul3A_232 = arith.mulf %gather3A_229, %get3A_231 : vector<16xf32>
      %add3A_233 = arith.addf %add3A_217, %mul3A_232 : vector<16xf32>
      %get3A_234 = arith.constant 368 : index
      %get3A_235 = tpu.vector_load %arg15[%get3A_234] {strides = array<i32>} : memref<512xf32, #tpu.memory_space<vmem>>, vector<16xf32>,
      %mul3A_236 = arith.mulf %gather3A_229, %get3A_235 : vector<16xf32>
      %add3A_237 = arith.addf %add3A_221, %mul3A_236 : vector<16xf32>
      %add3A_238 = arith.constant 8 : i32
      %add3A_239 = vector.broadcast %add3A_238 : i32 to vector<16xi32>
      %add3A_240 = arith.addi %iota3A, %add3A_239 : vector<16xi32>
      %and3A_241 = arith.constant 15 : i32
      %and3A_242 = vector.broadcast %and3A_241 : i32 to vector<16xi32>
      %and3A_243 = arith.andi %add3A_240, %and3A_242 : vector<16xi32>
      %add3A_244 = arith.addi %mul3A_103, %and3A_243 : vector<16xi32>
      %gather3A_245 = tpu.vector_load_idx %arg13[%add3A_107, %add3A_244] : memref<256x128xf32, #tpu.memory_space<vmem>>[vector<16xi32>, vector<16xi32>], vector<16xf32>,
      %get3A_246 = arith.constant 128 : index
      %get3A_247 = tpu.vector_load %arg15[%get3A_246] {strides = array<i32>} : memref<512xf32, #tpu.memory_space<vmem>>, vector<16xf32>,
      %mul3A_248 = arith.mulf %gather3A_245, %get3A_247 : vector<16xf32>
      %add3A_249 = arith.addf %add3A_233, %mul3A_248 : vector<16xf32>
      %get3A_250 = arith.constant 384 : index
      %get3A_251 = tpu.vector_load %arg15[%get3A_250] {strides = array<i32>} : memref<512xf32, #tpu.memory_space<vmem>>, vector<16xf32>,
      %mul3A_252 = arith.mulf %gather3A_245, %get3A_251 : vector<16xf32>
      %add3A_253 = arith.addf %add3A_237, %mul3A_252 : vector<16xf32>
      %add3A_254 = arith.constant 9 : i32
      %add3A_255 = vector.broadcast %add3A_254 : i32 to vector<16xi32>
      %add3A_256 = arith.addi %iota3A, %add3A_255 : vector<16xi32>
      %and3A_257 = arith.constant 15 : i32
      %and3A_258 = vector.broadcast %and3A_257 : i32 to vector<16xi32>
      %and3A_259 = arith.andi %add3A_256, %and3A_258 : vector<16xi32>
      %add3A_260 = arith.addi %mul3A_103, %and3A_259 : vector<16xi32>
      %gather3A_261 = tpu.vector_load_idx %arg13[%add3A_107, %add3A_260] : memref<256x128xf32, #tpu.memory_space<vmem>>[vector<16xi32>, vector<16xi32>], vector<16xf32>,
      %get3A_262 = arith.constant 144 : index
      %get3A_263 = tpu.vector_load %arg15[%get3A_262] {strides = array<i32>} : memref<512xf32, #tpu.memory_space<vmem>>, vector<16xf32>,
      %mul3A_264 = arith.mulf %gather3A_261, %get3A_263 : vector<16xf32>
      %add3A_265 = arith.addf %add3A_249, %mul3A_264 : vector<16xf32>
      %get3A_266 = arith.constant 400 : index
      %get3A_267 = tpu.vector_load %arg15[%get3A_266] {strides = array<i32>} : memref<512xf32, #tpu.memory_space<vmem>>, vector<16xf32>,
      %mul3A_268 = arith.mulf %gather3A_261, %get3A_267 : vector<16xf32>
      %add3A_269 = arith.addf %add3A_253, %mul3A_268 : vector<16xf32>
      %add3A_270 = arith.constant 10 : i32
      %add3A_271 = vector.broadcast %add3A_270 : i32 to vector<16xi32>
      %add3A_272 = arith.addi %iota3A, %add3A_271 : vector<16xi32>
      %and3A_273 = arith.constant 15 : i32
      %and3A_274 = vector.broadcast %and3A_273 : i32 to vector<16xi32>
      %and3A_275 = arith.andi %add3A_272, %and3A_274 : vector<16xi32>
      %add3A_276 = arith.addi %mul3A_103, %and3A_275 : vector<16xi32>
      %gather3A_277 = tpu.vector_load_idx %arg13[%add3A_107, %add3A_276] : memref<256x128xf32, #tpu.memory_space<vmem>>[vector<16xi32>, vector<16xi32>], vector<16xf32>,
      %get3A_278 = arith.constant 160 : index
      %get3A_279 = tpu.vector_load %arg15[%get3A_278] {strides = array<i32>} : memref<512xf32, #tpu.memory_space<vmem>>, vector<16xf32>,
      %mul3A_280 = arith.mulf %gather3A_277, %get3A_279 : vector<16xf32>
      %add3A_281 = arith.addf %add3A_265, %mul3A_280 : vector<16xf32>
      %get3A_282 = arith.constant 416 : index
      %get3A_283 = tpu.vector_load %arg15[%get3A_282] {strides = array<i32>} : memref<512xf32, #tpu.memory_space<vmem>>, vector<16xf32>,
      %mul3A_284 = arith.mulf %gather3A_277, %get3A_283 : vector<16xf32>
      %add3A_285 = arith.addf %add3A_269, %mul3A_284 : vector<16xf32>
      %add3A_286 = arith.constant 11 : i32
      %add3A_287 = vector.broadcast %add3A_286 : i32 to vector<16xi32>
      %add3A_288 = arith.addi %iota3A, %add3A_287 : vector<16xi32>
      %and3A_289 = arith.constant 15 : i32
      %and3A_290 = vector.broadcast %and3A_289 : i32 to vector<16xi32>
      %and3A_291 = arith.andi %add3A_288, %and3A_290 : vector<16xi32>
      %add3A_292 = arith.addi %mul3A_103, %and3A_291 : vector<16xi32>
      %gather3A_293 = tpu.vector_load_idx %arg13[%add3A_107, %add3A_292] : memref<256x128xf32, #tpu.memory_space<vmem>>[vector<16xi32>, vector<16xi32>], vector<16xf32>,
      %get3A_294 = arith.constant 176 : index
      %get3A_295 = tpu.vector_load %arg15[%get3A_294] {strides = array<i32>} : memref<512xf32, #tpu.memory_space<vmem>>, vector<16xf32>,
      %mul3A_296 = arith.mulf %gather3A_293, %get3A_295 : vector<16xf32>
      %add3A_297 = arith.addf %add3A_281, %mul3A_296 : vector<16xf32>
      %get3A_298 = arith.constant 432 : index
      %get3A_299 = tpu.vector_load %arg15[%get3A_298] {strides = array<i32>} : memref<512xf32, #tpu.memory_space<vmem>>, vector<16xf32>,
      %mul3A_300 = arith.mulf %gather3A_293, %get3A_299 : vector<16xf32>
      %add3A_301 = arith.addf %add3A_285, %mul3A_300 : vector<16xf32>
      %add3A_302 = arith.constant 12 : i32
      %add3A_303 = vector.broadcast %add3A_302 : i32 to vector<16xi32>
      %add3A_304 = arith.addi %iota3A, %add3A_303 : vector<16xi32>
      %and3A_305 = arith.constant 15 : i32
      %and3A_306 = vector.broadcast %and3A_305 : i32 to vector<16xi32>
      %and3A_307 = arith.andi %add3A_304, %and3A_306 : vector<16xi32>
      %add3A_308 = arith.addi %mul3A_103, %and3A_307 : vector<16xi32>
      %gather3A_309 = tpu.vector_load_idx %arg13[%add3A_107, %add3A_308] : memref<256x128xf32, #tpu.memory_space<vmem>>[vector<16xi32>, vector<16xi32>], vector<16xf32>,
      %get3A_310 = arith.constant 192 : index
      %get3A_311 = tpu.vector_load %arg15[%get3A_310] {strides = array<i32>} : memref<512xf32, #tpu.memory_space<vmem>>, vector<16xf32>,
      %mul3A_312 = arith.mulf %gather3A_309, %get3A_311 : vector<16xf32>
      %add3A_313 = arith.addf %add3A_297, %mul3A_312 : vector<16xf32>
      %get3A_314 = arith.constant 448 : index
      %get3A_315 = tpu.vector_load %arg15[%get3A_314] {strides = array<i32>} : memref<512xf32, #tpu.memory_space<vmem>>, vector<16xf32>,
      %mul3A_316 = arith.mulf %gather3A_309, %get3A_315 : vector<16xf32>
      %add3A_317 = arith.addf %add3A_301, %mul3A_316 : vector<16xf32>
      %add3A_318 = arith.constant 13 : i32
      %add3A_319 = vector.broadcast %add3A_318 : i32 to vector<16xi32>
      %add3A_320 = arith.addi %iota3A, %add3A_319 : vector<16xi32>
      %and3A_321 = arith.constant 15 : i32
      %and3A_322 = vector.broadcast %and3A_321 : i32 to vector<16xi32>
      %and3A_323 = arith.andi %add3A_320, %and3A_322 : vector<16xi32>
      %add3A_324 = arith.addi %mul3A_103, %and3A_323 : vector<16xi32>
      %gather3A_325 = tpu.vector_load_idx %arg13[%add3A_107, %add3A_324] : memref<256x128xf32, #tpu.memory_space<vmem>>[vector<16xi32>, vector<16xi32>], vector<16xf32>,
      %get3A_326 = arith.constant 208 : index
      %get3A_327 = tpu.vector_load %arg15[%get3A_326] {strides = array<i32>} : memref<512xf32, #tpu.memory_space<vmem>>, vector<16xf32>,
      %mul3A_328 = arith.mulf %gather3A_325, %get3A_327 : vector<16xf32>
      %add3A_329 = arith.addf %add3A_313, %mul3A_328 : vector<16xf32>
      %get3A_330 = arith.constant 464 : index
      %get3A_331 = tpu.vector_load %arg15[%get3A_330] {strides = array<i32>} : memref<512xf32, #tpu.memory_space<vmem>>, vector<16xf32>,
      %mul3A_332 = arith.mulf %gather3A_325, %get3A_331 : vector<16xf32>
      %add3A_333 = arith.addf %add3A_317, %mul3A_332 : vector<16xf32>
      %add3A_334 = arith.constant 14 : i32
      %add3A_335 = vector.broadcast %add3A_334 : i32 to vector<16xi32>
      %add3A_336 = arith.addi %iota3A, %add3A_335 : vector<16xi32>
      %and3A_337 = arith.constant 15 : i32
      %and3A_338 = vector.broadcast %and3A_337 : i32 to vector<16xi32>
      %and3A_339 = arith.andi %add3A_336, %and3A_338 : vector<16xi32>
      %add3A_340 = arith.addi %mul3A_103, %and3A_339 : vector<16xi32>
      %gather3A_341 = tpu.vector_load_idx %arg13[%add3A_107, %add3A_340] : memref<256x128xf32, #tpu.memory_space<vmem>>[vector<16xi32>, vector<16xi32>], vector<16xf32>,
      %get3A_342 = arith.constant 224 : index
      %get3A_343 = tpu.vector_load %arg15[%get3A_342] {strides = array<i32>} : memref<512xf32, #tpu.memory_space<vmem>>, vector<16xf32>,
      %mul3A_344 = arith.mulf %gather3A_341, %get3A_343 : vector<16xf32>
      %add3A_345 = arith.addf %add3A_329, %mul3A_344 : vector<16xf32>
      %get3A_346 = arith.constant 480 : index
      %get3A_347 = tpu.vector_load %arg15[%get3A_346] {strides = array<i32>} : memref<512xf32, #tpu.memory_space<vmem>>, vector<16xf32>,
      %mul3A_348 = arith.mulf %gather3A_341, %get3A_347 : vector<16xf32>
      %add3A_349 = arith.addf %add3A_333, %mul3A_348 : vector<16xf32>
      %add3A_350 = arith.constant 15 : i32
      %add3A_351 = vector.broadcast %add3A_350 : i32 to vector<16xi32>
      %add3A_352 = arith.addi %iota3A, %add3A_351 : vector<16xi32>
      %and3A_353 = arith.constant 15 : i32
      %and3A_354 = vector.broadcast %and3A_353 : i32 to vector<16xi32>
      %and3A_355 = arith.andi %add3A_352, %and3A_354 : vector<16xi32>
      %add3A_356 = arith.addi %mul3A_103, %and3A_355 : vector<16xi32>
      %gather3A_357 = tpu.vector_load_idx %arg13[%add3A_107, %add3A_356] : memref<256x128xf32, #tpu.memory_space<vmem>>[vector<16xi32>, vector<16xi32>], vector<16xf32>,
      %get3A_358 = arith.constant 240 : index
      %get3A_359 = tpu.vector_load %arg15[%get3A_358] {strides = array<i32>} : memref<512xf32, #tpu.memory_space<vmem>>, vector<16xf32>,
      %mul3A_360 = arith.mulf %gather3A_357, %get3A_359 : vector<16xf32>
      %add3A_361 = arith.addf %add3A_345, %mul3A_360 : vector<16xf32>
      %get3A_362 = arith.constant 496 : index
      %get3A_363 = tpu.vector_load %arg15[%get3A_362] {strides = array<i32>} : memref<512xf32, #tpu.memory_space<vmem>>, vector<16xf32>,
      %mul3A_364 = arith.mulf %gather3A_357, %get3A_363 : vector<16xf32>
      %add3A_365 = arith.addf %add3A_349, %mul3A_364 : vector<16xf32>
      %swap3A = arith.constant 0 : index
      %swap3A_366 = tpu.vector_load %arg17[%swap3A] {strides = array<i32>} : memref<32xf32, #tpu.memory_space<vmem>>, vector<16xf32>,
      tpu.vector_store %arg17[%swap3A], %add3A_361 {strides = array<i32>} : memref<32xf32, #tpu.memory_space<vmem>>, vector<16xf32>,
      %swap3A_367 = arith.constant 16 : index
      %swap3A_368 = tpu.vector_load %arg17[%swap3A_367] {strides = array<i32>} : memref<32xf32, #tpu.memory_space<vmem>>, vector<16xf32>,
      tpu.vector_store %arg17[%swap3A_367], %add3A_365 {strides = array<i32>} : memref<32xf32, #tpu.memory_space<vmem>>, vector<16xf32>,
      %gather3A_369 = tpu.vector_load_idx %arg17[%xor3A_40] : memref<32xf32, #tpu.memory_space<vmem>>[vector<16xi32>], vector<16xf32>,
      %gather3A_370 = tpu.vector_load_idx %arg17[%add3A_43] : memref<32xf32, #tpu.memory_space<vmem>>[vector<16xi32>], vector<16xf32>,
      %add3A_371 = arith.addf %add3A_361, %gather3A_369 : vector<16xf32>
      %add3A_372 = arith.addf %add3A_365, %gather3A_370 : vector<16xf32>
      %select_n3A = arith.select %eq3A_38, %add3A_371, %add3A_372 : vector<16xi1>, vector<16xf32>
      %add3A_373 = arith.addf %select_n3A, %get3A_44 : vector<16xf32>
      %swap3A_374 = arith.index_cast %add3A_95 : i32 to index
      %swap3A_375 = tpu.vector_load %arg14[%swap3A_374] {strides = array<i32>} : memref<1024xf32, #tpu.memory_space<vmem>>, vector<16xf32>,
      tpu.vector_store %arg14[%swap3A_374], %add3A_373 {strides = array<i32>} : memref<1024xf32, #tpu.memory_space<vmem>>, vector<16xf32>,
      %scan3A_376 = arith.constant 0 : i32
      scf.yield %scan3A_376 : i32
    }
    %scan3A_89 = arith.constant 16 : i32
    "tpu.region"() ({
      %run_scoped3A = tpu.sem_alloc : memref<!tpu.dma_semaphore, #tpu.memory_space<semaphore_mem>>
      %dma_start3A_90 = tpu.memref_slice %arg6[%mul3A_2] : memref<32768xf32, #tpu.memory_space<hbm>> -> memref<1024xf32, #tpu.memory_space<hbm>>
      %dma_start3A_91 = tpu.memref_slice %arg6[%mul3A_2] : memref<32768xf32, #tpu.memory_space<hbm>> -> memref<1024xf32, #tpu.memory_space<hbm>>
      tpu.enqueue_dma source(%arg14 : memref<1024xf32, #tpu.memory_space<vmem>>) target(%dma_start3A_91 : memref<1024xf32, #tpu.memory_space<hbm>>) target_semaphore(%run_scoped3A : memref<!tpu.dma_semaphore, #tpu.memory_space<semaphore_mem>>)
      %dma_wait3A_92 = tpu.memref_slice %arg6[%mul3A_2] : memref<32768xf32, #tpu.memory_space<hbm>> -> memref<1024xf32, #tpu.memory_space<hbm>>
      %dma_wait3A_93 = tpu.memref_slice %arg6[%mul3A_2] : memref<32768xf32, #tpu.memory_space<hbm>> -> memref<1024xf32, #tpu.memory_space<hbm>>
      tpu.wait_dma2 semaphore(%run_scoped3A : memref<!tpu.dma_semaphore, #tpu.memory_space<semaphore_mem>>) src(%arg14 : memref<1024xf32, #tpu.memory_space<vmem>>) dst(%dma_wait3A_93 : memref<1024xf32, #tpu.memory_space<hbm>>)
      tpu.yield
    }) : () -> ()
    return
  }
}

</mosaic_0001>

<sc_bundles>
// kernel: kernel.3.cloned.1.call-start
scs
__scs_entry_jumppad:
0x0: {  	(pc) =	sbr.rel $0x88, $3  }
0x1: {  	(tag) =	ssettag $0x0;
	lr =	simm.s32 $0x1  }
0x2: {  	[smem:$0x3F9D] =	sst lr;
	_ =	strace $0xD0000000  }
0x3: {  	_ = 	snop  }
0x4: {  	_ = 	snop  }
0x5: {  	_ = 	snop  }
0x6: {  	_ = 	snop  }
0x7: {  	_ = 	snop  }
__scs_overlays_trampoline_lowered:
0x8: {  	[smem:$0x3FAC] =	sst s0  }
0x9: {  	[smem:$0x3FAD] =	sst s1  }
0xa: {  	[smem:$0x3FAE] =	sst s2  }
0xb: {  	[smem:$0x3FAF] =	sst s3  }
0xc: {  	[smem:$0x3FB0] =	sst s4  }
0xd: {  	[smem:$0x3FB1] =	sst s5  }
0xe: {  	[smem:$0x3FB2] =	sst s6  }
0xf: {  	[smem:$0x3FB3] =	sst s7  }
0x10: {  	[smem:$0x3FB4] =	sst s8  }
0x11: {  	[smem:$0x3FB5] =	sst s9;
	s0 =	simm.s32 @!p0 $0x0  }
0x12: {  	s1 =	sld [smem:$0x3F9B];
	s0 =	simm.s32 @p0 $0x1  }
0x13: {  	[smem:$0x3FB6] =	sst s0;
	s0 =	simm.s32 @!p1 $0x0  }
0x14: {  	s2 =	sld [smem:$0x3F9A];
	s0 =	simm.s32 @p1 $0x1  }
0x15: {  	[smem:$0x3FB7] =	sst s0;
	s0 =	simm.s32 @!p2 $0x0  }
0x16: {  	s3 =	sld [smem:$0x3FDB];
	s0 =	simm.s32 @p2 $0x1  }
0x17: {  	s4 =	simm.s32 $0x1BF5;
	[smem:$0x3FB9] =	sst s0  }
0x18: {  	s0 =	sld [smem:$0x3F9C];
	_ =	swait.ge [sflag:s4], $0x0  }
0x19: {  	s7 =	sld [smem:$0x3F9D]  }
0x1a: {  	s8 =	sadd.s32 $0xFFFFE003, lr  }
0x1b: {  	s9 =	sadd.s32 $0xFFFFFEF7, lr;
	s5 =	simm.s32 $0xFFFFFFFF;
	p2 =	slt.u32 s8, $0xFFFFF086  }
0x1c: {  	p1 =	slt.u32 s9, $0xF7A;
	s5 =	simm.s32 @!p2 $0x0  }
0x1d: {  	s5 =	simm.s32 @p1 $0x1;
	p0 =	seq.s32 s7, s2  }
0x1e: {  	s7 =	smul.u32 @!p0 $0xF7A, s2;
	p2 =	seq.s32 @!p0 s5, $0x0  }
0x1f: {  	s9 =	smul.u32 $0xF7A, s1;
	s8 =	simm.s32 @!p0 $0x1BF5;
	p2 =	por !p2, p0  }
0x20: {  	[sflag:s8] =	ssyncset.s32 @!p0 $0xFFFFF086;
	s6 =	sadd.s32 @!p0 s3, s7;
	s7 =	simm.s32 @!p0 $0x108  }
0x21: {  	s3 =	sadd.s32 s3, s9;
	s6 =	sadd.s32 @!p0 $0x88, s6;
	s7 =	simm.s32 @p2 $0x1082  }
0x22: {  	[simem:s7], [sflag:s8] =	dma.local @!p0 [hbm:s6], $0xF7A  }
0x23: {  	s9 =	sor.u32 $0xD0000000, s2;
	s6 =	simm.s32 $0x108;
	_ =	swait.ge @!p0 [sflag:s8], $0x0  }
0x24: {  	s3 =	sadd.s32 $0x88, s3;
	s6 =	simm.s32 @!p1 $0x1082;
	[sflag:s4] =	ssyncset.s32 $0xFFFFF086  }
0x25: {  	[simem:s6], [sflag:s4] =	dma.local [hbm:s3], $0xF7A  }
0x26: {  	[smem:$0x3F9D] =	sst s1;
	(tag) =	ssettag s2;
	_ =	strace s9  }
0x27: {  	s1 =	sld [smem:$0x3FAD]  }
0x28: {  	s2 =	sld [smem:$0x3FAE]  }
0x29: {  	s4 =	sld [smem:$0x3FB0]  }
0x2a: {  	p0 =	seq.s32 s5, $0x0;
	s5 =	sld [smem:$0x3FB1]  }
0x2b: {  	s6 =	sld [smem:$0x3FB2]  }
0x2c: {  	s7 =	sld [smem:$0x3FB3]  }
0x2d: {  	s3 =	simm.s32 $0x108;
	s8 =	sld [smem:$0x3FB4]  }
0x2e: {  	s3 =	simm.s32 @!p0 $0x1082;
	s9 =	sld [smem:$0x3FB5]  }
0x2f: {  	lr =	sadd.s32 s0, s3;
	s0 =	sld [smem:$0x3FAC]  }
0x30: {  	s3 =	sld [smem:$0x3FAF]  }
0x31: {  	[smem:$0x3FB8] =	sst s10  }
0x32: {  	s10 =	sld [smem:$0x3FB6];
	_ =	sdelay $0x3  }
0x33: {  	p0 =	seq.s32 s10, $0x1;
	s10 =	sld [smem:$0x3FB8];
	_ =	sdelay $0x3  }
0x34: {  	[smem:$0x3FB8] =	sst s10  }
0x35: {  	s10 =	sld [smem:$0x3FB7];
	_ =	sdelay $0x3  }
0x36: {  	p1 =	seq.s32 s10, $0x1;
	s10 =	sld [smem:$0x3FB8];
	_ =	sdelay $0x3  }
0x37: {  	[smem:$0x3FB8] =	sst s10  }
0x38: {  	s10 =	sld [smem:$0x3FB9]  }
0x39: {  	_ = 	snop;
	(pc) =	sbr.ind lr, $3  }
0x3a: {  	_ = 	snop  }
0x3b: {  	_ = 	snop  }
0x3c: {  	p2 =	seq.s32 s10, $0x1;
	s10 =	sld [smem:$0x3FB8]  }
0x3d: {  	_ =	shalt  }
0x3e: {  	_ =	shalt  }
0x3f: {  	_ =	shalt  }
0x40: {  	_ =	shalt  }
0x41: {  	_ =	shalt  }
0x42: {  	_ =	shalt  }
0x43: {  	_ =	shalt  }
0x44: {  	_ =	shalt  }
0x45: {  	_ =	shalt  }
0x46: {  	_ =	shalt  }
0x47: {  	_ =	shalt  }
0x48: {  	_ =	shalt  }
0x49: {  	_ =	shalt  }
0x4a: {  	_ =	shalt  }
0x4b: {  	_ =	shalt  }
0x4c: {  	_ =	shalt  }
0x4d: {  	_ =	shalt  }
0x4e: {  	_ =	shalt  }
0x4f: {  	_ =	shalt  }
0x50: {  	_ =	shalt  }
0x51: {  	_ =	shalt  }
0x52: {  	_ =	shalt  }
0x53: {  	_ =	shalt  }
0x54: {  	_ =	shalt  }
0x55: {  	_ =	shalt  }
0x56: {  	_ =	shalt  }
0x57: {  	_ =	shalt  }
0x58: {  	_ =	shalt  }
0x59: {  	_ =	shalt  }
0x5a: {  	_ =	shalt  }
0x5b: {  	_ =	shalt  }
0x5c: {  	_ =	shalt  }
0x5d: {  	_ =	shalt  }
0x5e: {  	_ =	shalt  }
0x5f: {  	_ =	shalt  }
0x60: {  	_ =	shalt  }
0x61: {  	_ =	shalt  }
0x62: {  	_ =	shalt  }
0x63: {  	_ =	shalt  }
0x64: {  	_ =	shalt  }
0x65: {  	_ =	shalt  }
0x66: {  	_ =	shalt  }
0x67: {  	_ =	shalt  }
0x68: {  	_ =	shalt  }
0x69: {  	_ =	shalt  }
0x6a: {  	_ =	shalt  }
0x6b: {  	_ =	shalt  }
0x6c: {  	_ =	shalt  }
0x6d: {  	_ =	shalt  }
0x6e: {  	_ =	shalt  }
0x6f: {  	_ =	shalt  }
0x70: {  	_ =	shalt  }
0x71: {  	_ =	shalt  }
0x72: {  	_ =	shalt  }
0x73: {  	_ =	shalt  }
0x74: {  	_ =	shalt  }
0x75: {  	_ =	shalt  }
0x76: {  	_ =	shalt  }
0x77: {  	_ =	shalt  }
0x78: {  	_ =	shalt  }
0x79: {  	_ =	shalt  }
0x7a: {  	_ =	shalt  }
0x7b: {  	_ =	shalt  }
0x7c: {  	_ =	shalt  }
0x7d: {  	_ =	shalt  }
0x7e: {  	_ =	shalt  }
0x7f: {  	_ =	shalt  }
0x80: {  	_ =	shalt  }
0x81: {  	_ =	shalt  }
0x82: {  	_ =	shalt  }
0x83: {  	_ =	shalt  }
0x84: {  	_ =	shalt  }
0x85: {  	_ =	shalt  }
0x86: {  	_ =	shalt  }
0x87: {  	_ =	shalt  }
.Lfunc_end0:
.L_simem_size_0:
called_computation.2_lowered:
.L_overlay_start_0:
0x88: {  	s2 =	sld [smem:$0x3FD9]  }
0x89: {  	s3 =	sld [smem:$0x3FFE];
	_ =	sdelay $0x1  }
0x8a: {  	s1 =	srdreg.scid  }
0x8b: {  	s0 =	sand.u32 $0x1, s1  }
0x8c: {  	s17 =	sshll.u32 s0, $0xA;
	s2 =	sadd.s32 s3, s2  }
0x8d: {  	s2 =	sadd.s32 s2, s17  }
0x8e: {  	[smem:$0x3FC4] =	sst s2  }
0x8f: {  	_ = 	snop  }
0x90: {  	s2 =	sld [smem:$0x3FD0];
	(tm) =	ssettm $0x1  }
0x91: {  	s18 =	sld [smem:$0x3FFB];
	_ =	sdelay $0x3  }
0x92: {  	_ =	strace s18  }
0x93: {  	s3 =	sld [smem:$0x3FFC];
	_ =	sdelay $0x3  }
0x94: {  	_ =	strace s3  }
0x95: {  	s3 =	sld [smem:$0x3FFD];
	_ =	sdelay $0x3  }
0x96: {  	_ =	strace s3  }
0x97: {  	_ =	strace $0x8FFFFFFF  }
0x98: {  	s19 =	sld [smem:$0x3FDB];
	_ =	sdelay $0x1  }
0x99: {  	s4 =	simm.s32 $_scs_section_size  }
0x9a: {  	s5 =	simm.s32 $_size__tile_overlayer_lowered;
	s6 =	simm.s32 $_tile_overlayer_lowered  }
0x9b: {  	s22 =	simm.s32 $0x1BFF;
	s21 =	sshll.u32 s6, $0x1;
	s3 =	sadd.s32 s4, s19  }
0x9c: {  	s7 =	simm.s32 $0x0;
	s20 =	sshll.u32 s5, $0x1;
	s5 =	sadd.s32 s21, s3  }
0x9d: {  	[timem:s7], [sflag:s22] =	dma.local [hbm:s5], s20  }
0x9e: {  	_ =	swait.ge [sflag:s22], s20  }
0x9f: {  	s4 =	ssub.s32 $0x0, s20;
	[sflag:s22] =	ssyncset.done $0x0  }
0xa0: {  	[sflag:s22] =	ssyncadd.s32 s4;
	_ =	sdelay $0x1  }
0xa1: {  	s23 =	simm.s32 $0x1B8B  }
0xa2: {  	_ =	swait.ge [sflag:s23], $0x1  }
0xa3: {  	[sflag:s23] =	ssyncset.done $0x0  }
0xa4: {  	s25 =	simm.s32 $0x1B8E;
	s24 =	sld [smem:$0x3FFE];
	[sflag:s23] =	ssyncadd.s32 $0xFFFFFFFF  }
0xa5: {  	s26 =	simm.s32 $execute0_lowered;
	[smem:$0x3FD2] =	sst s25  }
0xa6: {  	s5 =	sshll.u32 s26, $0x1;
	_ =	strace $0x8000004C;
	[dreg:$0x1] =	wrdreg $0xFFFFFFFF  }
0xa7: {  	s28 =	simm.s32 $_size_execute0_lowered;
	s3 =	sadd.s32 s3, s5;
	[dreg:$0x0] =	wrdreg $0x0  }
0xa8: {  	s5 =	sshll.u32 s28, $0x1;
	[dreg:$0x2] =	wrdreg s3  }
0xa9: {  	[dreg:$0x3] =	wrdreg s5  }
0xaa: {  	[dreg:$0x4] =	wrdreg $0xC0  }
0xab: {  	_ =	task [dreg:s7], $0x5FFFF  }
0xac: {  	[dreg:$0x1] =	wrdreg $0xFFFFFFFF  }
0xad: {  	[dreg:$0x0] =	wrdreg $0x60  }
0xae: {  	[dreg:$0x2] =	wrdreg s24  }
0xaf: {  	[dreg:$0x3] =	wrdreg s2  }
0xb0: {  	[dreg:$0x4] =	wrdreg $0x9  }
0xb1: {  	_ =	task.clear_ibuf [dreg:s7], $0x5FFFF;
	_ =	strace $0x9000004C  }
0xb2: {  	s29 =	simm.s32 $0x9;
	_ =	strace $0x8000004E  }
0xb3: {  	_ =	swait.ge [sflag:s29], $0x1  }
0xb4: {  	[sflag:s29] =	ssyncadd.s32 $0xFFFFFFFF  }
0xb5: {  	_ =	strace $0x9000004E  }
0xb6: {  	_ =	sfence  }
0xb7: {  	s30 =	sld [smem:$0x0];
	_ =	sdelay $0x2  }
0xb8: {  	s31 =	sshll.u32 s1, $0xD;
	s1 =	sshrl.u32 s1, $0x2  }
0xb9: {  	s3 =	sand.u32 $0x4000, s31;
	s1 =	sadd.s32 s1, s30  }
0xba: {  	s0 =	sor.u32 s3, s0;
	s1 =	sshll.u32 s1, $0x11  }
0xbb: {  	s0 =	sor.u32 s1, s0  }
0xbc: {  	s0 =	sadd.s32 $0x8F2B, s0  }
0xbd: {  	[sflag:s0] =	ssyncadd.remote.s32 $0x1  }
0xbe: {  	_ =	sfence.sel $0xFFFF  }
0xbf: {  	[dreg:$0x0] =	wrdreg $0xFFFFFFFF;
	(pc) =	sbr.abs _section_cstart, $3  }
0xc0: {  	[dreg:$0x1] =	wrdreg $0xFFFFFFFF  }
0xc1: {  	_ =	task.clear_ibuf [dreg:s7], $0x2FFFF;
	_ =	strace $0x9FFFFFFF  }
0xc2: {  	(tm) =	ssettm $0x7FFFFFFF  }
0xc3: {  	_ =	shalt  }
tec
execute0_lowered:
.L_overlay_start_1:
0x0: {  	(tag) =	ssettag $0x1  }
0x1: {  	v0 =	vimm.s32 $0xFEDCBA9  }
0x2: {  	v1 =	vimm.s32 $0x87654321;
	v3 =	vimm.s32 $0x10FEDCBA;
	v4 =	vimm.s32 $0x98765432  }
0x3: {  	v5 =	vimm.s32 $0x210FEDCB;
	v6 =	vimm.s32 $0xA9876543;
	v19 =	vimm.s32 $0x6543210F  }
0x4: {  	v20 =	vimm.s32 $0xFEDCBA98;
	v21 =	vimm.s32 $0xEDCBA987;
	v22 =	vimm.s32 $0x76543210  }
0x5: {  	v61 =	vimm.s32 $0x12131011;
	v62 =	vimm.s32 $0x16171415;
	vm0 =	vcmask $0x1F10  }
0x6: {  	v63 =	vimm.s32 $0x67452301;
	vm1 =	vcmask $0x300;
	v0 =	vunpack.c.l.s4.s8 v0  }
0x7: {  	v1 =	vunpack.c.l.s4.s8 v1;
	v3 =	vunpack.c.l.s4.s8 v3;
	v4 =	vunpack.c.l.s4.s8 v4  }
0x8: {  	v5 =	vunpack.c.l.s4.s8 v5;
	v20 =	vunpack.c.l.s4.s8 v20;
	v19 =	vunpack.c.l.s4.s8 v19  }
0x9: {  	v21 =	vunpack.c.l.s4.s8 v21;
	v22 =	vunpack.c.l.s4.s8 v22;
	v9 =	vunpack.c.0.s8.s32 v0  }
0xa: {  	v10 =	vunpack.c.0.s8.s32 v1;
	v0 =	vlaneseq.u32;
	v11 =	vunpack.c.0.s8.s32 v3  }
0xb: {  	v3 =	vunpack.c.l.s4.s8 v6;
	v12 =	vunpack.c.0.s8.s32 v4;
	v13 =	vunpack.c.0.s8.s32 v5  }
0xc: {  	v4 =	vimm.s32 $0x3210FEDC;
	v5 =	vimm.s32 $0x43210FED;
	v6 =	vimm.s32 $0xCBA98765  }
0xd: {  	v19 =	vunpack.c.0.s8.s32 v19;
	v1 =	vmul.u32 $0x80, v0;
	v5 =	vunpack.c.l.s4.s8 v5  }
0xe: {  	v6 =	vunpack.c.l.s4.s8 v6;
	v2 =	vcombine.low v10, v9;
	v14 =	vunpack.c.0.s8.s32 v3  }
0xf: {  	v3 =	vunpack.c.l.s4.s8 v4;
	v4 =	vimm.s32 $0xBA987654;
	v7 =	vcombine.low v12, v11  }
0x10: {  	v10 =	vcombine.low v9, v10;
	v11 =	vcombine.low v11, v12;
	v4 =	vunpack.c.l.s4.s8 v4  }
0x11: {  	v17 =	vunpack.c.0.s8.s32 v5;
	v18 =	vunpack.c.0.s8.s32 v6;
	v6 =	vimm.s32 $0x543210FE  }
0x12: {  	v2 =	vand.u32 $0xF, v2;
	v8 =	vcombine.low v14, v13;
	v15 =	vunpack.c.0.s8.s32 v3  }
0x13: {  	v3 =	vand.u32 $0xF, v7;
	v6 =	vunpack.c.l.s4.s8 v6;
	v12 =	vcombine.low v13, v14  }
0x14: {  	v10 =	vand.u32 $0xF, v10;
	v11 =	vand.u32 $0xF, v11;
	v16 =	vunpack.c.0.s8.s32 v4  }
0x15: {  	v7 =	vcombine.low v18, v17;
	v14 =	vcombine.low v17, v18;
	v17 =	vimm.s32 $0xEFCDAB89  }
0x16: {  	v18 =	vimm.s32 $0x1E1F1C1D;
	v4 =	vand.u32 $0xF, v8;
	v8 =	vimm.s32 $0xDCBA9876  }
0x17: {  	v23 =	vunpack.c.0.s8.s32 v6;
	v6 =	vunpack.c.0.s8.s32 v20;
	v20 =	vunpack.c.0.s8.s32 v21  }
0x18: {  	v12 =	vand.u32 $0xF, v12;
	v18 =	vunpack.c.0.s8.s32 v18;
	v21 =	vunpack.c.0.s8.s32 v61  }
0x19: {  	v17 =	vunpack.c.l.s4.s8 v17;
	v5 =	vcombine.low v16, v15;
	v8 =	vunpack.c.l.s4.s8 v8  }
0x1a: {  	s6 =	rddreg [dreg:$0x0];
	v13 =	vcombine.low v15, v16;
	v14 =	vand.u32 $0xF, v14;
	v16 =	vimm.s32 $0x1A1B1819  }
0x1b: {  	s7 =	rddreg [dreg:$0x1];
	v60 =	vand.u32 $0xF, v6;
	v6 =	vand.u32 $0xF, v7;
	v25 =	vcombine.low v20, v19  }
0x1c: {  	s0 =	rddreg [dreg:$0x2];
	s1 =	simm.s32 $0x0;
	v16 =	vunpack.c.0.s8.s32 v16;
	v17 =	vunpack.c.0.s8.s32 v17;
	v19 =	vcombine.low v19, v20  }
0x1d: {  	s4 =	srdreg.scid;
	s2 =	stileid.u32;
	s12 =	simm.s32 $0x100;
	v24 =	vunpack.c.0.s8.s32 v8;
	v8 =	vunpack.c.0.s8.s32 v22;
	v5 =	vand.u32 $0xF, v5  }
0x1e: {  	s13 =	simm.s32 $0x400;
	s14 =	simm.s32 $0x800;
	s15 =	simm.s32 $0x500;
	v13 =	vand.u32 $0xF, v13;
	v22 =	vunpack.c.0.s8.s32 v62;
	v9 =	vand.u32 $0xF, v25  }
0x1f: {  	s16 =	simm.s32 $0x8800;
	s17 =	simm.s32 $0x1;
	s18 =	simm.s32 $0x600;
	v18 =	vsel vm0, v18, v16;
	v16 =	vunpack.c.l.s4.s8 v63;
	v59 =	vcombine.low v24, v23  }
0x20: {  	s19 =	simm.s32 $0x10E80;
	s20 =	simm.s32 $0x2;
	s21 =	simm.s32 $0x700;
	v7 =	vcombine.low v60, v8;
	v21 =	vsel vm0, v22, v21;
	vm0 =	vcmask $0xB08  }
0x21: {  	s22 =	simm.s32 $0x10800;
	s23 =	simm.s32 $0x0;
	[smem:$0x7FF] =	sst s1;
	v15 =	vcombine.low v23, v24;
	vm0 =	vmor vm1, vm0;
	vm1 =	vcmask $0x1310  }
0x22: {  	s3 =	sadd.s32 $0x1400, s6;
	s4 =	sand.u32 $0x1, s4;
	s5 =	sshll.u32 s2, $0x8;
	v16 =	vunpack.c.0.s8.s32 v16;
	vm0 =	vmor vm0, vm1;
	vm1 =	vcmask $0x1B18  }
0x23: {  	_ =	strace $0x8000004D;
	s8 =	sshll.u32 s4, $0x7;
	s9 =	ssub.s32 $0x2, s4;
	v18 =	vcombine.low v21, v18;
	vm0 =	vmor vm0, vm1;
	vm1 =	vcmask $0x2320  }
0x24: {  	s4 =	sadd.s32 $0x112C200, s6;
	s8 =	sor.u32 s8, s5;
	s10 =	sshrl.u32 s9, $0x1;
	v8 =	vand.u32 $0xF, v59;
	vm0 =	vmor vm0, vm1;
	vm1 =	vcmask $0x2B28  }
0x25: {  	s5 =	sadd.s32 $0x112C000, s6;
	s11 =	sadd.s32 s8, s6;
	s9 =	ssub.s32 s9, s10;
	v17 =	vcombine.low v16, v17;
	vm0 =	vmor vm0, vm1;
	vm1 =	vcmask $0x3330  }
0x26: {  	s6 =	sadd.s32 s7, s8;
	s10 =	simm.s32 $0x10C00;
	s7 =	sadd.s32 $0x1E9A00, s11;
	v15 =	vand.u32 $0xF, v15;
	vm0 =	vmor vm0, vm1;
	vm1 =	vcmask $0x3B38  }
0x27: {  	s8 =	smax.u32 s9, $0x1;
	s9 =	simm.s32 $0x3;
	s11 =	simm.s32 $0x10E00;
	v16 =	vand.u32 $0xF, v19;
	v17 =	vand.u32 $0xF, v17;
	vm0 =	vmor vm0, vm1  }
.LBB2_1:
0x28: {  	[tilespmem:s1], [sflag:$0x3] =	stream.linear.gather [hbm4b:s6+s1], $0x400, $0x38;
	[tilespmem:$0x10F00] =	vst v63  }
0x29: {  	_ =	swait.ge [sflag:s9], $0x400  }
0x2a: {  	[sflag:s9] =	ssyncset.done $0x0  }
0x2b: {  	[sflag:s9] =	ssyncadd.s32 $0xFFFFFC00  }
0x2c: {  	[tilespmem:s10], [sflag:$0x3] =	stream.linear.gather [hbm4b:s4+s1], $0x200, $0x38;
	[tilespmem:$0x10F00] =	vst v63  }
0x2d: {  	_ =	swait.ge [sflag:s9], $0x200  }
0x2e: {  	[sflag:s9] =	ssyncset.done $0x0  }
0x2f: {  	[sflag:s9] =	ssyncadd.s32 $0xFFFFFE00  }
0x30: {  	[tilespmem:s11], [sflag:$0x3] =	stream.linear.gather [hbm4b:s5+s1], $0x80, $0x38;
	[tilespmem:$0x10F00] =	vst v63  }
0x31: {  	_ =	swait.ge [sflag:s9], $0x80  }
0x32: {  	[sflag:s9] =	ssyncset.done $0x0  }
0x33: {  	[sflag:s9] =	ssyncadd.s32 $0xFFFFFF80  }
0x34: {  	v19 =	vld [tilespmem:$0x0]  }
0x35: {  	v20 =	vld [tilespmem:$0x10]  }
0x36: {  	v21 =	vld [tilespmem:$0x20]  }
0x37: {  	v22 =	vld [tilespmem:$0x30]  }
0x38: {  	v23 =	vld [tilespmem:$0x40]  }
0x39: {  	v24 =	vld [tilespmem:$0x50];
	v19 =	vshrl.u32 v19, $0x3  }
0x3a: {  	[tilespmem:$0x400] =	vst v19;
	v19 =	vshrl.u32 v20, $0x3;
	v20 =	vld [tilespmem:$0x60]  }
0x3b: {  	v56 =	vld [tilespmem:$0x70];
	[tilespmem:$0x410] =	vst v19;
	v19 =	vshrl.u32 v21, $0x3  }
0x3c: {  	v57 =	vld [tilespmem:$0x80];
	[tilespmem:$0x420] =	vst v19;
	v19 =	vshrl.u32 v22, $0x3  }
0x3d: {  	v58 =	vld [tilespmem:$0x90];
	[tilespmem:$0x430] =	vst v19;
	v19 =	vshrl.u32 v23, $0x3  }
0x3e: {  	v59 =	vld [tilespmem:$0xA0];
	[tilespmem:$0x440] =	vst v19;
	v19 =	vshrl.u32 v24, $0x3  }
0x3f: {  	[tilespmem:$0x450] =	vst v19;
	v19 =	vshrl.u32 v20, $0x3;
	v20 =	vld [tilespmem:$0xB0]  }
0x40: {  	v60 =	vld [tilespmem:$0xC0];
	[tilespmem:$0x460] =	vst v19;
	v19 =	vshrl.u32 v56, $0x3  }
0x41: {  	v61 =	vld [tilespmem:$0xD0];
	[tilespmem:$0x470] =	vst v19;
	v19 =	vshrl.u32 v57, $0x3  }
0x42: {  	v62 =	vld [tilespmem:$0xE0];
	[tilespmem:$0x480] =	vst v19;
	v19 =	vshrl.u32 v58, $0x3  }
0x43: {  	v63 =	vld [tilespmem:$0xF0];
	[tilespmem:$0x490] =	vst v19;
	v19 =	vshrl.u32 v59, $0x3  }
0x44: {  	[tilespmem:$0x4A0] =	vst v19;
	v19 =	vshrl.u32 v20, $0x3  }
0x45: {  	[tilespmem:$0x4B0] =	vst v19;
	v19 =	vshrl.u32 v60, $0x3  }
0x46: {  	[tilespmem:$0x4C0] =	vst v19;
	v19 =	vshrl.u32 v61, $0x3  }
0x47: {  	[tilespmem:$0x4D0] =	vst v19;
	v19 =	vshrl.u32 v62, $0x3  }
0x48: {  	[tilespmem:$0x4E0] =	vst v19;
	v19 =	vshrl.u32 v63, $0x3  }
0x49: {  	s24 =	sand.u32 $0xF0, s1;
	[tilespmem:$0x4F0] =	vst v19  }
0x4a: {  	v19 =	vld [tilespmem:s24+$0x100];
	_ =	sdelay $0x4  }
0x4b: {  	s31 =	simm.s32 $0x10;
	v19 =	vshrl.u32 v19, $0x3  }
0x4c: {  	s25 =	simm.s32 $0x20;
	s26 =	sand.u32 $0xF0, s31;
	s24 =	simm.s32 $0x500;
	[tilespmem:s15+$0x0] =	vst v19  }
.LBB2_2:
0x4d: {  	p0 =	sne.s32 s25, $0xF0;
	v19 =	vld [tilespmem:s26+$0x100];
	_ =	sdelay $0x1  }
.Ltmp0:
0x4e: {  	(pc) =	sbr.rel @p0 .LBB2_2-.Ltmp0, $3  }
0x4f: {  	_ =	sdelay $0x1  }
0x50: {  	s24 =	sadd.s32 $0x10, s24;
	v19 =	vshrl.u32 v19, $0x3  }
0x51: {  	s26 =	sand.u32 $0xF0, s25;
	s25 =	sadd.s32 $0x10, s25;
	[tilespmem:s24+$0x0] =	vst v19  }
0x52: {  	v19 =	vld [tilespmem:s26+$0x100];
	_ =	sdelay $0x4  }
0x53: {  	s24 =	sadd.s32 $0x10, s24;
	s25 =	simm.s32 $0x0;
	v19 =	vshrl.u32 v19, $0x3  }
0x54: {  	[tilespmem:s24+$0x0] =	vst v19;
	s24 =	sand.u32 $0xF0, s25  }
0x55: {  	v19 =	vld [tilespmem:s24+$0x200];
	_ =	sdelay $0x4  }
0x56: {  	s26 =	simm.s32 $0x600;
	s25 =	simm.s32 $0x10;
	v19 =	vshrl.u32 v19, $0x3  }
0x57: {  	s28 =	simm.s32 $0x20;
	s29 =	sand.u32 $0xF0, s25;
	[tilespmem:s26+$0x0] =	vst v19  }
.LBB2_4:
0x58: {  	p0 =	sne.s32 s28, $0xF0;
	v19 =	vld [tilespmem:s29+$0x200];
	_ =	sdelay $0x1  }
.Ltmp1:
0x59: {  	(pc) =	sbr.rel @p0 .LBB2_4-.Ltmp1, $3  }
0x5a: {  	_ =	sdelay $0x1  }
0x5b: {  	s26 =	sadd.s32 $0x10, s26;
	v19 =	vshrl.u32 v19, $0x3  }
0x5c: {  	s29 =	sand.u32 $0xF0, s28;
	s28 =	sadd.s32 $0x10, s28;
	[tilespmem:s26+$0x0] =	vst v19  }
0x5d: {  	v19 =	vld [tilespmem:s29+$0x200];
	_ =	sdelay $0x4  }
0x5e: {  	s26 =	sadd.s32 $0x10, s26;
	v19 =	vshrl.u32 v19, $0x3  }
0x5f: {  	[tilespmem:s26+$0x0] =	vst v19  }
0x60: {  	v19 =	vld [tilespmem:s24+$0x300];
	_ =	sdelay $0x4  }
0x61: {  	s24 =	simm.s32 $0x700;
	v19 =	vshrl.u32 v19, $0x3  }
0x62: {  	s26 =	sand.u32 $0xF0, s25;
	s25 =	simm.s32 $0x20;
	[tilespmem:s24+$0x0] =	vst v19  }
.LBB2_6:
0x63: {  	p0 =	sne.s32 s25, $0xF0;
	v19 =	vld [tilespmem:s26+$0x300];
	_ =	sdelay $0x1  }
.Ltmp2:
0x64: {  	(pc) =	sbr.rel @p0 .LBB2_6-.Ltmp2, $3  }
0x65: {  	_ =	sdelay $0x1  }
0x66: {  	s24 =	sadd.s32 $0x10, s24;
	v19 =	vshrl.u32 v19, $0x3  }
0x67: {  	s26 =	sand.u32 $0xF0, s25;
	s25 =	sadd.s32 $0x10, s25;
	[tilespmem:s24+$0x0] =	vst v19  }
0x68: {  	v19 =	vld [tilespmem:s26+$0x300];
	_ =	sdelay $0x4  }
0x69: {  	s24 =	sadd.s32 $0x10, s24;
	v19 =	vshrl.u32 v19, $0x3  }
0x6a: {  	[tilespmem:s24+$0x0] =	vst v19  }
0x6b: {  	[tilespmem:s14], [sflag:$0x1] =	stream.indirect.gather [hbm4b:s3+s12], $0x80, s13, s12, $0xb8;
	[tilespmem:$0x10F00] =	vst v63  }
0x6c: {  	_ = 	snop  }
0x6d: {  	[tilespmem:s16], [sflag:$0x2] =	stream.indirect.gather [hbm4b:s3+s12], $0x80, s15, s12, $0xb8;
	[tilespmem:$0x10F00] =	vst v63  }
0x6e: {  	v19 =	vld [tilespmem:$0x10E00];
	_ =	swait.ge [sflag:s17], $0x8000  }
0x6f: {  	[sflag:s17] =	ssyncset.done $0x0  }
0x70: {  	[sflag:s17] =	ssyncadd.s32 $0xFFFF8000  }
0x71: {  	[tilespmem:s14], [sflag:$0x1] =	stream.indirect.gather [hbm4b:s3+s12], $0x80, s18, s12, $0xb8;
	[tilespmem:$0x10F00] =	vst v63  }
0x72: {  	v20 =	vld [tilespmem:$0x10DE0]  }
0x73: {  	v21 =	vld [tilespmem:$0x10DD0]  }
0x74: {  	s24 =	simm.s32 $0x0;
	v22 =	vld [tilespmem:$0x10DC0]  }
0x75: {  	v23 =	vld [tilespmem:s24+$0x0]  }
0x76: {  	v24 =	vld [tilespmem:$0x10DB0]  }
0x77: {  	v25 =	vld [tilespmem:$0x10DA0]  }
0x78: {  	v26 =	vld [tilespmem:$0x10D90]  }
0x79: {  	v28 =	vld [tilespmem:$0x10D80]  }
0x7a: {  	v27 =	vmov s24;
	v29 =	vld [tilespmem:$0x10D70]  }
0x7b: {  	v27 =	vshll.u32 v27, $0x7;
	v30 =	vld [tilespmem:$0x10D60];
	v23 =	vshll.u32 v23, $0x4  }
0x7c: {  	v27 =	vor.u32 v1, v27;
	v63 =	vld [tilespmem:$0x10D50];
	v23 =	vand.u32 $0x70, v23  }
0x7d: {  	v32 =	vld [tilespmem:$0x10D40];
	v23 =	vor.u32 v27, v23  }
0x7e: {  	v33 =	vld [tilespmem:$0x10D30];
	v31 =	vor.u32 v0, v23  }
0x7f: {  	v35 =	vld [tilespmem:$0x10D20]  }
0x80: {  	v36 =	vld [tilespmem:$0x10D10];
	v34 =	vor.u32 v2, v23  }
0x81: {  	v38 =	vld [tilespmem:$0x10D00]  }
0x82: {  	v40 =	vld [tilespmem:$0x10C00];
	v37 =	vor.u32 v3, v23  }
0x83: {  	v31 =	vld.idx.msk [tilespmem:v31+s14+$0x0], $0xffff  }
0x84: {  	v42 =	vld [tilespmem:$0x10C10];
	v39 =	vor.u32 v4, v23  }
0x85: {  	v34 =	vld.idx.msk [tilespmem:v34+s14+$0x0], $0xffff  }
0x86: {  	v44 =	vld [tilespmem:$0x10C20];
	v41 =	vor.u32 v5, v23  }
0x87: {  	v37 =	vld.idx.msk [tilespmem:v37+s14+$0x0], $0xffff  }
0x88: {  	v48 =	vld [tilespmem:$0x10C30];
	v43 =	vor.u32 v6, v23;
	v40 =	vmul.f32 v40, v31  }
0x89: {  	v39 =	vld.idx.msk [tilespmem:v39+s14+$0x0], $0xffff;
	v31 =	vmul.f32 v38, v31  }
0x8a: {  	v49 =	vld [tilespmem:$0x10C40];
	v45 =	vor.u32 v8, v23;
	v42 =	vmul.f32 v42, v34;
	v40 =	vadd.f32 $0.0e+00, v40  }
0x8b: {  	v41 =	vld.idx.msk [tilespmem:v41+s14+$0x0], $0xffff;
	v34 =	vmul.f32 v36, v34;
	v31 =	vadd.f32 $0.0e+00, v31  }
0x8c: {  	v53 =	vld [tilespmem:$0x10C50];
	v46 =	vor.u32 v9, v23;
	v50 =	vmul.f32 v44, v37;
	v40 =	vadd.f32 v42, v40  }
0x8d: {  	v51 =	vor.u32 v7, v23;
	v43 =	vld.idx.msk [tilespmem:v43+s14+$0x0], $0xffff;
	v52 =	vmul.f32 v35, v37;
	v31 =	vadd.f32 v34, v31  }
0x8e: {  	v57 =	vld [tilespmem:$0x10C60];
	v38 =	vmul.f32 v48, v39;
	v54 =	vadd.f32 v50, v40  }
0x8f: {  	v55 =	vld.idx.msk [tilespmem:v45+s14+$0x0], $0xffff;
	v33 =	vmul.f32 v33, v39;
	v31 =	vadd.f32 v52, v31  }
0x90: {  	v60 =	vld [tilespmem:$0x10C70];
	v56 =	vor.u32 v10, v23;
	v36 =	vmul.f32 v49, v41;
	v37 =	vadd.f32 v38, v54  }
0x91: {  	v59 =	vor.u32 v11, v23;
	v58 =	vld.idx.msk [tilespmem:v46+s14+$0x0], $0xffff;
	v32 =	vmul.f32 v32, v41;
	v31 =	vadd.f32 v33, v31  }
0x92: {  	v61 =	vld.idx.msk [tilespmem:v51+s14+$0x0], $0xffff;
	v35 =	vmul.f32 v53, v43;
	v36 =	vadd.f32 v36, v37  }
0x93: {  	v62 =	vor.u32 v12, v23;
	v27 =	vmul.f32 v63, v43;
	v63 =	vld [tilespmem:$0x10C80];
	v31 =	vadd.f32 v32, v31  }
0x94: {  	v47 =	vld [tilespmem:$0x10C90];
	v34 =	vmul.f32 v57, v55;
	v35 =	vadd.f32 v35, v36  }
0x95: {  	v45 =	vld.idx.msk [tilespmem:v56+s14+$0x0], $0xffff;
	v30 =	vmul.f32 v30, v55;
	v27 =	vadd.f32 v27, v31  }
0x96: {  	v46 =	vor.u32 v13, v23;
	v48 =	vld.idx.msk [tilespmem:v59+s14+$0x0], $0xffff;
	v33 =	vmul.f32 v60, v58;
	v34 =	vadd.f32 v34, v35  }
0x97: {  	v29 =	vmul.f32 v29, v58;
	v50 =	vld [tilespmem:$0x10CA0];
	v27 =	vadd.f32 v30, v27  }
0x98: {  	v51 =	vld.idx.msk [tilespmem:v62+s14+$0x0], $0xffff;
	v49 =	vor.u32 v14, v23;
	v32 =	vmul.f32 v63, v61;
	v33 =	vadd.f32 v33, v34  }
0x99: {  	v28 =	vmul.f32 v28, v61;
	v53 =	vld [tilespmem:$0x10CB0];
	v27 =	vadd.f32 v29, v27  }
0x9a: {  	v55 =	vld [tilespmem:$0x10CC0];
	v52 =	vor.u32 v15, v23;
	v31 =	vmul.f32 v47, v45;
	v32 =	vadd.f32 v32, v33  }
0x9b: {  	v26 =	vmul.f32 v26, v45;
	v54 =	vld.idx.msk [tilespmem:v46+s14+$0x0], $0xffff;
	v27 =	vadd.f32 v28, v27  }
0x9c: {  	v57 =	vld [tilespmem:$0x10CD0];
	v23 =	vor.u32 v16, v23;
	v30 =	vmul.f32 v50, v48;
	v31 =	vadd.f32 v31, v32  }
0x9d: {  	v56 =	vld.idx.msk [tilespmem:v49+s14+$0x0], $0xffff;
	v25 =	vmul.f32 v25, v48;
	v26 =	vadd.f32 v26, v27  }
0x9e: {  	v59 =	vld [tilespmem:$0x10CE0];
	v29 =	vmul.f32 v53, v51;
	v30 =	vadd.f32 v30, v31  }
0x9f: {  	v24 =	vmul.f32 v24, v51;
	v58 =	vld.idx.msk [tilespmem:v52+s14+$0x0], $0xffff;
	v25 =	vadd.f32 v25, v26  }
0xa0: {  	v60 =	vld [tilespmem:$0x10CF0];
	v28 =	vmul.f32 v55, v54;
	v29 =	vadd.f32 v29, v30  }
0xa1: {  	v23 =	vld.idx.msk [tilespmem:v23+s14+$0x0], $0xffff;
	v22 =	vmul.f32 v22, v54;
	v24 =	vadd.f32 v24, v25  }
0xa2: {  	v61 =	vld [tilespmem:$0x10DF0];
	v27 =	vmul.f32 v57, v56;
	v28 =	vadd.f32 v28, v29  }
0xa3: {  	v21 =	vmul.f32 v21, v56;
	v22 =	vadd.f32 v22, v24  }
0xa4: {  	v26 =	vmul.f32 v59, v58;
	v62 =	vadd.f32 v27, v28  }
0xa5: {  	v20 =	vmul.f32 v20, v58;
	v21 =	vadd.f32 v21, v22  }
0xa6: {  	v63 =	vmul.f32 v60, v23;
	v22 =	vadd.f32 v26, v62  }
0xa7: {  	v20 =	vadd.f32 v20, v21;
	v21 =	vmul.f32 v61, v23  }
0xa8: {  	v22 =	vadd.f32 v63, v22  }
0xa9: {  	v20 =	vadd.f32 v21, v20  }
0xaa: {  	[tilespmem:$0x10E80] =	vst v22  }
0xab: {  	[tilespmem:$0x10E90] =	vst v20  }
0xac: {  	v21 =	vld.idx.msk [tilespmem:v17+s19+$0x0], $0xffff  }
0xad: {  	v23 =	vld.idx.msk [tilespmem:v18+s19+$0x0], $0xffff;
	_ =	sdelay $0x4  }
0xae: {  	v21 =	vadd.f32 v21, v22;
	v20 =	vadd.f32 v23, v20;
	_ =	sdelay $0x1  }
0xaf: {  	s25 =	simm.s32 $0x10800;
	s26 =	simm.s32 $0x10;
	s28 =	simm.s32 $0x10800;
	v20 =	vsel vm0, v21, v20  }
.LBB2_8:
0xb0: {  	p0 =	sne.s32 s26, $0xF0;
	v20 =	vadd.f32 v20, v19;
	s24 =	sadd.s32 $0x10, s24;
	s25 =	sadd.s32 $0x10, s25  }
0xb1: {  	s29 =	smov.u32 s26;
	s26 =	sadd.s32 $0x10, s26  }
0xb2: {  	[tilespmem:s28+$0x0] =	vst v20;
	s28 =	smov.u32 s25  }
0xb3: {  	v20 =	vld [tilespmem:$0x10DE0]  }
0xb4: {  	v21 =	vld [tilespmem:$0x10DD0]  }
0xb5: {  	v22 =	vld [tilespmem:$0x10DC0]  }
0xb6: {  	v26 =	vld [tilespmem:s24+$0x0]  }
0xb7: {  	v23 =	vld [tilespmem:$0x10DB0]  }
0xb8: {  	v24 =	vld [tilespmem:$0x10DA0]  }
0xb9: {  	v25 =	vld [tilespmem:$0x10D90]  }
0xba: {  	v27 =	vmov s29;
	v28 =	vld [tilespmem:$0x10D80]  }
0xbb: {  	v27 =	vshll.u32 v27, $0x7;
	v26 =	vshll.u32 v26, $0x4;
	v29 =	vld [tilespmem:$0x10D70]  }
0xbc: {  	v27 =	vor.u32 v1, v27;
	v26 =	vand.u32 $0x70, v26;
	v30 =	vld [tilespmem:$0x10D60]  }
0xbd: {  	v26 =	vor.u32 v27, v26;
	v27 =	vld [tilespmem:$0x10D50]  }
0xbe: {  	v31 =	vor.u32 v0, v26;
	v32 =	vor.u32 v2, v26;
	v33 =	vor.u32 v3, v26;
	v34 =	vld [tilespmem:$0x10D40]  }
0xbf: {  	v35 =	vor.u32 v4, v26;
	v37 =	vor.u32 v5, v26;
	v38 =	vor.u32 v6, v26;
	v36 =	vld [tilespmem:$0x10D30]  }
0xc0: {  	v40 =	vor.u32 v8, v26;
	v41 =	vor.u32 v9, v26;
	v42 =	vor.u32 v7, v26;
	v39 =	vld [tilespmem:$0x10D20]  }
0xc1: {  	v44 =	vor.u32 v10, v26;
	v45 =	vor.u32 v11, v26;
	v46 =	vor.u32 v12, v26;
	v43 =	vld [tilespmem:$0x10D10]  }
0xc2: {  	v48 =	vor.u32 v13, v26;
	v49 =	vor.u32 v14, v26;
	v50 =	vor.u32 v15, v26;
	v47 =	vld [tilespmem:$0x10D00]  }
0xc3: {  	v26 =	vor.u32 v16, v26;
	v31 =	vld.idx.msk [tilespmem:v31+s14+$0x0], $0xffff  }
0xc4: {  	v51 =	vld [tilespmem:$0x10C00]  }
0xc5: {  	v32 =	vld.idx.msk [tilespmem:v32+s14+$0x0], $0xffff  }
0xc6: {  	v52 =	vld [tilespmem:$0x10C10]  }
0xc7: {  	v33 =	vld.idx.msk [tilespmem:v33+s14+$0x0], $0xffff  }
0xc8: {  	v53 =	vld [tilespmem:$0x10C20]  }
0xc9: {  	v51 =	vmul.f32 v51, v31;
	v31 =	vmul.f32 v47, v31;
	v35 =	vld.idx.msk [tilespmem:v35+s14+$0x0], $0xffff  }
0xca: {  	v47 =	vld [tilespmem:$0x10C30]  }
0xcb: {  	v51 =	vadd.f32 $0.0e+00, v51;
	v31 =	vadd.f32 $0.0e+00, v31;
	v52 =	vmul.f32 v52, v32;
	v37 =	vld.idx.msk [tilespmem:v37+s14+$0x0], $0xffff  }
0xcc: {  	v32 =	vmul.f32 v43, v32;
	v43 =	vld [tilespmem:$0x10C40]  }
0xcd: {  	v51 =	vadd.f32 v52, v51;
	v52 =	vmul.f32 v53, v33;
	v38 =	vld.idx.msk [tilespmem:v38+s14+$0x0], $0xffff  }
0xce: {  	v31 =	vadd.f32 v32, v31;
	v32 =	vmul.f32 v39, v33;
	v33 =	vld [tilespmem:$0x10C50]  }
0xcf: {  	v39 =	vadd.f32 v52, v51;
	v47 =	vmul.f32 v47, v35;
	v40 =	vld.idx.msk [tilespmem:v40+s14+$0x0], $0xffff  }
0xd0: {  	v31 =	vadd.f32 v32, v31;
	v32 =	vmul.f32 v36, v35;
	v35 =	vld [tilespmem:$0x10C60]  }
0xd1: {  	v36 =	vadd.f32 v47, v39;
	v39 =	vmul.f32 v43, v37;
	v41 =	vld.idx.msk [tilespmem:v41+s14+$0x0], $0xffff  }
0xd2: {  	v31 =	vadd.f32 v32, v31;
	v32 =	vmul.f32 v34, v37;
	v34 =	vld [tilespmem:$0x10C70]  }
0xd3: {  	v36 =	vadd.f32 v39, v36;
	v33 =	vmul.f32 v33, v38;
	v37 =	vld.idx.msk [tilespmem:v42+s14+$0x0], $0xffff  }
0xd4: {  	v27 =	vmul.f32 v27, v38;
	v31 =	vadd.f32 v32, v31;
	v32 =	vld [tilespmem:$0x10C80]  }
0xd5: {  	v33 =	vadd.f32 v33, v36;
	v35 =	vmul.f32 v35, v40;
	v36 =	vld.idx.msk [tilespmem:v44+s14+$0x0], $0xffff  }
0xd6: {  	v30 =	vmul.f32 v30, v40;
	v27 =	vadd.f32 v27, v31;
	v31 =	vld [tilespmem:$0x10C90]  }
0xd7: {  	v33 =	vadd.f32 v35, v33;
	v34 =	vmul.f32 v34, v41;
	v35 =	vld.idx.msk [tilespmem:v45+s14+$0x0], $0xffff  }
0xd8: {  	v29 =	vmul.f32 v29, v41;
	v27 =	vadd.f32 v30, v27;
	v30 =	vld [tilespmem:$0x10CA0]  }
0xd9: {  	v33 =	vadd.f32 v34, v33;
	v32 =	vmul.f32 v32, v37;
	v34 =	vld.idx.msk [tilespmem:v46+s14+$0x0], $0xffff  }
0xda: {  	v28 =	vmul.f32 v28, v37;
	v27 =	vadd.f32 v29, v27;
	v29 =	vld [tilespmem:$0x10CB0]  }
0xdb: {  	v32 =	vadd.f32 v32, v33;
	v31 =	vmul.f32 v31, v36;
	v33 =	vld.idx.msk [tilespmem:v48+s14+$0x0], $0xffff  }
0xdc: {  	v25 =	vmul.f32 v25, v36;
	v27 =	vadd.f32 v28, v27;
	v28 =	vld [tilespmem:$0x10CC0]  }
0xdd: {  	v31 =	vadd.f32 v31, v32;
	v30 =	vmul.f32 v30, v35;
	v32 =	vld.idx.msk [tilespmem:v49+s14+$0x0], $0xffff  }
0xde: {  	v24 =	vmul.f32 v24, v35;
	v25 =	vadd.f32 v25, v27;
	v27 =	vld [tilespmem:$0x10CD0]  }
0xdf: {  	v30 =	vadd.f32 v30, v31;
	v29 =	vmul.f32 v29, v34;
	v31 =	vld.idx.msk [tilespmem:v50+s14+$0x0], $0xffff  }
0xe0: {  	v23 =	vmul.f32 v23, v34;
	v24 =	vadd.f32 v24, v25;
	v25 =	vld [tilespmem:$0x10CE0]  }
0xe1: {  	v29 =	vadd.f32 v29, v30;
	v28 =	vmul.f32 v28, v33;
	v26 =	vld.idx.msk [tilespmem:v26+s14+$0x0], $0xffff  }
0xe2: {  	v22 =	vmul.f32 v22, v33;
	v23 =	vadd.f32 v23, v24;
	v24 =	vld [tilespmem:$0x10CF0]  }
0xe3: {  	v28 =	vadd.f32 v28, v29;
	v27 =	vmul.f32 v27, v32;
	v29 =	vld [tilespmem:$0x10DF0]  }
0xe4: {  	v21 =	vmul.f32 v21, v32;
	v22 =	vadd.f32 v22, v23  }
0xe5: {  	v23 =	vadd.f32 v27, v28;
	v25 =	vmul.f32 v25, v31  }
0xe6: {  	v20 =	vmul.f32 v20, v31;
	v21 =	vadd.f32 v21, v22  }
0xe7: {  	v22 =	vadd.f32 v25, v23;
	v23 =	vmul.f32 v24, v26  }
0xe8: {  	v20 =	vadd.f32 v20, v21;
	v21 =	vmul.f32 v29, v26  }
0xe9: {  	v22 =	vadd.f32 v23, v22  }
0xea: {  	v20 =	vadd.f32 v21, v20  }
0xeb: {  	[tilespmem:$0x10E80] =	vst v22  }
0xec: {  	[tilespmem:$0x10E90] =	vst v20  }
0xed: {  	v21 =	vld.idx.msk [tilespmem:v17+s19+$0x0], $0xffff  }
0xee: {  	v23 =	vld.idx.msk [tilespmem:v18+s19+$0x0], $0xffff;
	_ =	sdelay $0x3  }
.Ltmp3:
0xef: {  	(pc) =	sbr.rel @p0 .LBB2_8-.Ltmp3, $3  }
0xf0: {  	v21 =	vadd.f32 v21, v22  }
0xf1: {  	v20 =	vadd.f32 v23, v20;
	_ =	sdelay $0x1  }
0xf2: {  	v20 =	vsel vm0, v21, v20  }
0xf3: {  	v20 =	vadd.f32 v20, v19;
	_ =	sdelay $0x1  }
0xf4: {  	[tilespmem:s28+$0x0] =	vst v20  }
0xf5: {  	_ =	swait.ge [sflag:s20], $0x8000  }
0xf6: {  	[sflag:s20] =	ssyncset.done $0x0  }
0xf7: {  	s24 =	simm.s32 $0x100;
	[sflag:s20] =	ssyncadd.s32 $0xFFFF8000  }
0xf8: {  	[tilespmem:s16], [sflag:$0x2] =	stream.indirect.gather [hbm4b:s3+s24], $0x80, s21, s24, $0xb8;
	[tilespmem:$0x10F00] =	vst v63  }
0xf9: {  	v20 =	vld [tilespmem:$0x10DE0]  }
0xfa: {  	v21 =	vld [tilespmem:$0x10DD0]  }
0xfb: {  	v22 =	vld [tilespmem:$0x10DC0]  }
0xfc: {  	v23 =	vld [tilespmem:s24+$0x0]  }
0xfd: {  	v24 =	vld [tilespmem:$0x10DB0]  }
0xfe: {  	v25 =	vld [tilespmem:$0x10DA0]  }
0xff: {  	v26 =	vld [tilespmem:$0x10D90]  }
0x100: {  	s25 =	simm.s32 $0x0;
	v28 =	vld [tilespmem:$0x10D80]  }
0x101: {  	v27 =	vmov s25;
	v29 =	vld [tilespmem:$0x10D70]  }
0x102: {  	v27 =	vshll.u32 v27, $0x7;
	v30 =	vld [tilespmem:$0x10D60];
	v23 =	vshll.u32 v23, $0x4  }
0x103: {  	v27 =	vor.u32 v1, v27;
	v63 =	vld [tilespmem:$0x10D50];
	v23 =	vand.u32 $0x70, v23  }
0x104: {  	v32 =	vld [tilespmem:$0x10D40];
	v23 =	vor.u32 v27, v23  }
0x105: {  	v33 =	vld [tilespmem:$0x10D30];
	v31 =	vor.u32 v0, v23  }
0x106: {  	v35 =	vld [tilespmem:$0x10D20]  }
0x107: {  	v36 =	vld [tilespmem:$0x10D10];
	v34 =	vor.u32 v2, v23  }
0x108: {  	v38 =	vld [tilespmem:$0x10D00]  }
0x109: {  	v40 =	vld [tilespmem:$0x10C00];
	v37 =	vor.u32 v3, v23  }
0x10a: {  	v31 =	vld.idx.msk [tilespmem:v31+s16+$0x0], $0xffff  }
0x10b: {  	v42 =	vld [tilespmem:$0x10C10];
	v39 =	vor.u32 v4, v23  }
0x10c: {  	v34 =	vld.idx.msk [tilespmem:v34+s16+$0x0], $0xffff  }
0x10d: {  	v44 =	vld [tilespmem:$0x10C20];
	v41 =	vor.u32 v5, v23  }
0x10e: {  	v37 =	vld.idx.msk [tilespmem:v37+s16+$0x0], $0xffff  }
0x10f: {  	v48 =	vld [tilespmem:$0x10C30];
	v43 =	vor.u32 v6, v23;
	v40 =	vmul.f32 v40, v31  }
0x110: {  	v39 =	vld.idx.msk [tilespmem:v39+s16+$0x0], $0xffff;
	v31 =	vmul.f32 v38, v31  }
0x111: {  	v49 =	vld [tilespmem:$0x10C40];
	v45 =	vor.u32 v8, v23;
	v42 =	vmul.f32 v42, v34;
	v40 =	vadd.f32 $0.0e+00, v40  }
0x112: {  	v41 =	vld.idx.msk [tilespmem:v41+s16+$0x0], $0xffff;
	v34 =	vmul.f32 v36, v34;
	v31 =	vadd.f32 $0.0e+00, v31  }
0x113: {  	v53 =	vld [tilespmem:$0x10C50];
	v46 =	vor.u32 v9, v23;
	v50 =	vmul.f32 v44, v37;
	v40 =	vadd.f32 v42, v40  }
0x114: {  	v51 =	vor.u32 v7, v23;
	v43 =	vld.idx.msk [tilespmem:v43+s16+$0x0], $0xffff;
	v52 =	vmul.f32 v35, v37;
	v31 =	vadd.f32 v34, v31  }
0x115: {  	v57 =	vld [tilespmem:$0x10C60];
	v38 =	vmul.f32 v48, v39;
	v54 =	vadd.f32 v50, v40  }
0x116: {  	v55 =	vld.idx.msk [tilespmem:v45+s16+$0x0], $0xffff;
	v33 =	vmul.f32 v33, v39;
	v31 =	vadd.f32 v52, v31  }
0x117: {  	v60 =	vld [tilespmem:$0x10C70];
	v56 =	vor.u32 v10, v23;
	v36 =	vmul.f32 v49, v41;
	v37 =	vadd.f32 v38, v54  }
0x118: {  	v59 =	vor.u32 v11, v23;
	v58 =	vld.idx.msk [tilespmem:v46+s16+$0x0], $0xffff;
	v32 =	vmul.f32 v32, v41;
	v31 =	vadd.f32 v33, v31  }
0x119: {  	v61 =	vld.idx.msk [tilespmem:v51+s16+$0x0], $0xffff;
	v35 =	vmul.f32 v53, v43;
	v36 =	vadd.f32 v36, v37  }
0x11a: {  	v62 =	vor.u32 v12, v23;
	v27 =	vmul.f32 v63, v43;
	v63 =	vld [tilespmem:$0x10C80];
	v31 =	vadd.f32 v32, v31  }
0x11b: {  	v47 =	vld [tilespmem:$0x10C90];
	v34 =	vmul.f32 v57, v55;
	v35 =	vadd.f32 v35, v36  }
0x11c: {  	v45 =	vld.idx.msk [tilespmem:v56+s16+$0x0], $0xffff;
	v30 =	vmul.f32 v30, v55;
	v27 =	vadd.f32 v27, v31  }
0x11d: {  	v46 =	vor.u32 v13, v23;
	v48 =	vld.idx.msk [tilespmem:v59+s16+$0x0], $0xffff;
	v33 =	vmul.f32 v60, v58;
	v34 =	vadd.f32 v34, v35  }
0x11e: {  	v29 =	vmul.f32 v29, v58;
	v50 =	vld [tilespmem:$0x10CA0];
	v27 =	vadd.f32 v30, v27  }
0x11f: {  	v51 =	vld.idx.msk [tilespmem:v62+s16+$0x0], $0xffff;
	v49 =	vor.u32 v14, v23;
	v32 =	vmul.f32 v63, v61;
	v33 =	vadd.f32 v33, v34  }
0x120: {  	v28 =	vmul.f32 v28, v61;
	v53 =	vld [tilespmem:$0x10CB0];
	v27 =	vadd.f32 v29, v27  }
0x121: {  	v55 =	vld [tilespmem:$0x10CC0];
	v52 =	vor.u32 v15, v23;
	v31 =	vmul.f32 v47, v45;
	v32 =	vadd.f32 v32, v33  }
0x122: {  	v26 =	vmul.f32 v26, v45;
	v54 =	vld.idx.msk [tilespmem:v46+s16+$0x0], $0xffff;
	v27 =	vadd.f32 v28, v27  }
0x123: {  	v57 =	vld [tilespmem:$0x10CD0];
	v23 =	vor.u32 v16, v23;
	v30 =	vmul.f32 v50, v48;
	v31 =	vadd.f32 v31, v32  }
0x124: {  	v56 =	vld.idx.msk [tilespmem:v49+s16+$0x0], $0xffff;
	v25 =	vmul.f32 v25, v48;
	v26 =	vadd.f32 v26, v27  }
0x125: {  	v59 =	vld [tilespmem:$0x10CE0];
	v29 =	vmul.f32 v53, v51;
	v30 =	vadd.f32 v30, v31  }
0x126: {  	v24 =	vmul.f32 v24, v51;
	v58 =	vld.idx.msk [tilespmem:v52+s16+$0x0], $0xffff;
	v25 =	vadd.f32 v25, v26  }
0x127: {  	v60 =	vld [tilespmem:$0x10CF0];
	v28 =	vmul.f32 v55, v54;
	v29 =	vadd.f32 v29, v30  }
0x128: {  	v23 =	vld.idx.msk [tilespmem:v23+s16+$0x0], $0xffff;
	v22 =	vmul.f32 v22, v54;
	v24 =	vadd.f32 v24, v25  }
0x129: {  	v61 =	vld [tilespmem:$0x10DF0];
	v27 =	vmul.f32 v57, v56;
	v28 =	vadd.f32 v28, v29  }
0x12a: {  	v21 =	vmul.f32 v21, v56;
	v22 =	vadd.f32 v22, v24  }
0x12b: {  	v26 =	vmul.f32 v59, v58;
	v62 =	vadd.f32 v27, v28  }
0x12c: {  	v20 =	vmul.f32 v20, v58;
	v21 =	vadd.f32 v21, v22  }
0x12d: {  	v63 =	vmul.f32 v60, v23;
	v22 =	vadd.f32 v26, v62  }
0x12e: {  	v20 =	vadd.f32 v20, v21;
	v21 =	vmul.f32 v61, v23  }
0x12f: {  	v22 =	vadd.f32 v63, v22  }
0x130: {  	v20 =	vadd.f32 v21, v20  }
0x131: {  	[tilespmem:$0x10E80] =	vst v22  }
0x132: {  	[tilespmem:$0x10E90] =	vst v20  }
0x133: {  	v21 =	vld.idx.msk [tilespmem:v17+s19+$0x0], $0xffff  }
0x134: {  	v23 =	vld.idx.msk [tilespmem:v18+s19+$0x0], $0xffff;
	_ =	sdelay $0x4  }
0x135: {  	v21 =	vadd.f32 v21, v22;
	v20 =	vadd.f32 v23, v20;
	_ =	sdelay $0x1  }
0x136: {  	s26 =	simm.s32 $0x10;
	s25 =	simm.s32 $0x10900;
	s28 =	simm.s32 $0x10900;
	v20 =	vsel vm0, v21, v20  }
.LBB2_10:
0x137: {  	p0 =	sne.s32 s26, $0xF0;
	v20 =	vadd.f32 v20, v19;
	s25 =	sadd.s32 $0x10, s25;
	s24 =	sadd.s32 $0x10, s24  }
0x138: {  	s29 =	smov.u32 s26;
	s26 =	sadd.s32 $0x10, s26  }
0x139: {  	[tilespmem:s28+$0x0] =	vst v20;
	s28 =	smov.u32 s25  }
0x13a: {  	v20 =	vld [tilespmem:$0x10DE0]  }
0x13b: {  	v21 =	vld [tilespmem:$0x10DD0]  }
0x13c: {  	v22 =	vld [tilespmem:$0x10DC0]  }
0x13d: {  	v26 =	vld [tilespmem:s24+$0x0]  }
0x13e: {  	v23 =	vld [tilespmem:$0x10DB0]  }
0x13f: {  	v24 =	vld [tilespmem:$0x10DA0]  }
0x140: {  	v25 =	vld [tilespmem:$0x10D90]  }
0x141: {  	v27 =	vmov s29;
	v28 =	vld [tilespmem:$0x10D80]  }
0x142: {  	v27 =	vshll.u32 v27, $0x7;
	v26 =	vshll.u32 v26, $0x4;
	v29 =	vld [tilespmem:$0x10D70]  }
0x143: {  	v27 =	vor.u32 v1, v27;
	v26 =	vand.u32 $0x70, v26;
	v30 =	vld [tilespmem:$0x10D60]  }
0x144: {  	v26 =	vor.u32 v27, v26;
	v27 =	vld [tilespmem:$0x10D50]  }
0x145: {  	v31 =	vor.u32 v0, v26;
	v32 =	vor.u32 v2, v26;
	v33 =	vor.u32 v3, v26;
	v34 =	vld [tilespmem:$0x10D40]  }
0x146: {  	v35 =	vor.u32 v4, v26;
	v37 =	vor.u32 v5, v26;
	v38 =	vor.u32 v6, v26;
	v36 =	vld [tilespmem:$0x10D30]  }
0x147: {  	v40 =	vor.u32 v8, v26;
	v41 =	vor.u32 v9, v26;
	v42 =	vor.u32 v7, v26;
	v39 =	vld [tilespmem:$0x10D20]  }
0x148: {  	v44 =	vor.u32 v10, v26;
	v45 =	vor.u32 v11, v26;
	v46 =	vor.u32 v12, v26;
	v43 =	vld [tilespmem:$0x10D10]  }
0x149: {  	v48 =	vor.u32 v13, v26;
	v49 =	vor.u32 v14, v26;
	v50 =	vor.u32 v15, v26;
	v47 =	vld [tilespmem:$0x10D00]  }
0x14a: {  	v26 =	vor.u32 v16, v26;
	v31 =	vld.idx.msk [tilespmem:v31+s16+$0x0], $0xffff  }
0x14b: {  	v51 =	vld [tilespmem:$0x10C00]  }
0x14c: {  	v32 =	vld.idx.msk [tilespmem:v32+s16+$0x0], $0xffff  }
0x14d: {  	v52 =	vld [tilespmem:$0x10C10]  }
0x14e: {  	v33 =	vld.idx.msk [tilespmem:v33+s16+$0x0], $0xffff  }
0x14f: {  	v53 =	vld [tilespmem:$0x10C20]  }
0x150: {  	v51 =	vmul.f32 v51, v31;
	v31 =	vmul.f32 v47, v31;
	v35 =	vld.idx.msk [tilespmem:v35+s16+$0x0], $0xffff  }
0x151: {  	v47 =	vld [tilespmem:$0x10C30]  }
0x152: {  	v51 =	vadd.f32 $0.0e+00, v51;
	v31 =	vadd.f32 $0.0e+00, v31;
	v52 =	vmul.f32 v52, v32;
	v37 =	vld.idx.msk [tilespmem:v37+s16+$0x0], $0xffff  }
0x153: {  	v32 =	vmul.f32 v43, v32;
	v43 =	vld [tilespmem:$0x10C40]  }
0x154: {  	v51 =	vadd.f32 v52, v51;
	v52 =	vmul.f32 v53, v33;
	v38 =	vld.idx.msk [tilespmem:v38+s16+$0x0], $0xffff  }
0x155: {  	v31 =	vadd.f32 v32, v31;
	v32 =	vmul.f32 v39, v33;
	v33 =	vld [tilespmem:$0x10C50]  }
0x156: {  	v39 =	vadd.f32 v52, v51;
	v47 =	vmul.f32 v47, v35;
	v40 =	vld.idx.msk [tilespmem:v40+s16+$0x0], $0xffff  }
0x157: {  	v31 =	vadd.f32 v32, v31;
	v32 =	vmul.f32 v36, v35;
	v35 =	vld [tilespmem:$0x10C60]  }
0x158: {  	v36 =	vadd.f32 v47, v39;
	v39 =	vmul.f32 v43, v37;
	v41 =	vld.idx.msk [tilespmem:v41+s16+$0x0], $0xffff  }
0x159: {  	v31 =	vadd.f32 v32, v31;
	v32 =	vmul.f32 v34, v37;
	v34 =	vld [tilespmem:$0x10C70]  }
0x15a: {  	v36 =	vadd.f32 v39, v36;
	v33 =	vmul.f32 v33, v38;
	v37 =	vld.idx.msk [tilespmem:v42+s16+$0x0], $0xffff  }
0x15b: {  	v27 =	vmul.f32 v27, v38;
	v31 =	vadd.f32 v32, v31;
	v32 =	vld [tilespmem:$0x10C80]  }
0x15c: {  	v33 =	vadd.f32 v33, v36;
	v35 =	vmul.f32 v35, v40;
	v36 =	vld.idx.msk [tilespmem:v44+s16+$0x0], $0xffff  }
0x15d: {  	v30 =	vmul.f32 v30, v40;
	v27 =	vadd.f32 v27, v31;
	v31 =	vld [tilespmem:$0x10C90]  }
0x15e: {  	v33 =	vadd.f32 v35, v33;
	v34 =	vmul.f32 v34, v41;
	v35 =	vld.idx.msk [tilespmem:v45+s16+$0x0], $0xffff  }
0x15f: {  	v29 =	vmul.f32 v29, v41;
	v27 =	vadd.f32 v30, v27;
	v30 =	vld [tilespmem:$0x10CA0]  }
0x160: {  	v33 =	vadd.f32 v34, v33;
	v32 =	vmul.f32 v32, v37;
	v34 =	vld.idx.msk [tilespmem:v46+s16+$0x0], $0xffff  }
0x161: {  	v28 =	vmul.f32 v28, v37;
	v27 =	vadd.f32 v29, v27;
	v29 =	vld [tilespmem:$0x10CB0]  }
0x162: {  	v32 =	vadd.f32 v32, v33;
	v31 =	vmul.f32 v31, v36;
	v33 =	vld.idx.msk [tilespmem:v48+s16+$0x0], $0xffff  }
0x163: {  	v25 =	vmul.f32 v25, v36;
	v27 =	vadd.f32 v28, v27;
	v28 =	vld [tilespmem:$0x10CC0]  }
0x164: {  	v31 =	vadd.f32 v31, v32;
	v30 =	vmul.f32 v30, v35;
	v32 =	vld.idx.msk [tilespmem:v49+s16+$0x0], $0xffff  }
0x165: {  	v24 =	vmul.f32 v24, v35;
	v25 =	vadd.f32 v25, v27;
	v27 =	vld [tilespmem:$0x10CD0]  }
0x166: {  	v30 =	vadd.f32 v30, v31;
	v29 =	vmul.f32 v29, v34;
	v31 =	vld.idx.msk [tilespmem:v50+s16+$0x0], $0xffff  }
0x167: {  	v23 =	vmul.f32 v23, v34;
	v24 =	vadd.f32 v24, v25;
	v25 =	vld [tilespmem:$0x10CE0]  }
0x168: {  	v29 =	vadd.f32 v29, v30;
	v28 =	vmul.f32 v28, v33;
	v26 =	vld.idx.msk [tilespmem:v26+s16+$0x0], $0xffff  }
0x169: {  	v22 =	vmul.f32 v22, v33;
	v23 =	vadd.f32 v23, v24;
	v24 =	vld [tilespmem:$0x10CF0]  }
0x16a: {  	v28 =	vadd.f32 v28, v29;
	v27 =	vmul.f32 v27, v32;
	v29 =	vld [tilespmem:$0x10DF0]  }
0x16b: {  	v21 =	vmul.f32 v21, v32;
	v22 =	vadd.f32 v22, v23  }
0x16c: {  	v23 =	vadd.f32 v27, v28;
	v25 =	vmul.f32 v25, v31  }
0x16d: {  	v20 =	vmul.f32 v20, v31;
	v21 =	vadd.f32 v21, v22  }
0x16e: {  	v22 =	vadd.f32 v25, v23;
	v23 =	vmul.f32 v24, v26  }
0x16f: {  	v20 =	vadd.f32 v20, v21;
	v21 =	vmul.f32 v29, v26  }
0x170: {  	v22 =	vadd.f32 v23, v22  }
0x171: {  	v20 =	vadd.f32 v21, v20  }
0x172: {  	[tilespmem:$0x10E80] =	vst v22  }
0x173: {  	[tilespmem:$0x10E90] =	vst v20  }
0x174: {  	v21 =	vld.idx.msk [tilespmem:v17+s19+$0x0], $0xffff  }
0x175: {  	v23 =	vld.idx.msk [tilespmem:v18+s19+$0x0], $0xffff;
	_ =	sdelay $0x3  }
.Ltmp4:
0x176: {  	(pc) =	sbr.rel @p0 .LBB2_10-.Ltmp4, $3  }
0x177: {  	v21 =	vadd.f32 v21, v22  }
0x178: {  	v20 =	vadd.f32 v23, v20;
	_ =	sdelay $0x1  }
0x179: {  	v20 =	vsel vm0, v21, v20  }
0x17a: {  	v20 =	vadd.f32 v20, v19;
	_ =	sdelay $0x1  }
0x17b: {  	[tilespmem:s28+$0x0] =	vst v20  }
0x17c: {  	_ =	swait.ge [sflag:s17], $0x8000  }
0x17d: {  	[sflag:s17] =	ssyncset.done $0x0  }
0x17e: {  	[sflag:s17] =	ssyncadd.s32 $0xFFFF8000  }
0x17f: {  	v20 =	vld [tilespmem:$0x10DE0]  }
0x180: {  	v21 =	vld [tilespmem:$0x10DD0]  }
0x181: {  	s24 =	simm.s32 $0x200;
	v22 =	vld [tilespmem:$0x10DC0]  }
0x182: {  	v23 =	vld [tilespmem:s24+$0x0]  }
0x183: {  	v24 =	vld [tilespmem:$0x10DB0]  }
0x184: {  	v25 =	vld [tilespmem:$0x10DA0]  }
0x185: {  	v26 =	vld [tilespmem:$0x10D90]  }
0x186: {  	s25 =	simm.s32 $0x0;
	v28 =	vld [tilespmem:$0x10D80]  }
0x187: {  	v27 =	vmov s25;
	v29 =	vld [tilespmem:$0x10D70]  }
0x188: {  	v27 =	vshll.u32 v27, $0x7;
	v30 =	vld [tilespmem:$0x10D60];
	v23 =	vshll.u32 v23, $0x4  }
0x189: {  	v27 =	vor.u32 v1, v27;
	v63 =	vld [tilespmem:$0x10D50];
	v23 =	vand.u32 $0x70, v23  }
0x18a: {  	v32 =	vld [tilespmem:$0x10D40];
	v23 =	vor.u32 v27, v23  }
0x18b: {  	v33 =	vld [tilespmem:$0x10D30];
	v31 =	vor.u32 v0, v23  }
0x18c: {  	v35 =	vld [tilespmem:$0x10D20]  }
0x18d: {  	v36 =	vld [tilespmem:$0x10D10];
	v34 =	vor.u32 v2, v23  }
0x18e: {  	v38 =	vld [tilespmem:$0x10D00]  }
0x18f: {  	v40 =	vld [tilespmem:$0x10C00];
	v37 =	vor.u32 v3, v23  }
0x190: {  	v31 =	vld.idx.msk [tilespmem:v31+s14+$0x0], $0xffff  }
0x191: {  	v42 =	vld [tilespmem:$0x10C10];
	v39 =	vor.u32 v4, v23  }
0x192: {  	v34 =	vld.idx.msk [tilespmem:v34+s14+$0x0], $0xffff  }
0x193: {  	v44 =	vld [tilespmem:$0x10C20];
	v41 =	vor.u32 v5, v23  }
0x194: {  	v37 =	vld.idx.msk [tilespmem:v37+s14+$0x0], $0xffff  }
0x195: {  	v48 =	vld [tilespmem:$0x10C30];
	v43 =	vor.u32 v6, v23;
	v40 =	vmul.f32 v40, v31  }
0x196: {  	v39 =	vld.idx.msk [tilespmem:v39+s14+$0x0], $0xffff;
	v31 =	vmul.f32 v38, v31  }
0x197: {  	v49 =	vld [tilespmem:$0x10C40];
	v45 =	vor.u32 v8, v23;
	v42 =	vmul.f32 v42, v34;
	v40 =	vadd.f32 $0.0e+00, v40  }
0x198: {  	v41 =	vld.idx.msk [tilespmem:v41+s14+$0x0], $0xffff;
	v34 =	vmul.f32 v36, v34;
	v31 =	vadd.f32 $0.0e+00, v31  }
0x199: {  	v53 =	vld [tilespmem:$0x10C50];
	v46 =	vor.u32 v9, v23;
	v50 =	vmul.f32 v44, v37;
	v40 =	vadd.f32 v42, v40  }
0x19a: {  	v51 =	vor.u32 v7, v23;
	v43 =	vld.idx.msk [tilespmem:v43+s14+$0x0], $0xffff;
	v52 =	vmul.f32 v35, v37;
	v31 =	vadd.f32 v34, v31  }
0x19b: {  	v57 =	vld [tilespmem:$0x10C60];
	v38 =	vmul.f32 v48, v39;
	v54 =	vadd.f32 v50, v40  }
0x19c: {  	v55 =	vld.idx.msk [tilespmem:v45+s14+$0x0], $0xffff;
	v33 =	vmul.f32 v33, v39;
	v31 =	vadd.f32 v52, v31  }
0x19d: {  	v60 =	vld [tilespmem:$0x10C70];
	v56 =	vor.u32 v10, v23;
	v36 =	vmul.f32 v49, v41;
	v37 =	vadd.f32 v38, v54  }
0x19e: {  	v59 =	vor.u32 v11, v23;
	v58 =	vld.idx.msk [tilespmem:v46+s14+$0x0], $0xffff;
	v32 =	vmul.f32 v32, v41;
	v31 =	vadd.f32 v33, v31  }
0x19f: {  	v61 =	vld.idx.msk [tilespmem:v51+s14+$0x0], $0xffff;
	v35 =	vmul.f32 v53, v43;
	v36 =	vadd.f32 v36, v37  }
0x1a0: {  	v62 =	vor.u32 v12, v23;
	v27 =	vmul.f32 v63, v43;
	v63 =	vld [tilespmem:$0x10C80];
	v31 =	vadd.f32 v32, v31  }
0x1a1: {  	v47 =	vld [tilespmem:$0x10C90];
	v34 =	vmul.f32 v57, v55;
	v35 =	vadd.f32 v35, v36  }
0x1a2: {  	v45 =	vld.idx.msk [tilespmem:v56+s14+$0x0], $0xffff;
	v30 =	vmul.f32 v30, v55;
	v27 =	vadd.f32 v27, v31  }
0x1a3: {  	v46 =	vor.u32 v13, v23;
	v48 =	vld.idx.msk [tilespmem:v59+s14+$0x0], $0xffff;
	v33 =	vmul.f32 v60, v58;
	v34 =	vadd.f32 v34, v35  }
0x1a4: {  	v29 =	vmul.f32 v29, v58;
	v50 =	vld [tilespmem:$0x10CA0];
	v27 =	vadd.f32 v30, v27  }
0x1a5: {  	v51 =	vld.idx.msk [tilespmem:v62+s14+$0x0], $0xffff;
	v49 =	vor.u32 v14, v23;
	v32 =	vmul.f32 v63, v61;
	v33 =	vadd.f32 v33, v34  }
0x1a6: {  	v28 =	vmul.f32 v28, v61;
	v53 =	vld [tilespmem:$0x10CB0];
	v27 =	vadd.f32 v29, v27  }
0x1a7: {  	v55 =	vld [tilespmem:$0x10CC0];
	v52 =	vor.u32 v15, v23;
	v31 =	vmul.f32 v47, v45;
	v32 =	vadd.f32 v32, v33  }
0x1a8: {  	v26 =	vmul.f32 v26, v45;
	v54 =	vld.idx.msk [tilespmem:v46+s14+$0x0], $0xffff;
	v27 =	vadd.f32 v28, v27  }
0x1a9: {  	v57 =	vld [tilespmem:$0x10CD0];
	v23 =	vor.u32 v16, v23;
	v30 =	vmul.f32 v50, v48;
	v31 =	vadd.f32 v31, v32  }
0x1aa: {  	v56 =	vld.idx.msk [tilespmem:v49+s14+$0x0], $0xffff;
	v25 =	vmul.f32 v25, v48;
	v26 =	vadd.f32 v26, v27  }
0x1ab: {  	v59 =	vld [tilespmem:$0x10CE0];
	v29 =	vmul.f32 v53, v51;
	v30 =	vadd.f32 v30, v31  }
0x1ac: {  	v24 =	vmul.f32 v24, v51;
	v58 =	vld.idx.msk [tilespmem:v52+s14+$0x0], $0xffff;
	v25 =	vadd.f32 v25, v26  }
0x1ad: {  	v60 =	vld [tilespmem:$0x10CF0];
	v28 =	vmul.f32 v55, v54;
	v29 =	vadd.f32 v29, v30  }
0x1ae: {  	v23 =	vld.idx.msk [tilespmem:v23+s14+$0x0], $0xffff;
	v22 =	vmul.f32 v22, v54;
	v24 =	vadd.f32 v24, v25  }
0x1af: {  	v61 =	vld [tilespmem:$0x10DF0];
	v27 =	vmul.f32 v57, v56;
	v28 =	vadd.f32 v28, v29  }
0x1b0: {  	v21 =	vmul.f32 v21, v56;
	v22 =	vadd.f32 v22, v24  }
0x1b1: {  	v26 =	vmul.f32 v59, v58;
	v62 =	vadd.f32 v27, v28  }
0x1b2: {  	v20 =	vmul.f32 v20, v58;
	v21 =	vadd.f32 v21, v22  }
0x1b3: {  	v63 =	vmul.f32 v60, v23;
	v22 =	vadd.f32 v26, v62  }
0x1b4: {  	v20 =	vadd.f32 v20, v21;
	v21 =	vmul.f32 v61, v23  }
0x1b5: {  	v22 =	vadd.f32 v63, v22  }
0x1b6: {  	v20 =	vadd.f32 v21, v20  }
0x1b7: {  	[tilespmem:$0x10E80] =	vst v22  }
0x1b8: {  	[tilespmem:$0x10E90] =	vst v20  }
0x1b9: {  	v21 =	vld.idx.msk [tilespmem:v17+s19+$0x0], $0xffff  }
0x1ba: {  	v23 =	vld.idx.msk [tilespmem:v18+s19+$0x0], $0xffff;
	_ =	sdelay $0x4  }
0x1bb: {  	v21 =	vadd.f32 v21, v22;
	v20 =	vadd.f32 v23, v20;
	_ =	sdelay $0x1  }
0x1bc: {  	s26 =	simm.s32 $0x10;
	s25 =	simm.s32 $0x10A00;
	s28 =	simm.s32 $0x10A00;
	v20 =	vsel vm0, v21, v20  }
.LBB2_12:
0x1bd: {  	p0 =	sne.s32 s26, $0xF0;
	v20 =	vadd.f32 v20, v19;
	s25 =	sadd.s32 $0x10, s25;
	s24 =	sadd.s32 $0x10, s24  }
0x1be: {  	s29 =	smov.u32 s26;
	s26 =	sadd.s32 $0x10, s26  }
0x1bf: {  	[tilespmem:s28+$0x0] =	vst v20;
	s28 =	smov.u32 s25  }
0x1c0: {  	v20 =	vld [tilespmem:$0x10DE0]  }
0x1c1: {  	v21 =	vld [tilespmem:$0x10DD0]  }
0x1c2: {  	v22 =	vld [tilespmem:$0x10DC0]  }
0x1c3: {  	v26 =	vld [tilespmem:s24+$0x0]  }
0x1c4: {  	v23 =	vld [tilespmem:$0x10DB0]  }
0x1c5: {  	v24 =	vld [tilespmem:$0x10DA0]  }
0x1c6: {  	v25 =	vld [tilespmem:$0x10D90]  }
0x1c7: {  	v27 =	vmov s29;
	v28 =	vld [tilespmem:$0x10D80]  }
0x1c8: {  	v27 =	vshll.u32 v27, $0x7;
	v26 =	vshll.u32 v26, $0x4;
	v29 =	vld [tilespmem:$0x10D70]  }
0x1c9: {  	v27 =	vor.u32 v1, v27;
	v26 =	vand.u32 $0x70, v26;
	v30 =	vld [tilespmem:$0x10D60]  }
0x1ca: {  	v26 =	vor.u32 v27, v26;
	v27 =	vld [tilespmem:$0x10D50]  }
0x1cb: {  	v31 =	vor.u32 v0, v26;
	v32 =	vor.u32 v2, v26;
	v33 =	vor.u32 v3, v26;
	v34 =	vld [tilespmem:$0x10D40]  }
0x1cc: {  	v35 =	vor.u32 v4, v26;
	v37 =	vor.u32 v5, v26;
	v38 =	vor.u32 v6, v26;
	v36 =	vld [tilespmem:$0x10D30]  }
0x1cd: {  	v40 =	vor.u32 v8, v26;
	v41 =	vor.u32 v9, v26;
	v42 =	vor.u32 v7, v26;
	v39 =	vld [tilespmem:$0x10D20]  }
0x1ce: {  	v44 =	vor.u32 v10, v26;
	v45 =	vor.u32 v11, v26;
	v46 =	vor.u32 v12, v26;
	v43 =	vld [tilespmem:$0x10D10]  }
0x1cf: {  	v48 =	vor.u32 v13, v26;
	v49 =	vor.u32 v14, v26;
	v50 =	vor.u32 v15, v26;
	v47 =	vld [tilespmem:$0x10D00]  }
0x1d0: {  	v26 =	vor.u32 v16, v26;
	v31 =	vld.idx.msk [tilespmem:v31+s14+$0x0], $0xffff  }
0x1d1: {  	v51 =	vld [tilespmem:$0x10C00]  }
0x1d2: {  	v32 =	vld.idx.msk [tilespmem:v32+s14+$0x0], $0xffff  }
0x1d3: {  	v52 =	vld [tilespmem:$0x10C10]  }
0x1d4: {  	v33 =	vld.idx.msk [tilespmem:v33+s14+$0x0], $0xffff  }
0x1d5: {  	v53 =	vld [tilespmem:$0x10C20]  }
0x1d6: {  	v51 =	vmul.f32 v51, v31;
	v31 =	vmul.f32 v47, v31;
	v35 =	vld.idx.msk [tilespmem:v35+s14+$0x0], $0xffff  }
0x1d7: {  	v47 =	vld [tilespmem:$0x10C30]  }
0x1d8: {  	v51 =	vadd.f32 $0.0e+00, v51;
	v31 =	vadd.f32 $0.0e+00, v31;
	v52 =	vmul.f32 v52, v32;
	v37 =	vld.idx.msk [tilespmem:v37+s14+$0x0], $0xffff  }
0x1d9: {  	v32 =	vmul.f32 v43, v32;
	v43 =	vld [tilespmem:$0x10C40]  }
0x1da: {  	v51 =	vadd.f32 v52, v51;
	v52 =	vmul.f32 v53, v33;
	v38 =	vld.idx.msk [tilespmem:v38+s14+$0x0], $0xffff  }
0x1db: {  	v31 =	vadd.f32 v32, v31;
	v32 =	vmul.f32 v39, v33;
	v33 =	vld [tilespmem:$0x10C50]  }
0x1dc: {  	v39 =	vadd.f32 v52, v51;
	v47 =	vmul.f32 v47, v35;
	v40 =	vld.idx.msk [tilespmem:v40+s14+$0x0], $0xffff  }
0x1dd: {  	v31 =	vadd.f32 v32, v31;
	v32 =	vmul.f32 v36, v35;
	v35 =	vld [tilespmem:$0x10C60]  }
0x1de: {  	v36 =	vadd.f32 v47, v39;
	v39 =	vmul.f32 v43, v37;
	v41 =	vld.idx.msk [tilespmem:v41+s14+$0x0], $0xffff  }
0x1df: {  	v31 =	vadd.f32 v32, v31;
	v32 =	vmul.f32 v34, v37;
	v34 =	vld [tilespmem:$0x10C70]  }
0x1e0: {  	v36 =	vadd.f32 v39, v36;
	v33 =	vmul.f32 v33, v38;
	v37 =	vld.idx.msk [tilespmem:v42+s14+$0x0], $0xffff  }
0x1e1: {  	v27 =	vmul.f32 v27, v38;
	v31 =	vadd.f32 v32, v31;
	v32 =	vld [tilespmem:$0x10C80]  }
0x1e2: {  	v33 =	vadd.f32 v33, v36;
	v35 =	vmul.f32 v35, v40;
	v36 =	vld.idx.msk [tilespmem:v44+s14+$0x0], $0xffff  }
0x1e3: {  	v30 =	vmul.f32 v30, v40;
	v27 =	vadd.f32 v27, v31;
	v31 =	vld [tilespmem:$0x10C90]  }
0x1e4: {  	v33 =	vadd.f32 v35, v33;
	v34 =	vmul.f32 v34, v41;
	v35 =	vld.idx.msk [tilespmem:v45+s14+$0x0], $0xffff  }
0x1e5: {  	v29 =	vmul.f32 v29, v41;
	v27 =	vadd.f32 v30, v27;
	v30 =	vld [tilespmem:$0x10CA0]  }
0x1e6: {  	v33 =	vadd.f32 v34, v33;
	v32 =	vmul.f32 v32, v37;
	v34 =	vld.idx.msk [tilespmem:v46+s14+$0x0], $0xffff  }
0x1e7: {  	v28 =	vmul.f32 v28, v37;
	v27 =	vadd.f32 v29, v27;
	v29 =	vld [tilespmem:$0x10CB0]  }
0x1e8: {  	v32 =	vadd.f32 v32, v33;
	v31 =	vmul.f32 v31, v36;
	v33 =	vld.idx.msk [tilespmem:v48+s14+$0x0], $0xffff  }
0x1e9: {  	v25 =	vmul.f32 v25, v36;
	v27 =	vadd.f32 v28, v27;
	v28 =	vld [tilespmem:$0x10CC0]  }
0x1ea: {  	v31 =	vadd.f32 v31, v32;
	v30 =	vmul.f32 v30, v35;
	v32 =	vld.idx.msk [tilespmem:v49+s14+$0x0], $0xffff  }
0x1eb: {  	v24 =	vmul.f32 v24, v35;
	v25 =	vadd.f32 v25, v27;
	v27 =	vld [tilespmem:$0x10CD0]  }
0x1ec: {  	v30 =	vadd.f32 v30, v31;
	v29 =	vmul.f32 v29, v34;
	v31 =	vld.idx.msk [tilespmem:v50+s14+$0x0], $0xffff  }
0x1ed: {  	v23 =	vmul.f32 v23, v34;
	v24 =	vadd.f32 v24, v25;
	v25 =	vld [tilespmem:$0x10CE0]  }
0x1ee: {  	v29 =	vadd.f32 v29, v30;
	v28 =	vmul.f32 v28, v33;
	v26 =	vld.idx.msk [tilespmem:v26+s14+$0x0], $0xffff  }
0x1ef: {  	v22 =	vmul.f32 v22, v33;
	v23 =	vadd.f32 v23, v24;
	v24 =	vld [tilespmem:$0x10CF0]  }
0x1f0: {  	v28 =	vadd.f32 v28, v29;
	v27 =	vmul.f32 v27, v32;
	v29 =	vld [tilespmem:$0x10DF0]  }
0x1f1: {  	v21 =	vmul.f32 v21, v32;
	v22 =	vadd.f32 v22, v23  }
0x1f2: {  	v23 =	vadd.f32 v27, v28;
	v25 =	vmul.f32 v25, v31  }
0x1f3: {  	v20 =	vmul.f32 v20, v31;
	v21 =	vadd.f32 v21, v22  }
0x1f4: {  	v22 =	vadd.f32 v25, v23;
	v23 =	vmul.f32 v24, v26  }
0x1f5: {  	v20 =	vadd.f32 v20, v21;
	v21 =	vmul.f32 v29, v26  }
0x1f6: {  	v22 =	vadd.f32 v23, v22  }
0x1f7: {  	v20 =	vadd.f32 v21, v20  }
0x1f8: {  	[tilespmem:$0x10E80] =	vst v22  }
0x1f9: {  	[tilespmem:$0x10E90] =	vst v20  }
0x1fa: {  	v21 =	vld.idx.msk [tilespmem:v17+s19+$0x0], $0xffff  }
0x1fb: {  	v23 =	vld.idx.msk [tilespmem:v18+s19+$0x0], $0xffff;
	_ =	sdelay $0x3  }
.Ltmp5:
0x1fc: {  	(pc) =	sbr.rel @p0 .LBB2_12-.Ltmp5, $3  }
0x1fd: {  	v21 =	vadd.f32 v21, v22  }
0x1fe: {  	v20 =	vadd.f32 v23, v20;
	_ =	sdelay $0x1  }
0x1ff: {  	v20 =	vsel vm0, v21, v20  }
0x200: {  	v20 =	vadd.f32 v20, v19;
	_ =	sdelay $0x1  }
0x201: {  	[tilespmem:s28+$0x0] =	vst v20  }
0x202: {  	_ =	swait.ge [sflag:s20], $0x8000  }
0x203: {  	[sflag:s20] =	ssyncset.done $0x0  }
0x204: {  	[sflag:s20] =	ssyncadd.s32 $0xFFFF8000  }
0x205: {  	v20 =	vld [tilespmem:$0x10DE0]  }
0x206: {  	v21 =	vld [tilespmem:$0x10DD0]  }
0x207: {  	s24 =	simm.s32 $0x300;
	v22 =	vld [tilespmem:$0x10DC0]  }
0x208: {  	v23 =	vld [tilespmem:s24+$0x0]  }
0x209: {  	v24 =	vld [tilespmem:$0x10DB0]  }
0x20a: {  	v25 =	vld [tilespmem:$0x10DA0]  }
0x20b: {  	v26 =	vld [tilespmem:$0x10D90]  }
0x20c: {  	s25 =	simm.s32 $0x0;
	v28 =	vld [tilespmem:$0x10D80]  }
0x20d: {  	v27 =	vmov s25;
	v29 =	vld [tilespmem:$0x10D70]  }
0x20e: {  	v27 =	vshll.u32 v27, $0x7;
	v30 =	vld [tilespmem:$0x10D60];
	v23 =	vshll.u32 v23, $0x4  }
0x20f: {  	v27 =	vor.u32 v1, v27;
	v63 =	vld [tilespmem:$0x10D50];
	v23 =	vand.u32 $0x70, v23  }
0x210: {  	v32 =	vld [tilespmem:$0x10D40];
	v23 =	vor.u32 v27, v23  }
0x211: {  	v33 =	vld [tilespmem:$0x10D30];
	v31 =	vor.u32 v0, v23  }
0x212: {  	v35 =	vld [tilespmem:$0x10D20]  }
0x213: {  	v36 =	vld [tilespmem:$0x10D10];
	v34 =	vor.u32 v2, v23  }
0x214: {  	v38 =	vld [tilespmem:$0x10D00]  }
0x215: {  	v40 =	vld [tilespmem:$0x10C00];
	v37 =	vor.u32 v3, v23  }
0x216: {  	v31 =	vld.idx.msk [tilespmem:v31+s16+$0x0], $0xffff  }
0x217: {  	v42 =	vld [tilespmem:$0x10C10];
	v39 =	vor.u32 v4, v23  }
0x218: {  	v34 =	vld.idx.msk [tilespmem:v34+s16+$0x0], $0xffff  }
0x219: {  	v44 =	vld [tilespmem:$0x10C20];
	v41 =	vor.u32 v5, v23  }
0x21a: {  	v37 =	vld.idx.msk [tilespmem:v37+s16+$0x0], $0xffff  }
0x21b: {  	v48 =	vld [tilespmem:$0x10C30];
	v43 =	vor.u32 v6, v23;
	v40 =	vmul.f32 v40, v31  }
0x21c: {  	v39 =	vld.idx.msk [tilespmem:v39+s16+$0x0], $0xffff;
	v31 =	vmul.f32 v38, v31  }
0x21d: {  	v49 =	vld [tilespmem:$0x10C40];
	v45 =	vor.u32 v8, v23;
	v42 =	vmul.f32 v42, v34;
	v40 =	vadd.f32 $0.0e+00, v40  }
0x21e: {  	v41 =	vld.idx.msk [tilespmem:v41+s16+$0x0], $0xffff;
	v34 =	vmul.f32 v36, v34;
	v31 =	vadd.f32 $0.0e+00, v31  }
0x21f: {  	v53 =	vld [tilespmem:$0x10C50];
	v46 =	vor.u32 v9, v23;
	v50 =	vmul.f32 v44, v37;
	v40 =	vadd.f32 v42, v40  }
0x220: {  	v51 =	vor.u32 v7, v23;
	v43 =	vld.idx.msk [tilespmem:v43+s16+$0x0], $0xffff;
	v52 =	vmul.f32 v35, v37;
	v31 =	vadd.f32 v34, v31  }
0x221: {  	v57 =	vld [tilespmem:$0x10C60];
	v38 =	vmul.f32 v48, v39;
	v54 =	vadd.f32 v50, v40  }
0x222: {  	v55 =	vld.idx.msk [tilespmem:v45+s16+$0x0], $0xffff;
	v33 =	vmul.f32 v33, v39;
	v31 =	vadd.f32 v52, v31  }
0x223: {  	v60 =	vld [tilespmem:$0x10C70];
	v56 =	vor.u32 v10, v23;
	v36 =	vmul.f32 v49, v41;
	v37 =	vadd.f32 v38, v54  }
0x224: {  	v59 =	vor.u32 v11, v23;
	v58 =	vld.idx.msk [tilespmem:v46+s16+$0x0], $0xffff;
	v32 =	vmul.f32 v32, v41;
	v31 =	vadd.f32 v33, v31  }
0x225: {  	v61 =	vld.idx.msk [tilespmem:v51+s16+$0x0], $0xffff;
	v35 =	vmul.f32 v53, v43;
	v36 =	vadd.f32 v36, v37  }
0x226: {  	v62 =	vor.u32 v12, v23;
	v27 =	vmul.f32 v63, v43;
	v63 =	vld [tilespmem:$0x10C80];
	v31 =	vadd.f32 v32, v31  }
0x227: {  	v47 =	vld [tilespmem:$0x10C90];
	v34 =	vmul.f32 v57, v55;
	v35 =	vadd.f32 v35, v36  }
0x228: {  	v45 =	vld.idx.msk [tilespmem:v56+s16+$0x0], $0xffff;
	v30 =	vmul.f32 v30, v55;
	v27 =	vadd.f32 v27, v31  }
0x229: {  	v46 =	vor.u32 v13, v23;
	v48 =	vld.idx.msk [tilespmem:v59+s16+$0x0], $0xffff;
	v33 =	vmul.f32 v60, v58;
	v34 =	vadd.f32 v34, v35  }
0x22a: {  	v29 =	vmul.f32 v29, v58;
	v50 =	vld [tilespmem:$0x10CA0];
	v27 =	vadd.f32 v30, v27  }
0x22b: {  	v51 =	vld.idx.msk [tilespmem:v62+s16+$0x0], $0xffff;
	v49 =	vor.u32 v14, v23;
	v32 =	vmul.f32 v63, v61;
	v33 =	vadd.f32 v33, v34  }
0x22c: {  	v28 =	vmul.f32 v28, v61;
	v53 =	vld [tilespmem:$0x10CB0];
	v27 =	vadd.f32 v29, v27  }
0x22d: {  	v55 =	vld [tilespmem:$0x10CC0];
	v52 =	vor.u32 v15, v23;
	v31 =	vmul.f32 v47, v45;
	v32 =	vadd.f32 v32, v33  }
0x22e: {  	v26 =	vmul.f32 v26, v45;
	v54 =	vld.idx.msk [tilespmem:v46+s16+$0x0], $0xffff;
	v27 =	vadd.f32 v28, v27  }
0x22f: {  	v57 =	vld [tilespmem:$0x10CD0];
	v23 =	vor.u32 v16, v23;
	v30 =	vmul.f32 v50, v48;
	v31 =	vadd.f32 v31, v32  }
0x230: {  	v56 =	vld.idx.msk [tilespmem:v49+s16+$0x0], $0xffff;
	v25 =	vmul.f32 v25, v48;
	v26 =	vadd.f32 v26, v27  }
0x231: {  	v59 =	vld [tilespmem:$0x10CE0];
	v29 =	vmul.f32 v53, v51;
	v30 =	vadd.f32 v30, v31  }
0x232: {  	v24 =	vmul.f32 v24, v51;
	v58 =	vld.idx.msk [tilespmem:v52+s16+$0x0], $0xffff;
	v25 =	vadd.f32 v25, v26  }
0x233: {  	v60 =	vld [tilespmem:$0x10CF0];
	v28 =	vmul.f32 v55, v54;
	v29 =	vadd.f32 v29, v30  }
0x234: {  	v23 =	vld.idx.msk [tilespmem:v23+s16+$0x0], $0xffff;
	v22 =	vmul.f32 v22, v54;
	v24 =	vadd.f32 v24, v25  }
0x235: {  	v61 =	vld [tilespmem:$0x10DF0];
	v27 =	vmul.f32 v57, v56;
	v28 =	vadd.f32 v28, v29  }
0x236: {  	v21 =	vmul.f32 v21, v56;
	v22 =	vadd.f32 v22, v24  }
0x237: {  	v26 =	vmul.f32 v59, v58;
	v62 =	vadd.f32 v27, v28  }
0x238: {  	v20 =	vmul.f32 v20, v58;
	v21 =	vadd.f32 v21, v22  }
0x239: {  	v63 =	vmul.f32 v60, v23;
	v22 =	vadd.f32 v26, v62  }
0x23a: {  	v20 =	vadd.f32 v20, v21;
	v21 =	vmul.f32 v61, v23  }
0x23b: {  	v22 =	vadd.f32 v63, v22  }
0x23c: {  	v20 =	vadd.f32 v21, v20  }
0x23d: {  	[tilespmem:$0x10E80] =	vst v22  }
0x23e: {  	[tilespmem:$0x10E90] =	vst v20  }
0x23f: {  	v21 =	vld.idx.msk [tilespmem:v17+s19+$0x0], $0xffff  }
0x240: {  	v23 =	vld.idx.msk [tilespmem:v18+s19+$0x0], $0xffff;
	_ =	sdelay $0x4  }
0x241: {  	v21 =	vadd.f32 v21, v22;
	v20 =	vadd.f32 v23, v20;
	_ =	sdelay $0x1  }
0x242: {  	s26 =	simm.s32 $0x10;
	s25 =	simm.s32 $0x10B00;
	s28 =	simm.s32 $0x10B00;
	v20 =	vsel vm0, v21, v20  }
.LBB2_14:
0x243: {  	p0 =	sne.s32 s26, $0xF0;
	v20 =	vadd.f32 v20, v19;
	s25 =	sadd.s32 $0x10, s25;
	s24 =	sadd.s32 $0x10, s24  }
0x244: {  	s29 =	smov.u32 s26;
	s26 =	sadd.s32 $0x10, s26  }
0x245: {  	[tilespmem:s28+$0x0] =	vst v20;
	s28 =	smov.u32 s25  }
0x246: {  	v20 =	vld [tilespmem:$0x10DE0]  }
0x247: {  	v21 =	vld [tilespmem:$0x10DD0]  }
0x248: {  	v22 =	vld [tilespmem:$0x10DC0]  }
0x249: {  	v26 =	vld [tilespmem:s24+$0x0]  }
0x24a: {  	v23 =	vld [tilespmem:$0x10DB0]  }
0x24b: {  	v24 =	vld [tilespmem:$0x10DA0]  }
0x24c: {  	v25 =	vld [tilespmem:$0x10D90]  }
0x24d: {  	v27 =	vmov s29;
	v28 =	vld [tilespmem:$0x10D80]  }
0x24e: {  	v27 =	vshll.u32 v27, $0x7;
	v26 =	vshll.u32 v26, $0x4;
	v29 =	vld [tilespmem:$0x10D70]  }
0x24f: {  	v27 =	vor.u32 v1, v27;
	v26 =	vand.u32 $0x70, v26;
	v30 =	vld [tilespmem:$0x10D60]  }
0x250: {  	v26 =	vor.u32 v27, v26;
	v27 =	vld [tilespmem:$0x10D50]  }
0x251: {  	v31 =	vor.u32 v0, v26;
	v32 =	vor.u32 v2, v26;
	v33 =	vor.u32 v3, v26;
	v34 =	vld [tilespmem:$0x10D40]  }
0x252: {  	v35 =	vor.u32 v4, v26;
	v37 =	vor.u32 v5, v26;
	v38 =	vor.u32 v6, v26;
	v36 =	vld [tilespmem:$0x10D30]  }
0x253: {  	v40 =	vor.u32 v8, v26;
	v41 =	vor.u32 v9, v26;
	v42 =	vor.u32 v7, v26;
	v39 =	vld [tilespmem:$0x10D20]  }
0x254: {  	v44 =	vor.u32 v10, v26;
	v45 =	vor.u32 v11, v26;
	v46 =	vor.u32 v12, v26;
	v43 =	vld [tilespmem:$0x10D10]  }
0x255: {  	v48 =	vor.u32 v13, v26;
	v49 =	vor.u32 v14, v26;
	v50 =	vor.u32 v15, v26;
	v47 =	vld [tilespmem:$0x10D00]  }
0x256: {  	v26 =	vor.u32 v16, v26;
	v31 =	vld.idx.msk [tilespmem:v31+s16+$0x0], $0xffff  }
0x257: {  	v51 =	vld [tilespmem:$0x10C00]  }
0x258: {  	v32 =	vld.idx.msk [tilespmem:v32+s16+$0x0], $0xffff  }
0x259: {  	v52 =	vld [tilespmem:$0x10C10]  }
0x25a: {  	v33 =	vld.idx.msk [tilespmem:v33+s16+$0x0], $0xffff  }
0x25b: {  	v53 =	vld [tilespmem:$0x10C20]  }
0x25c: {  	v51 =	vmul.f32 v51, v31;
	v31 =	vmul.f32 v47, v31;
	v35 =	vld.idx.msk [tilespmem:v35+s16+$0x0], $0xffff  }
0x25d: {  	v47 =	vld [tilespmem:$0x10C30]  }
0x25e: {  	v51 =	vadd.f32 $0.0e+00, v51;
	v31 =	vadd.f32 $0.0e+00, v31;
	v52 =	vmul.f32 v52, v32;
	v37 =	vld.idx.msk [tilespmem:v37+s16+$0x0], $0xffff  }
0x25f: {  	v32 =	vmul.f32 v43, v32;
	v43 =	vld [tilespmem:$0x10C40]  }
0x260: {  	v51 =	vadd.f32 v52, v51;
	v52 =	vmul.f32 v53, v33;
	v38 =	vld.idx.msk [tilespmem:v38+s16+$0x0], $0xffff  }
0x261: {  	v31 =	vadd.f32 v32, v31;
	v32 =	vmul.f32 v39, v33;
	v33 =	vld [tilespmem:$0x10C50]  }
0x262: {  	v39 =	vadd.f32 v52, v51;
	v47 =	vmul.f32 v47, v35;
	v40 =	vld.idx.msk [tilespmem:v40+s16+$0x0], $0xffff  }
0x263: {  	v31 =	vadd.f32 v32, v31;
	v32 =	vmul.f32 v36, v35;
	v35 =	vld [tilespmem:$0x10C60]  }
0x264: {  	v36 =	vadd.f32 v47, v39;
	v39 =	vmul.f32 v43, v37;
	v41 =	vld.idx.msk [tilespmem:v41+s16+$0x0], $0xffff  }
0x265: {  	v31 =	vadd.f32 v32, v31;
	v32 =	vmul.f32 v34, v37;
	v34 =	vld [tilespmem:$0x10C70]  }
0x266: {  	v36 =	vadd.f32 v39, v36;
	v33 =	vmul.f32 v33, v38;
	v37 =	vld.idx.msk [tilespmem:v42+s16+$0x0], $0xffff  }
0x267: {  	v27 =	vmul.f32 v27, v38;
	v31 =	vadd.f32 v32, v31;
	v32 =	vld [tilespmem:$0x10C80]  }
0x268: {  	v33 =	vadd.f32 v33, v36;
	v35 =	vmul.f32 v35, v40;
	v36 =	vld.idx.msk [tilespmem:v44+s16+$0x0], $0xffff  }
0x269: {  	v30 =	vmul.f32 v30, v40;
	v27 =	vadd.f32 v27, v31;
	v31 =	vld [tilespmem:$0x10C90]  }
0x26a: {  	v33 =	vadd.f32 v35, v33;
	v34 =	vmul.f32 v34, v41;
	v35 =	vld.idx.msk [tilespmem:v45+s16+$0x0], $0xffff  }
0x26b: {  	v29 =	vmul.f32 v29, v41;
	v27 =	vadd.f32 v30, v27;
	v30 =	vld [tilespmem:$0x10CA0]  }
0x26c: {  	v33 =	vadd.f32 v34, v33;
	v32 =	vmul.f32 v32, v37;
	v34 =	vld.idx.msk [tilespmem:v46+s16+$0x0], $0xffff  }
0x26d: {  	v28 =	vmul.f32 v28, v37;
	v27 =	vadd.f32 v29, v27;
	v29 =	vld [tilespmem:$0x10CB0]  }
0x26e: {  	v32 =	vadd.f32 v32, v33;
	v31 =	vmul.f32 v31, v36;
	v33 =	vld.idx.msk [tilespmem:v48+s16+$0x0], $0xffff  }
0x26f: {  	v25 =	vmul.f32 v25, v36;
	v27 =	vadd.f32 v28, v27;
	v28 =	vld [tilespmem:$0x10CC0]  }
0x270: {  	v31 =	vadd.f32 v31, v32;
	v30 =	vmul.f32 v30, v35;
	v32 =	vld.idx.msk [tilespmem:v49+s16+$0x0], $0xffff  }
0x271: {  	v24 =	vmul.f32 v24, v35;
	v25 =	vadd.f32 v25, v27;
	v27 =	vld [tilespmem:$0x10CD0]  }
0x272: {  	v30 =	vadd.f32 v30, v31;
	v29 =	vmul.f32 v29, v34;
	v31 =	vld.idx.msk [tilespmem:v50+s16+$0x0], $0xffff  }
0x273: {  	v23 =	vmul.f32 v23, v34;
	v24 =	vadd.f32 v24, v25;
	v25 =	vld [tilespmem:$0x10CE0]  }
0x274: {  	v29 =	vadd.f32 v29, v30;
	v28 =	vmul.f32 v28, v33;
	v26 =	vld.idx.msk [tilespmem:v26+s16+$0x0], $0xffff  }
0x275: {  	v22 =	vmul.f32 v22, v33;
	v23 =	vadd.f32 v23, v24;
	v24 =	vld [tilespmem:$0x10CF0]  }
0x276: {  	v28 =	vadd.f32 v28, v29;
	v27 =	vmul.f32 v27, v32;
	v29 =	vld [tilespmem:$0x10DF0]  }
0x277: {  	v21 =	vmul.f32 v21, v32;
	v22 =	vadd.f32 v22, v23  }
0x278: {  	v23 =	vadd.f32 v27, v28;
	v25 =	vmul.f32 v25, v31  }
0x279: {  	v20 =	vmul.f32 v20, v31;
	v21 =	vadd.f32 v21, v22  }
0x27a: {  	v22 =	vadd.f32 v25, v23;
	v23 =	vmul.f32 v24, v26  }
0x27b: {  	v20 =	vadd.f32 v20, v21;
	v21 =	vmul.f32 v29, v26  }
0x27c: {  	v22 =	vadd.f32 v23, v22  }
0x27d: {  	v20 =	vadd.f32 v21, v20  }
0x27e: {  	[tilespmem:$0x10E80] =	vst v22  }
0x27f: {  	[tilespmem:$0x10E90] =	vst v20  }
0x280: {  	v21 =	vld.idx.msk [tilespmem:v17+s19+$0x0], $0xffff  }
0x281: {  	v23 =	vld.idx.msk [tilespmem:v18+s19+$0x0], $0xffff;
	_ =	sdelay $0x3  }
.Ltmp6:
0x282: {  	(pc) =	sbr.rel @p0 .LBB2_14-.Ltmp6, $3  }
0x283: {  	v21 =	vadd.f32 v21, v22  }
0x284: {  	v20 =	vadd.f32 v23, v20;
	_ =	sdelay $0x1  }
0x285: {  	v20 =	vsel vm0, v21, v20  }
0x286: {  	v19 =	vadd.f32 v20, v19;
	s23 =	sadd.s32 $0x1, s23  }
0x287: {  	p0 =	sne.s32 s23, s8  }
.Ltmp7:
0x288: {  	[tilespmem:s28+$0x0] =	vst v19;
	(pc) =	sbr.rel @p0 .LBB2_1-.Ltmp7, $4  }
0x289: {  	[hbm4b:s7+s1] =	stream.linear.scatter [tilespmem:s22], [sflag:$0x3], $0x400, $0x38;
	[tilespmem:$0x10F00] =	vst v63  }
0x28a: {  	_ =	swait.ge [sflag:s9], $0x400  }
0x28b: {  	[sflag:s9] =	ssyncset.done $0x0  }
0x28c: {  	[sflag:s9] =	ssyncadd.s32 $0xFFFFFC00  }
0x28d: {  	_ =	sfence.sel $0x180000  }
0x28e: {  	[bflag:$0x0] =	sbarrier.arrive $0xFFFF  }
0x28f: {  	p0 =	sne.s32 s2, $0x0;
	_ =	strace $0x9000004D  }
0x290: {  	s0 =	sadd.s32 @!p0 $0x100000, s0;
	[bflag:$0x2] =	sbarrier.arrive $0xFFFF  }
0x291: {  	[sflag:s0] =	ssyncadd.tile.s32 @!p0 $0x1;
	_ =	shalt  }
.Lfunc_end2:
_tile_overlayer_lowered:
.L_overlay_start_2:
0x292: {  	(tag) =	ssettag $0x2  }
0x293: {  	s0 =	rddreg [dreg:$0x0];
	s2 =	stileid.u32  }
0x294: {  	s1 =	rddreg [dreg:$0x1];
	p0 =	sne.s32 s2, $0x0  }
0x295: {  	s3 =	rddreg [dreg:$0x2];
	[bflag:$0x3] =	sbarrier.arrive $0xFFFF;
	s2 =	simm.s32 @!p0 $0x1C03  }
0x296: {  	[timem:s3], [sflag:s2] =	dma.local @!p0 [hbm:s0], s1  }
0x297: {  	s0 =	simm.s32 @!p0 $0x3  }
0x298: {  	_ =	swait.ge @!p0 [sflag:s0], s1  }
0x299: {  	s1 =	ssub.s32 @!p0 $0x0, s1;
	[sflag:s0] =	ssyncset.done @!p0 $0x0  }
0x29a: {  	[sflag:s0] =	ssyncadd.s32 @!p0 s1  }
0x29b: {  	[bflag:$0x3] =	sbarrier.arrive $0xFFFF  }
0x29c: {  	_ =	shalt  }

// kernel: sparse-core-data-format-call.1.cloned.1.call-start
scs
called_computation.1_lowered:
.L_overlay_start_0:
0x0: {  	s2 =	sld [smem:$0x3FD9]  }
0x1: {  	s3 =	sld [smem:$0x3FFE];
	_ =	sdelay $0x1  }
0x2: {  	s1 =	srdreg.scid  }
0x3: {  	s0 =	sand.u32 $0x1, s1  }
0x4: {  	s18 =	sshll.u32 s0, $0xA;
	s2 =	sadd.s32 s3, s2  }
0x5: {  	s2 =	sadd.s32 s2, s18  }
0x6: {  	[smem:$0x3FC4] =	sst s2  }
0x7: {  	_ = 	snop  }
0x8: {  	s2 =	sld [smem:$0x3FC8];
	(tm) =	ssettm $0x1  }
0x9: {  	s19 =	sld [smem:$0x3FFB];
	_ =	sdelay $0x3  }
0xa: {  	_ =	strace s19  }
0xb: {  	s3 =	sld [smem:$0x3FFC];
	_ =	sdelay $0x3  }
0xc: {  	_ =	strace s3  }
0xd: {  	s3 =	sld [smem:$0x3FFD];
	_ =	sdelay $0x3  }
0xe: {  	_ =	strace s3  }
0xf: {  	_ =	strace $0x8FFFFFFF  }
0x10: {  	s20 =	sld [smem:$0x3FDB];
	_ =	sdelay $0x1  }
0x11: {  	s4 =	simm.s32 $_scs_section_size  }
0x12: {  	s5 =	simm.s32 $_size__tile_overlayer_lowered;
	s6 =	simm.s32 $_tile_overlayer_lowered  }
0x13: {  	s23 =	simm.s32 $0x1BFF;
	s22 =	sshll.u32 s6, $0x1;
	s3 =	sadd.s32 s4, s20  }
0x14: {  	s7 =	simm.s32 $0x0;
	s21 =	sshll.u32 s5, $0x1;
	s5 =	sadd.s32 s22, s3  }
0x15: {  	[timem:s7], [sflag:s23] =	dma.local [hbm:s5], s21  }
0x16: {  	_ =	swait.ge [sflag:s23], s21  }
0x17: {  	s4 =	ssub.s32 $0x0, s21;
	[sflag:s23] =	ssyncset.done $0x0  }
0x18: {  	[sflag:s23] =	ssyncadd.s32 s4;
	_ =	sdelay $0x1  }
0x19: {  	s24 =	simm.s32 $0x1B8B  }
0x1a: {  	_ =	swait.ge [sflag:s24], $0x1  }
0x1b: {  	[sflag:s24] =	ssyncset.done $0x0  }
0x1c: {  	s26 =	simm.s32 $0x1B8E;
	s25 =	sld [smem:$0x3FFE];
	[sflag:s24] =	ssyncadd.s32 $0xFFFFFFFF  }
0x1d: {  	s27 =	simm.s32 $execute0_lowered;
	[smem:$0x3FD2] =	sst s26  }
0x1e: {  	s5 =	sshll.u32 s27, $0x1;
	_ =	strace $0x80000046;
	[dreg:$0x1] =	wrdreg $0xFFFFFFFF  }
0x1f: {  	s28 =	simm.s32 $_size_execute0_lowered;
	s3 =	sadd.s32 s3, s5;
	[dreg:$0x0] =	wrdreg $0x0  }
0x20: {  	s5 =	sshll.u32 s28, $0x1;
	[dreg:$0x2] =	wrdreg s3  }
0x21: {  	[dreg:$0x3] =	wrdreg s5  }
0x22: {  	[dreg:$0x4] =	wrdreg $0xC0  }
0x23: {  	_ =	task [dreg:s7], $0x5FFFF  }
0x24: {  	[dreg:$0x1] =	wrdreg $0xFFFFFFFF  }
0x25: {  	[dreg:$0x0] =	wrdreg $0x60  }
0x26: {  	[dreg:$0x2] =	wrdreg s2  }
0x27: {  	[dreg:$0x3] =	wrdreg s25  }
0x28: {  	[dreg:$0x4] =	wrdreg $0x9  }
0x29: {  	_ =	task.clear_ibuf [dreg:s7], $0x5FFFF;
	_ =	strace $0x90000046  }
0x2a: {  	s29 =	simm.s32 $0x9;
	_ =	strace $0x80000048  }
0x2b: {  	_ =	swait.ge [sflag:s29], $0x1  }
0x2c: {  	[sflag:s29] =	ssyncadd.s32 $0xFFFFFFFF  }
0x2d: {  	_ =	strace $0x90000048  }
0x2e: {  	_ =	sfence  }
0x2f: {  	s30 =	sld [smem:$0x0];
	_ =	sdelay $0x2  }
0x30: {  	s31 =	sshll.u32 s1, $0xD;
	s1 =	sshrl.u32 s1, $0x2  }
0x31: {  	s3 =	sand.u32 $0x4000, s31;
	s1 =	sadd.s32 s1, s30  }
0x32: {  	s0 =	sor.u32 s3, s0;
	s1 =	sshll.u32 s1, $0x11  }
0x33: {  	s0 =	sor.u32 s1, s0  }
0x34: {  	s0 =	sadd.s32 $0x8F2B, s0  }
0x35: {  	[sflag:s0] =	ssyncadd.remote.s32 $0x1  }
0x36: {  	_ =	sfence.sel $0xFFFF  }
0x37: {  	[dreg:$0x0] =	wrdreg $0xFFFFFFFF;
	(pc) =	sbr.abs _section_cstart, $3  }
0x38: {  	[dreg:$0x1] =	wrdreg $0xFFFFFFFF  }
0x39: {  	_ =	task.clear_ibuf [dreg:s7], $0x2FFFF;
	_ =	strace $0x9FFFFFFF  }
0x3a: {  	(tm) =	ssettm $0x7FFFFFFF  }
0x3b: {  	_ =	shalt  }
tec
execute0_lowered:
.L_overlay_start_1:
0x0: {  	(tag) =	ssettag $0x1  }
0x1: {  	s0 =	srdreg.scid;
	s2 =	rddreg [dreg:$0x0]  }
0x2: {  	s5 =	rddreg [dreg:$0x1];
	s1 =	stileid.u32  }
0x3: {  	s4 =	simm.s32 $0x1;
	s6 =	simm.s32 $0x2;
	s15 =	simm.s32 $0x0  }
0x4: {  	p0 =	por $0x0, $0x0;
	s8 =	simm.s32 $0x80;
	s0 =	sshll.u32 s0, $0x4  }
0x5: {  	s14 =	simm.s32 $0x0;
	s9 =	simm.s32 $0x0;
	s3 =	sand.u32 $0x10, s0  }
.Ltmp0:
0x6: {  	s10 =	simm.s32 $0x0;
	s3 =	sor.u32 s1, s3;
	(pc) =	sbr.rel .LBB1_1-.Ltmp0, $4  }
0x7: {  	s0 =	rddreg [dreg:$0x2];
	_ =	strace $0x80000047;
	s3 =	sshll.u32 s3, $0x7  }
0x8: {  	s12 =	simm.s32 $0x0;
	[sflag:s4] =	ssyncpa.u1 $0x0;
	s7 =	ssub.s32 $0xF4200, s3  }
0x9: {  	s13 =	simm.s32 $0x0;
	[sflag:s6] =	ssyncpa.u1 $0x0;
	s6 =	sshrl.u32 s7, $0xC  }
0xa: {  	s5 =	sadd.s32 $0x1400, s5;
	s11 =	smov.u32 s3;
	s7 =	sadd.s32 $0x2, s6  }
.LBB1_5:
0xb: {  	p1 =	slt.u32 s13, $0x2  }
0xc: {  	s17 =	smov.u32 s15;
	p2 =	sgt.s32 @!p1 s15, $0xF41C0;
	s16 =	sshra.s32 @!p1 s15, $0x1F  }
0xd: {  	p3 =	sgt.s32 @!p1 s14, $0x70;
	s18 =	sshra.s32 @!p1 s14, $0x1F;
	p2 =	por !p2, p1  }
0xe: {  	s15 =	sand.u32 @!p1 s16, s15;
	p3 =	por !p3, p1;
	s16 =	smov.u32 s14  }
0xf: {  	s14 =	sand.u32 @!p1 s18, s14;
	s17 =	simm.s32 @p2 $0xF41C0;
	s16 =	simm.s32 @p3 $0x70  }
0x10: {  	s15 =	ssub.s32 @!p1 s17, s15;
	s14 =	ssub.s32 @!p1 s16, s14  }
0x11: {  	s18 =	smov.u32 s12;
	s16 =	sadd.s32 @!p1 $0xFFF0BE40, s15;
	s17 =	sadd.s32 @!p1 $0xFFFFFF90, s14  }
0x12: {  	s15 =	ssub.s32 @!p1 $0xF4240, s15;
	p2 =	sgt.s32 @!p1 s16, $0x7F;
	p3 =	sgt.s32 @!p1 s17, $0xF  }
0x13: {  	s14 =	ssub.s32 @!p1 $0x80, s14;
	p2 =	por !p2, p1;
	p3 =	por !p3, p1  }
0x14: {  	s16 =	sadd.s32 $0x1000, s11;
	s15 =	simm.s32 @!p2 $0x0;
	s14 =	simm.s32 @!p3 $0x0  }
0x15: {  	p2 =	sgt.s32 s16, $0xF423F;
	s14 =	smul.u32 @!p1 s14, s15;
	s15 =	sadd.s32 $0x10, s12  }
0x16: {  	s18 =	smov.u32 @p2 s15  }
0x17: {  	s16 =	smov.u32 @p2 s3;
	p2 =	sgt.s32 s18, $0xF  }
0x18: {  	s18 =	simm.s32 @p2 $0x0;
	p2 =	sne.s32 s13, s7  }
.Ltmp1:
0x19: {  	p0 =	por !p0, !p0;
	s17 =	simm.s32 @!p1 $0x2;
	(pc) =	sbr.rel @!p2 .LBB1_6-.Ltmp1, $4  }
0x1a: {  	s15 =	smov.u32 s9;
	s9 =	smov.u32 s11;
	s14 =	sand.u32 @!p1 $0x3FFFFFFF, s14  }
0x1b: {  	s11 =	smov.u32 s16;
	_ =	swait.ge @!p1 [sflag:s17], s14;
	s19 =	ssub.s32 @!p1 $0x0, s14  }
0x1c: {  	s14 =	smov.u32 s10;
	s13 =	sadd.s32 $0x1, s13;
	[sflag:s17] =	ssyncset.done @!p1 $0x0  }
0x1d: {  	s10 =	smov.u32 s12;
	s12 =	smov.u32 s18;
	[sflag:s17] =	ssyncadd.s32 @!p1 s19  }
.LBB1_1:
0x1e: {  	p1 =	sgt.u32 s13, s6  }
0x1f: {  	s16 =	sshrl.u32 @!p1 s12, $0x3  }
0x20: {  	s17 =	sshll.u32 @!p1 s11, $0x3;
	s16 =	smul.u32 @!p1 $0x7A1400, s16  }
0x21: {  	s18 =	sshll.u32 @!p1 s12, $0x7;
	s17 =	sand.u32 @!p1 $0xFFFFFC00, s17  }
0x22: {  	s16 =	sadd.s32 @!p1 s16, s17;
	s17 =	sand.u32 @!p1 $0x380, s18  }
0x23: {  	s18 =	sand.u32 @!p1 $0x7F, s11;
	s16 =	sor.u32 @!p1 s17, s16  }
0x24: {  	s17 =	sor.u32 @!p1 s18, s16  }
0x25: {  	s18 =	smulhi.u32 @!p1 $0x218D6287, s17;
	_ =	sdelay $0x1  }
0x26: {  	s16 =	smulhi.u32 @!p1 $0x218D6287, s16;
	s18 =	sshrl.u32 @!p1 s18, $0x11  }
0x27: {  	s18 =	smul.u32 @!p1 $0xF4280, s18  }
0x28: {  	s19 =	sxor.u32 @!p1 $0xFFFFFFFF, s13;
	s16 =	sshrl.u32 @!p1 s16, $0x11  }
0x29: {  	s19 =	sshll.u32 @!p1 s19, $0xB;
	s16 =	sand.u32 @!p1 $0xF, s16;
	s17 =	ssub.s32 @!p1 s17, s18  }
0x2a: {  	s16 =	smul.u32 @!p1 $0x1E850, s16;
	s18 =	sshrl.u32 @!p1 s17, $0x3;
	s17 =	sand.u32 @!p1 $0x7, s17  }
0x2b: {  	s19 =	sand.u32 @!p1 $0x800, s19;
	s18 =	sadd.s32 @!p1 s2, s18;
	s17 =	sshll.u32 @!p1 s17, $0x12  }
0x2c: {  	s16 =	sadd.s32 @!p1 s16, s18;
	s17 =	sor.u32 @!p1 $0x400, s17;
	s18 =	simm.s32 @!p1 $0x7A1400  }
0x2d: {  	[tilespmem:s19], [sflag:$0x1] =	stream.strided.gather @!p1 [hbm4b:s16+s17], $0x800, s18, s17, $0x38;
	[tilespmem:$0x2100] =	vst v63  }
0x2e: {  	p1 =	seq.s32 s13, $0x0  }
0x2f: {  	p2 =	sge.u32 @!p1 s13, s7  }
0x30: {  	p1 =	por p1, p2  }
.Ltmp2:
0x31: {  	_ = 	snop;
	(pc) =	sbr.rel @p1 .LBB1_5-.Ltmp2, $1  }
0x32: {  	_ =	sdelay $0x3  }
0x33: {  	s16 =	simm.s32 $0x1  }
0x34: {  	_ =	swait.ge [sflag:s4], $0x800;
	s16 =	simm.s32 @!p0 $0x0  }
0x35: {  	[sflag:s4] =	ssyncset.done $0x0;
	s17 =	sshll.u32 s16, $0xB  }
0x36: {  	[sflag:s4] =	ssyncadd.s32 $0xFFFFF800;
	s17 =	sor.u32 $0x40, s17  }
0x37: {  	s16 =	smul.u32 $0x2200, s16;
	v0 =	vld [tilespmem:s17+$0x30]  }
0x38: {  	v1 =	vld [tilespmem:s17+$0xFFFFFFD0]  }
0x39: {  	s16 =	sshrl.u32 s16, $0x2;
	v5 =	vld [tilespmem:s17+$0xFFFFFFE0]  }
0x3a: {  	v6 =	vld [tilespmem:s17+$0xFFFFFFF0];
	s19 =	sor.u32 $0x1000, s16  }
0x3b: {  	s31 =	sand.u32 $0x1, s13;
	v4 =	vld [tilespmem:s17+$0x0];
	s18 =	sadd.s32 $0x0, s19  }
0x3c: {  	v3 =	vld [tilespmem:s17+$0x10];
	s16 =	smul.u32 $0x2200, s31;
	[tilespmem:s18+$0x770 ss:$0x11] =	vst.msk $0xffff, v0  }
0x3d: {  	v2 =	vld [tilespmem:s17+$0x20];
	[tilespmem:s18+$0x110 ss:$0x11] =	vst.msk $0xffff, v1  }
0x3e: {  	s16 =	sshrl.u32 s16, $0x2;
	v1 =	vld [tilespmem:s17+$0xFFFFFFC0];
	[tilespmem:s18+$0x220 ss:$0x11] =	vst.msk $0xffff, v5;
	s17 =	sadd.s32 $0x80, s17  }
0x3f: {  	s20 =	simm.s32 $0x4;
	s21 =	simm.s32 $0x8;
	s16 =	sor.u32 $0x1000, s16;
	[tilespmem:s18+$0x330 ss:$0x11] =	vst.msk $0xffff, v6;
	v0 =	vld [tilespmem:s17+$0x30]  }
.LBB1_3:
0x40: {  	p1 =	sne.s32 s21, $0x3C;
	v5 =	vld [tilespmem:s17+$0xFFFFFFD0];
	[tilespmem:s18+$0x440 ss:$0x11] =	vst.msk $0xffff, v4  }
0x41: {  	v6 =	vld [tilespmem:s17+$0xFFFFFFE0];
	[tilespmem:s18+$0x550 ss:$0x11] =	vst.msk $0xffff, v3  }
0x42: {  	s22 =	sshra.s32 s20, $0x2;
	s20 =	smov.u32 s21;
	v7 =	vld [tilespmem:s17+$0xFFFFFFF0];
	[tilespmem:s18+$0x660 ss:$0x11] =	vst.msk $0xffff, v2  }
.Ltmp3:
0x43: {  	v4 =	vld [tilespmem:s17+$0x0];
	[tilespmem:s18+$0x0 ss:$0x11] =	vst.msk $0xffff, v1;
	s18 =	sadd.s32 s22, s19;
	(pc) =	sbr.rel @p1 .LBB1_3-.Ltmp3, $4  }
0x44: {  	v3 =	vld [tilespmem:s17+$0x10];
	[tilespmem:s18+$0x770 ss:$0x11] =	vst.msk $0xffff, v0  }
0x45: {  	[tilespmem:s18+$0x110 ss:$0x11] =	vst.msk $0xffff, v5;
	v2 =	vld [tilespmem:s17+$0x20]  }
0x46: {  	v1 =	vld [tilespmem:s17+$0xFFFFFFC0];
	[tilespmem:s18+$0x220 ss:$0x11] =	vst.msk $0xffff, v6;
	s17 =	sadd.s32 $0x80, s17  }
0x47: {  	s21 =	sadd.s32 $0x4, s21;
	v0 =	vld [tilespmem:s17+$0x30];
	[tilespmem:s18+$0x330 ss:$0x11] =	vst.msk $0xffff, v7  }
0x48: {  	s21 =	sshll.u32 s9, $0x7;
	s22 =	sshll.u32 s10, $0x3;
	s20 =	sshra.s32 s20, $0x2  }
0x49: {  	p1 =	sgt.s32 s9, $0xF41C0;
	s30 =	sshra.s32 s9, $0x1F;
	s25 =	sshra.s32 s10, $0x1F  }
0x4a: {  	v5 =	vld [tilespmem:s17+$0xFFFFFFD0];
	s28 =	sshrl.u32 s10, $0x3;
	s23 =	sand.u32 $0xFFFFFC00, s21;
	s22 =	sand.u32 $0xFFFFFC00, s22  }
0x4b: {  	[tilespmem:s18+$0x440 ss:$0x11] =	vst.msk $0xffff, v4;
	v58 =	vld [tilespmem:s17+$0xFFFFFFE0];
	s21 =	sand.u32 $0x380, s21;
	s19 =	sadd.s32 s20, s19;
	s22 =	sadd.s32 s22, s23  }
0x4c: {  	v59 =	vld [tilespmem:s17+$0xFFFFFFF0];
	[tilespmem:s18+$0x550 ss:$0x11] =	vst.msk $0xffff, v3;
	s29 =	sor.u32 s21, s22;
	s21 =	smov.u32 s9;
	s22 =	sand.u32 s30, s9  }
0x4d: {  	v60 =	vld [tilespmem:s17+$0x0];
	[tilespmem:s18+$0x660 ss:$0x11] =	vst.msk $0xffff, v2;
	s30 =	sand.u32 $0x7, s10;
	s20 =	sshrl.u32 s29, $0x7;
	s21 =	simm.s32 @!p1 $0xF41C0  }
0x4e: {  	v61 =	vld [tilespmem:s17+$0x10];
	[tilespmem:s18+$0x0 ss:$0x11] =	vst.msk $0xffff, v1;
	p1 =	sgt.s32 s10, $0x70;
	s24 =	ssub.s32 s21, s22;
	s21 =	smov.u32 s10  }
0x4f: {  	v62 =	vld [tilespmem:s17+$0x20];
	[tilespmem:s19+$0x770 ss:$0x11] =	vst.msk $0xffff, v0;
	s31 =	smulhi.u32 $0x218DEF5, s20;
	s22 =	sand.u32 s25, s10;
	s21 =	simm.s32 @!p1 $0x70  }
0x50: {  	v63 =	vld [tilespmem:s17+$0xFFFFFFC0];
	[tilespmem:s19+$0x110 ss:$0x11] =	vst.msk $0xffff, v5;
	s26 =	sadd.s32 $0xFFF0BE40, s24;
	s17 =	ssub.s32 $0xF4240, s24;
	s21 =	ssub.s32 s21, s22  }
0x51: {  	[tilespmem:s19+$0x220 ss:$0x11] =	vst.msk $0xffff, v58;
	s23 =	sshrl.u32 s31, $0xD;
	p1 =	sgt.s32 s26, $0x7F;
	s27 =	sadd.s32 $0xFFFFFF90, s21  }
0x52: {  	[tilespmem:s19+$0x330 ss:$0x11] =	vst.msk $0xffff, v59;
	s23 =	smul.u32 $0xF4240, s23;
	s18 =	ssub.s32 $0x80, s21;
	p2 =	sgt.s32 s27, $0xF  }
.Ltmp4:
0x53: {  	[tilespmem:s19+$0x440 ss:$0x11] =	vst.msk $0xffff, v60;
	s17 =	simm.s32 @p1 $0x0;
	s18 =	simm.s32 @p2 $0x0;
	(pc) =	sbr.rel .LBB1_5-.Ltmp4, $4  }
0x54: {  	s29 =	sand.u32 $0xF, s28;
	[tilespmem:s19+$0x550 ss:$0x11] =	vst.msk $0xffff, v61;
	s20 =	ssub.s32 s20, s23;
	s17 =	smul.u32 s18, s17  }
0x55: {  	[tilespmem:s19+$0x660 ss:$0x11] =	vst.msk $0xffff, v62;
	s21 =	sshll.u32 s30, $0x12;
	s20 =	sshll.u32 s20, $0x4;
	s18 =	sadd.s32 s5, s29  }
0x56: {  	[tilespmem:s19+$0x0 ss:$0x11] =	vst.msk $0xffff, v63;
	s31 =	sor.u32 $0x10, s21;
	s18 =	sadd.s32 s20, s18;
	s17 =	sand.u32 $0x3FFFFFFF, s17  }
0x57: {  	[hbm4b:s18+s31] =	stream.strided.scatter [tilespmem:s16], [sflag:$0x2], s17, s8, s31, $0x8;
	[tilespmem:$0x2100] =	vst v63  }
.LBB1_6:
0x58: {  	_ =	sfence.sel $0x180000  }
0x59: {  	s2 =	simm.s32 $0x1;
	[bflag:$0x0] =	sbarrier.arrive $0xFFFF  }
0x5a: {  	s31 =	simm.s32 $0x2;
	[sflag:s2] =	ssyncpa.u1 $0x1  }
0x5b: {  	[sflag:s31] =	ssyncpa.u1 $0x1  }
0x5c: {  	p0 =	sne.s32 s1, $0x0;
	_ =	strace $0x90000047  }
0x5d: {  	s0 =	sadd.s32 @!p0 $0x100000, s0;
	[bflag:$0x2] =	sbarrier.arrive $0xFFFF  }
0x5e: {  	[sflag:s0] =	ssyncadd.tile.s32 @!p0 $0x1;
	_ =	shalt  }
.Lfunc_end1:
_tile_overlayer_lowered:
.L_overlay_start_2:
0x5f: {  	(tag) =	ssettag $0x2  }
0x60: {  	s0 =	rddreg [dreg:$0x0];
	s2 =	stileid.u32  }
0x61: {  	s1 =	rddreg [dreg:$0x1];
	p0 =	sne.s32 s2, $0x0  }
0x62: {  	s3 =	rddreg [dreg:$0x2];
	[bflag:$0x3] =	sbarrier.arrive $0xFFFF;
	s2 =	simm.s32 @!p0 $0x1C01  }
0x63: {  	[timem:s3], [sflag:s2] =	dma.local @!p0 [hbm:s0], s1  }
0x64: {  	s0 =	simm.s32 @!p0 $0x1  }
0x65: {  	_ =	swait.ge @!p0 [sflag:s0], s1  }
0x66: {  	s1 =	ssub.s32 @!p0 $0x0, s1;
	[sflag:s0] =	ssyncset.done @!p0 $0x0  }
0x67: {  	[sflag:s0] =	ssyncadd.s32 @!p0 s1  }
0x68: {  	[bflag:$0x3] =	sbarrier.arrive $0xFFFF  }
0x69: {  	_ =	shalt  }

// kernel: sparse-core-data-format-call.cloned.1.call-start
scs
called_computation_lowered:
.L_overlay_start_0:
0x0: {  	s1 =	sld [smem:$0x3FD9]  }
0x1: {  	s2 =	sld [smem:$0x3FFE];
	_ =	sdelay $0x1  }
0x2: {  	s3 =	srdreg.scid  }
0x3: {  	s0 =	sand.u32 $0x1, s3  }
0x4: {  	s17 =	sshll.u32 s0, $0xA;
	s1 =	sadd.s32 s2, s1  }
0x5: {  	s1 =	sadd.s32 s1, s17  }
0x6: {  	[smem:$0x3FC4] =	sst s1  }
0x7: {  	_ = 	snop  }
0x8: {  	(tm) =	ssettm $0x1  }
0x9: {  	s18 =	sld [smem:$0x3FFB];
	_ =	sdelay $0x3  }
0xa: {  	_ =	strace s18  }
0xb: {  	s1 =	sld [smem:$0x3FFC];
	_ =	sdelay $0x3  }
0xc: {  	_ =	strace s1  }
0xd: {  	s1 =	sld [smem:$0x3FFD];
	_ =	sdelay $0x3  }
0xe: {  	_ =	strace s1  }
0xf: {  	_ =	strace $0x8FFFFFFF  }
0x10: {  	s19 =	sld [smem:$0x3FDB];
	_ =	sdelay $0x1  }
0x11: {  	s20 =	simm.s32 $_scs_section_size  }
0x12: {  	s4 =	simm.s32 $_size__tile_overlayer_lowered;
	s5 =	simm.s32 $_tile_overlayer_lowered  }
0x13: {  	s23 =	simm.s32 $0x1BFF;
	s22 =	sshll.u32 s5, $0x1;
	s1 =	sadd.s32 s20, s19  }
0x14: {  	s6 =	simm.s32 $0x0;
	s21 =	sshll.u32 s4, $0x1;
	s4 =	sadd.s32 s22, s1  }
0x15: {  	[timem:s6], [sflag:s23] =	dma.local [hbm:s4], s21  }
0x16: {  	_ =	swait.ge [sflag:s23], s21  }
0x17: {  	s2 =	ssub.s32 $0x0, s21;
	[sflag:s23] =	ssyncset.done $0x0  }
0x18: {  	[sflag:s23] =	ssyncadd.s32 s2;
	_ =	sdelay $0x1  }
0x19: {  	s24 =	simm.s32 $0x1B8B  }
0x1a: {  	_ =	swait.ge [sflag:s24], $0x1  }
0x1b: {  	[sflag:s24] =	ssyncset.done $0x0  }
0x1c: {  	s26 =	simm.s32 $0x1B8E;
	s25 =	sld [smem:$0x3FFE];
	[sflag:s24] =	ssyncadd.s32 $0xFFFFFFFF  }
0x1d: {  	s27 =	simm.s32 $execute0_lowered;
	[smem:$0x3FD2] =	sst s26  }
0x1e: {  	s4 =	sshll.u32 s27, $0x1;
	_ =	strace $0x80000049;
	[dreg:$0x1] =	wrdreg $0xFFFFFFFF  }
0x1f: {  	s28 =	simm.s32 $_size_execute0_lowered;
	s1 =	sadd.s32 s1, s4;
	[dreg:$0x0] =	wrdreg $0x0  }
0x20: {  	s4 =	sshll.u32 s28, $0x1;
	[dreg:$0x2] =	wrdreg s1  }
0x21: {  	[dreg:$0x3] =	wrdreg s4  }
0x22: {  	[dreg:$0x4] =	wrdreg $0xC0  }
0x23: {  	_ =	task [dreg:s6], $0x5FFFF  }
0x24: {  	[dreg:$0x1] =	wrdreg $0xFFFFFFFF  }
0x25: {  	[dreg:$0x0] =	wrdreg $0x60  }
0x26: {  	[dreg:$0x2] =	wrdreg s25  }
0x27: {  	[dreg:$0x3] =	wrdreg $0x9  }
0x28: {  	_ =	task.clear_ibuf [dreg:s6], $0x4FFFF;
	_ =	strace $0x90000049  }
0x29: {  	s29 =	simm.s32 $0x9;
	_ =	strace $0x8000004B  }
0x2a: {  	_ =	swait.ge [sflag:s29], $0x1  }
0x2b: {  	[sflag:s29] =	ssyncadd.s32 $0xFFFFFFFF  }
0x2c: {  	_ =	strace $0x9000004B  }
0x2d: {  	_ =	sfence  }
0x2e: {  	s30 =	sld [smem:$0x0];
	_ =	sdelay $0x2  }
0x2f: {  	s31 =	sshll.u32 s3, $0xD;
	s3 =	sshrl.u32 s3, $0x2  }
0x30: {  	s2 =	sand.u32 $0x4000, s31;
	s1 =	sadd.s32 s3, s30  }
0x31: {  	s0 =	sor.u32 s2, s0;
	s1 =	sshll.u32 s1, $0x11  }
0x32: {  	s0 =	sor.u32 s1, s0  }
0x33: {  	s0 =	sadd.s32 $0x8F2B, s0  }
0x34: {  	[sflag:s0] =	ssyncadd.remote.s32 $0x1  }
0x35: {  	_ =	sfence.sel $0xFFFF  }
0x36: {  	[dreg:$0x0] =	wrdreg $0xFFFFFFFF;
	(pc) =	sbr.abs _section_cstart, $3  }
0x37: {  	[dreg:$0x1] =	wrdreg $0xFFFFFFFF  }
0x38: {  	_ =	task.clear_ibuf [dreg:s6], $0x2FFFF;
	_ =	strace $0x9FFFFFFF  }
0x39: {  	(tm) =	ssettm $0x7FFFFFFF  }
tec
execute0_lowered:
.L_overlay_start_1:
0x0: {  	(tag) =	ssettag $0x1  }
0x1: {  	s0 =	srdreg.scid  }
0x2: {  	s4 =	rddreg [dreg:$0x0];
	s1 =	stileid.u32  }
0x3: {  	s5 =	simm.s32 $0x1;
	s7 =	simm.s32 $0x2;
	s0 =	sshll.u32 s0, $0x4  }
0x4: {  	s11 =	simm.s32 $0x0;
	p0 =	por $0x0, $0x0;
	s2 =	sand.u32 $0x10, s0  }
.Ltmp0:
0x5: {  	s8 =	simm.s32 $0xF4400;
	s3 =	sor.u32 s1, s2;
	(pc) =	sbr.rel .LBB1_1-.Ltmp0, $4  }
0x6: {  	s10 =	simm.s32 $0x0;
	s0 =	rddreg [dreg:$0x1];
	s3 =	sshll.u32 s3, $0x7  }
0x7: {  	_ =	strace $0x8000004A;
	s2 =	sadd.s32 $0x1400, s4;
	s6 =	ssub.s32 $0x1E800, s3  }
0x8: {  	s4 =	sadd.s32 $0xF43800, s4;
	[sflag:s5] =	ssyncpa.u1 $0x0;
	s6 =	sshrl.u32 s6, $0xC  }
0x9: {  	[sflag:s7] =	ssyncpa.u1 $0x0;
	s9 =	smov.u32 s3;
	s7 =	sadd.s32 $0x2, s6  }
.LBB1_5:
0xa: {  	s13 =	sadd.s32 $0x1000, s9  }
0xb: {  	p2 =	sgt.s32 s13, $0x1E847  }
0xc: {  	s13 =	smov.u32 @p2 s3;
	p2 =	sne.s32 s10, s7  }
.Ltmp1:
0xd: {  	p1 =	slt.u32 s10, $0x2;
	(pc) =	sbr.rel @!p2 .LBB1_6-.Ltmp1, $4  }
0xe: {  	s12 =	simm.s32 @!p1 $0x2  }
0xf: {  	s14 =	sadd.s32 $0x1, s10;
	_ =	swait.ge @!p1 [sflag:s12], $0x4000  }
0x10: {  	s11 =	smov.u32 s9;
	p0 =	por !p0, !p0;
	[sflag:s12] =	ssyncset.done @!p1 $0x0  }
0x11: {  	s10 =	smov.u32 s14;
	s9 =	smov.u32 s13;
	[sflag:s12] =	ssyncadd.s32 @!p1 $0xFFFFC000  }
.LBB1_1:
0x12: {  	p1 =	sgt.u32 s10, s6  }
0x13: {  	p2 =	sgt.s32 @!p1 s9, $0x1E7C8  }
0x14: {  	s12 =	smov.u32 s9;
	s13 =	sshra.s32 @!p1 s9, $0x1F;
	p2 =	por !p2, p1  }
0x15: {  	s13 =	sand.u32 @!p1 s13, s9;
	s12 =	simm.s32 @p2 $0x1E7C8  }
0x16: {  	s12 =	ssub.s32 @!p1 s12, s13  }
0x17: {  	s14 =	sxor.u32 @!p1 $0xFFFFFFFF, s10;
	s12 =	sadd.s32 @!p1 $0xFFFE1838, s12  }
0x18: {  	s15 =	simm.s32 @!p1 $0x10;
	s16 =	simm.s32 @!p1 $0x80;
	s13 =	sshll.u32 @!p1 s12, $0x9  }
0x19: {  	p2 =	sgt.s32 @!p1 s12, $0x7F;
	s12 =	ssub.s32 @!p1 $0x10000, s13;
	s13 =	sshll.u32 @!p1 s14, $0xE  }
0x1a: {  	p2 =	por !p2, p1;
	s14 =	sshll.u32 @!p1 s9, $0x7;
	s12 =	sshrl.u32 @!p1 s12, $0x2  }
0x1b: {  	s13 =	sand.u32 @!p1 $0x4000, s13;
	s14 =	sadd.s32 @!p1 s2, s14;
	s12 =	simm.s32 @!p2 $0x0  }
0x1c: {  	[tilespmem:s13], [sflag:$0x1] =	stream.strided.gather @!p1 [hbm4b:s14+s15], s12, s16, s15, $0x38;
	[tilespmem:$0x10100] =	vst v63  }
0x1d: {  	p1 =	seq.s32 s10, $0x0  }
0x1e: {  	p2 =	sge.u32 @!p1 s10, s7  }
0x1f: {  	p1 =	por p1, p2  }
.Ltmp2:
0x20: {  	_ = 	snop;
	(pc) =	sbr.rel @p1 .LBB1_5-.Ltmp2, $1  }
0x21: {  	_ =	sdelay $0x3  }
0x22: {  	p1 =	sgt.s32 s11, $0x1E7C8;
	s12 =	smov.u32 s11;
	s13 =	sshra.s32 s11, $0x1F  }
0x23: {  	s12 =	simm.s32 @!p1 $0x1E7C8;
	s13 =	sand.u32 s13, s11  }
0x24: {  	s12 =	ssub.s32 s12, s13  }
0x25: {  	s12 =	sadd.s32 $0xFFFE1838, s12  }
0x26: {  	s29 =	sshll.u32 s12, $0x9  }
0x27: {  	s13 =	ssub.s32 $0x10000, s29  }
0x28: {  	p1 =	sgt.s32 s12, $0x7F;
	s12 =	sshrl.u32 s13, $0x2  }
0x29: {  	s13 =	simm.s32 $0x1;
	s12 =	simm.s32 @p1 $0x0  }
0x2a: {  	s13 =	simm.s32 @!p0 $0x0;
	_ =	swait.ge [sflag:s5], s12  }
0x2b: {  	s14 =	sshll.u32 s13, $0xE;
	s12 =	ssub.s32 $0x0, s12;
	[sflag:s5] =	ssyncset.done $0x0  }
0x2c: {  	s15 =	sor.u32 $0x40, s14;
	[sflag:s5] =	ssyncadd.s32 s12  }
0x2d: {  	s30 =	smul.u32 $0x10200, s13;
	v0 =	vld [tilespmem:s15+$0x30]  }
0x2e: {  	v1 =	vld [tilespmem:s15+$0xFFFFFFD0]  }
0x2f: {  	s12 =	sshrl.u32 s30, $0x2;
	v5 =	vld [tilespmem:s15+$0xFFFFFFE0]  }
0x30: {  	s13 =	sor.u32 $0x8000, s12;
	v6 =	vld [tilespmem:s15+$0xFFFFFFF0]  }
0x31: {  	s31 =	sand.u32 $0x1, s10;
	v3 =	vld [tilespmem:s15+$0x0];
	s14 =	sadd.s32 $0x0, s13  }
0x32: {  	s12 =	smul.u32 $0x10200, s31;
	v4 =	vld [tilespmem:s15+$0x10];
	[tilespmem:s14+$0x3870 ss:$0x81] =	vst.msk $0xffff, v0  }
0x33: {  	v2 =	vld [tilespmem:s15+$0x20];
	[tilespmem:s14+$0x810 ss:$0x81] =	vst.msk $0xffff, v1  }
0x34: {  	s12 =	sshrl.u32 s12, $0x2;
	v0 =	vld [tilespmem:s15+$0xFFFFFFC0];
	[tilespmem:s14+$0x1020 ss:$0x81] =	vst.msk $0xffff, v5;
	s15 =	sadd.s32 $0x80, s15  }
0x35: {  	s16 =	simm.s32 $0x4;
	s17 =	simm.s32 $0x8;
	s12 =	sor.u32 $0x8000, s12;
	[tilespmem:s14+$0x1830 ss:$0x81] =	vst.msk $0xffff, v6;
	v1 =	vld [tilespmem:s15+$0x30]  }
.LBB1_3:
0x36: {  	p1 =	sne.s32 s17, $0x1FC;
	v5 =	vld [tilespmem:s15+$0xFFFFFFD0];
	[tilespmem:s14+$0x2040 ss:$0x81] =	vst.msk $0xffff, v3  }
0x37: {  	v6 =	vld [tilespmem:s15+$0xFFFFFFE0];
	[tilespmem:s14+$0x2850 ss:$0x81] =	vst.msk $0xffff, v4  }
0x38: {  	s18 =	sshra.s32 s16, $0x2;
	s16 =	smov.u32 s17;
	v7 =	vld [tilespmem:s15+$0xFFFFFFF0];
	[tilespmem:s14+$0x3060 ss:$0x81] =	vst.msk $0xffff, v2  }
.Ltmp3:
0x39: {  	v3 =	vld [tilespmem:s15+$0x0];
	[tilespmem:s14+$0x0 ss:$0x81] =	vst.msk $0xffff, v0;
	s14 =	sadd.s32 s18, s13;
	(pc) =	sbr.rel @p1 .LBB1_3-.Ltmp3, $4  }
0x3a: {  	v4 =	vld [tilespmem:s15+$0x10];
	[tilespmem:s14+$0x3870 ss:$0x81] =	vst.msk $0xffff, v1  }
0x3b: {  	[tilespmem:s14+$0x810 ss:$0x81] =	vst.msk $0xffff, v5;
	v2 =	vld [tilespmem:s15+$0x20]  }
0x3c: {  	v0 =	vld [tilespmem:s15+$0xFFFFFFC0];
	[tilespmem:s14+$0x1020 ss:$0x81] =	vst.msk $0xffff, v6;
	s15 =	sadd.s32 $0x80, s15  }
0x3d: {  	s17 =	sadd.s32 $0x4, s17;
	v1 =	vld [tilespmem:s15+$0x30];
	[tilespmem:s14+$0x1830 ss:$0x81] =	vst.msk $0xffff, v7  }
0x3e: {  	v5 =	vld [tilespmem:s15+$0xFFFFFFD0];
	[tilespmem:s14+$0x2040 ss:$0x81] =	vst.msk $0xffff, v3;
	s17 =	sshll.u32 s11, $0x3  }
0x3f: {  	v58 =	vld [tilespmem:s15+$0xFFFFFFE0];
	[tilespmem:s14+$0x2850 ss:$0x81] =	vst.msk $0xffff, v4;
	s17 =	sand.u32 $0xFFFFFC00, s17  }
0x40: {  	s16 =	sshra.s32 s16, $0x2;
	v59 =	vld [tilespmem:s15+$0xFFFFFFF0];
	[tilespmem:s14+$0x3060 ss:$0x81] =	vst.msk $0xffff, v2;
	s18 =	sshrl.u32 s17, $0x7  }
0x41: {  	v60 =	vld [tilespmem:s15+$0x0];
	s13 =	sadd.s32 s16, s13;
	[tilespmem:s14+$0x0 ss:$0x81] =	vst.msk $0xffff, v0;
	s28 =	smulhi.u32 $0x218A169, s18  }
0x42: {  	v61 =	vld [tilespmem:s15+$0x10];
	[tilespmem:s13+$0x3870 ss:$0x81] =	vst.msk $0xffff, v1  }
0x43: {  	v62 =	vld [tilespmem:s15+$0x20];
	[tilespmem:s13+$0x810 ss:$0x81] =	vst.msk $0xffff, v5;
	s14 =	sshrl.u32 s28, $0x3  }
0x44: {  	v63 =	vld [tilespmem:s15+$0xFFFFFFC0];
	s29 =	sand.u32 $0x7F, s11;
	[tilespmem:s13+$0x1020 ss:$0x81] =	vst.msk $0xffff, v58;
	s30 =	smul.u32 $0x1E880, s14  }
0x45: {  	s11 =	sor.u32 s29, s17;
	[tilespmem:s13+$0x1830 ss:$0x81] =	vst.msk $0xffff, v59  }
.Ltmp4:
0x46: {  	[tilespmem:s13+$0x2040 ss:$0x81] =	vst.msk $0xffff, v60;
	s14 =	sand.u32 $0xF, s14;
	s11 =	ssub.s32 s11, s30;
	(pc) =	sbr.rel .LBB1_5-.Ltmp4, $4  }
0x47: {  	[tilespmem:s13+$0x2850 ss:$0x81] =	vst.msk $0xffff, v61;
	s14 =	smul.u32 $0x3D10, s14;
	s15 =	sshrl.u32 s11, $0x3;
	s11 =	sand.u32 $0x7, s11  }
0x48: {  	[tilespmem:s13+$0x3060 ss:$0x81] =	vst.msk $0xffff, v62;
	s15 =	sadd.s32 s4, s15;
	s11 =	sshll.u32 s11, $0x12  }
0x49: {  	[tilespmem:s13+$0x0 ss:$0x81] =	vst.msk $0xffff, v63;
	s31 =	sadd.s32 s14, s15;
	s11 =	sor.u32 $0x400, s11  }
0x4a: {  	[hbm4b:s31+s11] =	stream.strided.scatter [tilespmem:s12], [sflag:$0x2], $0x4000, s8, s11, $0x20;
	[tilespmem:$0x10100] =	vst v63  }
.LBB1_6:
0x4b: {  	_ =	sfence.sel $0x180000  }
0x4c: {  	s2 =	simm.s32 $0x1;
	[bflag:$0x0] =	sbarrier.arrive $0xFFFF  }
0x4d: {  	s31 =	simm.s32 $0x2;
	[sflag:s2] =	ssyncpa.u1 $0x1  }
0x4e: {  	[sflag:s31] =	ssyncpa.u1 $0x1  }
0x4f: {  	p0 =	sne.s32 s1, $0x0;
	_ =	strace $0x9000004A  }
0x50: {  	s0 =	sadd.s32 @!p0 $0x100000, s0;
	[bflag:$0x2] =	sbarrier.arrive $0xFFFF  }
0x51: {  	[sflag:s0] =	ssyncadd.tile.s32 @!p0 $0x1;
	_ =	shalt  }
.Lfunc_end1:
_tile_overlayer_lowered:
.L_overlay_start_2:
0x52: {  	(tag) =	ssettag $0x2  }
0x53: {  	s0 =	rddreg [dreg:$0x0];
	s2 =	stileid.u32  }
0x54: {  	s1 =	rddreg [dreg:$0x1];
	p0 =	sne.s32 s2, $0x0  }
0x55: {  	s3 =	rddreg [dreg:$0x2];
	[bflag:$0x3] =	sbarrier.arrive $0xFFFF;
	s2 =	simm.s32 @!p0 $0x1C01  }
0x56: {  	[timem:s3], [sflag:s2] =	dma.local @!p0 [hbm:s0], s1  }
0x57: {  	s0 =	simm.s32 @!p0 $0x1  }
0x58: {  	_ =	swait.ge @!p0 [sflag:s0], s1  }
0x59: {  	s1 =	ssub.s32 @!p0 $0x0, s1;
	[sflag:s0] =	ssyncset.done @!p0 $0x0  }
0x5a: {  	[sflag:s0] =	ssyncadd.s32 @!p0 s1  }
0x5b: {  	[bflag:$0x3] =	sbarrier.arrive $0xFFFF  }
0x5c: {  	_ =	shalt  }

</sc_bundles>
